<compile_context>
chip_gen: v7x
topology: tpu7x:2x2x1
jax: 0.10.2.dev20260603
libtpu: 0.0.44.dev20260713+nightly
codegen_flags: <defaults>
</compile_context>

<pallas_src>
import functools

import jax
import jax.numpy as jnp
from jax import lax
from jax.experimental import pallas as pl
from jax.experimental.pallas import tpu as pltpu
from jax.experimental.pallas import tpu_sc as plsc

N_NODES = 10000
N_PAD = 10240
DIM = 128
NUM_EDGES = 320000

NC, NS = 2, 16
NW = NC * NS
EDGES_PER_W = NUM_EDGES // NW
CHUNK = 128
NCHUNK = EDGES_PER_W // CHUNK
TAIL = EDGES_PER_W - NCHUNK * CHUNK
ROWS_PER_SUB = N_PAD // NS

@functools.cache
def _make_segment_sum_sc():
    mesh = plsc.VectorSubcoreMesh(core_axis_name="c", subcore_axis_name="s",
                                  num_cores=NC, num_subcores=NS)

    @functools.partial(
        pl.kernel,
        out_type=jax.ShapeDtypeStruct((NC, N_PAD, DIM), jnp.float32),
        mesh=mesh,
        scratch_types=[
            pltpu.VMEM((3, CHUNK), jnp.int32),
            pltpu.VMEM((3, CHUNK), jnp.int32),
            pltpu.VMEM((2, CHUNK, DIM), jnp.float32),
            pltpu.VMEM((TAIL,), jnp.int32),
            pltpu.VMEM((TAIL,), jnp.int32),
            pltpu.VMEM((TAIL, DIM), jnp.float32),
            pltpu.VMEM_SHARED((N_PAD, DIM), jnp.float32),
            pltpu.SemaphoreType.DMA,
            pltpu.SemaphoreType.DMA,
            pltpu.SemaphoreType.DMA,
            pltpu.SemaphoreType.DMA,
            pltpu.SemaphoreType.DMA,
            pltpu.SemaphoreType.DMA,
            pltpu.SemaphoreType.DMA,
            pltpu.SemaphoreType.DMA,
        ],
    )
    def seg_sum(src_hbm, dst_hbm, table_hbm, zeros_hbm, out_hbm,
                src_v, dst_v, rows_v, src_t, dst_t, rows_t, acc_sh,
                semi0, semi1, semi2, semg0, semg1, sems0, sems1, semz):
        cid = lax.axis_index("c")
        sid = lax.axis_index("s")
        wid = sid * NC + cid
        row0 = sid * ROWS_PER_SUB
        sem_i = (semi0, semi1, semi2)
        sem_g = (semg0, semg1)
        sem_s = (sems0, sems1)
        ebase = wid * EDGES_PER_W

        def idx_fetch(ci, s, sem):
            pltpu.async_copy(src_hbm.at[pl.ds(ebase + ci * CHUNK, CHUNK)],
                             src_v.at[s], sem)
            pltpu.async_copy(dst_hbm.at[pl.ds(ebase + ci * CHUNK, CHUNK)],
                             dst_v.at[s], sem)

        def idx_wait(s, sem):
            pltpu.make_async_copy(src_hbm.at[pl.ds(0, CHUNK)],
                                  src_v.at[s], sem).wait()
            pltpu.make_async_copy(dst_hbm.at[pl.ds(0, CHUNK)],
                                  dst_v.at[s], sem).wait()

        def gather(b, s, sem):
            pltpu.async_copy(table_hbm.at[src_v.at[s]], rows_v.at[b], sem)

        def gather_wait(b, s, sem):
            pltpu.make_async_copy(table_hbm.at[src_v.at[s]],
                                  rows_v.at[b], sem).wait()

        def scatter(b, s, sem):
            pltpu.async_copy(rows_v.at[b], acc_sh.at[dst_v.at[s]], sem,
                             add=True)

        def scatter_wait(b, s, sem):
            pltpu.make_async_copy(rows_v.at[b], acc_sh.at[dst_v.at[s]],
                                  sem).wait()

        zcp = pltpu.async_copy(zeros_hbm.at[pl.ds(row0, ROWS_PER_SUB)],
                               acc_sh.at[pl.ds(row0, ROWS_PER_SUB)], semz)

        idx_fetch(0, 0, sem_i[0])
        idx_wait(0, sem_i[0])
        gather(0, 0, sem_g[0])
        idx_fetch(1, 1, sem_i[1])
        zcp.wait()
        plsc.subcore_barrier()

        def body(i, carry):
            for k in range(6):
                ci = i * 6 + k
                b, nb = k % 2, (k + 1) % 2
                s, ns, ps = k % 3, (k + 1) % 3, (k + 2) % 3

                @pl.when(ci + 1 < NCHUNK)
                def _():
                    idx_wait(ns, sem_i[ns])

                @pl.when(ci >= 1)
                def _():
                    scatter_wait(nb, ps, sem_s[nb])

                @pl.when(ci + 1 < NCHUNK)
                def _():
                    gather(nb, ns, sem_g[nb])

                gather_wait(b, s, sem_g[b])
                scatter(b, s, sem_s[b])

                @pl.when(ci + 2 < NCHUNK)
                def _():
                    idx_fetch(ci + 2, ps, sem_i[ps])
            return carry

        lax.fori_loop(0, NCHUNK // 6, body, 0)
        scatter_wait(1, 2, sem_s[1])
        tbase = ebase + NCHUNK * CHUNK
        pltpu.sync_copy(src_hbm.at[pl.ds(tbase, TAIL)], src_t)
        pltpu.sync_copy(dst_hbm.at[pl.ds(tbase, TAIL)], dst_t)
        pltpu.async_copy(table_hbm.at[src_t], rows_t, sem_g[0]).wait()
        pltpu.sync_copy(rows_t, acc_sh.at[dst_t], add=True)
        plsc.subcore_barrier()

        pltpu.sync_copy(acc_sh.at[pl.ds(row0, ROWS_PER_SUB)],
                        out_hbm.at[cid, pl.ds(row0, ROWS_PER_SUB)])

    return seg_sum


BR = 5000
GRID = N_NODES // BR


def _mm1bn_body(acc_ref, w_ref, b_ref, gamma_ref, beta_ref, h1_ref,
                h_vmem, stats_vmem):
    p = pl.program_id(0)
    i = pl.program_id(1)

    @pl.when(p == 0)
    def _():
        a = acc_ref[0] + acc_ref[1]
        h = jnp.dot(a, w_ref[...],
                    preferred_element_type=jnp.float32) + b_ref[...]
        h_vmem[pl.ds(i * BR, BR), :] = h

        @pl.when(i == 0)
        def _():
            stats_vmem[...] = jnp.zeros_like(stats_vmem)

        stats_vmem[0:1, :] += jnp.sum(h, axis=0, keepdims=True)
        stats_vmem[1:2, :] += jnp.sum(h * h, axis=0, keepdims=True)

    @pl.when(p == 1)
    def _():
        mean = stats_vmem[0:1, :] / N_NODES
        var = stats_vmem[1:2, :] / N_NODES - mean * mean
        rstd = lax.rsqrt(var + 1e-5)
        h = h_vmem[pl.ds(i * BR, BR), :]
        h1_ref[...] = jnp.maximum(
            (h - mean) * (rstd * gamma_ref[...]) + beta_ref[...], 0.0)


_mm1bn = pl.pallas_call(
    _mm1bn_body,
    grid=(2, GRID),
    in_specs=[
        pl.BlockSpec((NC, BR, DIM), lambda p, i: (0, i * (1 - p), 0)),
        pl.BlockSpec((DIM, DIM), lambda p, i: (0, 0)),
        pl.BlockSpec((1, DIM), lambda p, i: (0, 0)),
        pl.BlockSpec((1, DIM), lambda p, i: (0, 0)),
        pl.BlockSpec((1, DIM), lambda p, i: (0, 0)),
    ],
    out_specs=pl.BlockSpec((BR, DIM), lambda p, i: (i, 0)),
    out_shape=jax.ShapeDtypeStruct((N_NODES, DIM), jnp.float32),
    scratch_shapes=[
        pltpu.VMEM((N_NODES, DIM), jnp.float32),
        pltpu.VMEM((2, DIM), jnp.float32),
    ],
)


def _final_body(acc_ref, h1_ref, w2_ref, b2_ref, wfc_ref, bfc_ref, o_ref):
    a = acc_ref[0] + acc_ref[1]
    h2 = jnp.dot(a, w2_ref[...], preferred_element_type=jnp.float32) + b2_ref[...]
    hjk = jnp.maximum(h1_ref[...], h2)
    o_ref[...] = jnp.dot(hjk, wfc_ref[...],
                         preferred_element_type=jnp.float32) + bfc_ref[...]


_final = pl.pallas_call(
    _final_body,
    grid=(GRID,),
    in_specs=[
        pl.BlockSpec((NC, BR, DIM), lambda i: (0, i, 0)),
        pl.BlockSpec((BR, DIM), lambda i: (i, 0)),
        pl.BlockSpec((DIM, DIM), lambda i: (0, 0)),
        pl.BlockSpec((1, DIM), lambda i: (0, 0)),
        pl.BlockSpec((DIM, DIM), lambda i: (0, 0)),
        pl.BlockSpec((1, DIM), lambda i: (0, 0)),
    ],
    out_specs=pl.BlockSpec((BR, DIM), lambda i: (i, 0)),
    out_shape=jax.ShapeDtypeStruct((N_NODES, DIM), jnp.float32),
)


def kernel(x, edge_index, W1, b1, gamma, beta, W2, b2, Wfc, bfc):
    src = edge_index[0]
    dst = edge_index[1]
    zeros = jnp.zeros((N_PAD, DIM), jnp.float32)

    seg_sum = _make_segment_sum_sc()
    acc1 = seg_sum(src, dst, x, zeros)
    h1 = _mm1bn(acc1, W1, b1.reshape(1, DIM),
                gamma.reshape(1, DIM), beta.reshape(1, DIM))
    acc2 = seg_sum(src, dst, h1, zeros)
    out = _final(acc2, h1, W2, b2.reshape(1, DIM), Wfc, bfc.reshape(1, DIM))
    return out

# --- scband reference (transcript-rebuilt; emitter-appended) ---
"""Pipeline reference for scband-gcnwith-jk-1623497638186 (READ-ONLY COPY).

The authoritative reference and input builder live on the scoring server;
editing this copy changes nothing except your own understanding.
"""

import jax, jax.numpy as jnp
import numpy as np

N, E, D = 10000, 320000, 128

def setup_inputs(seed: int = 0) -> dict:
    key = jax.random.key(seed)
    ks = jax.random.split(key, 12)
    x = jax.random.normal(ks[0], (N, D), dtype=jnp.float32)
    edge_index = jax.random.randint(ks[1], (2, E), 0, N, dtype=jnp.int32)
    s = 1.0 / np.sqrt(D)
    W1 = jax.random.normal(ks[2], (D, D), dtype=jnp.float32) * s
    b1 = jnp.zeros((D,), dtype=jnp.float32)
    gamma = jnp.ones((D,), dtype=jnp.float32)
    beta = jnp.zeros((D,), dtype=jnp.float32)
    W2 = jax.random.normal(ks[3], (D, D), dtype=jnp.float32) * s
    b2 = jnp.zeros((D,), dtype=jnp.float32)
    Wfc = jax.random.normal(ks[4], (D, D), dtype=jnp.float32) * s
    bfc = jnp.zeros((D,), dtype=jnp.float32)
    return {"x": x, "edge_index": edge_index, "W1": W1, "b1": b1, "gamma": gamma, "beta": beta, "W2": W2, "b2": b2, "Wfc": Wfc, "bfc": bfc}

def reference(x, edge_index, W1, b1, gamma, beta, W2, b2, Wfc, bfc):
    src = edge_index[0]
    dst = edge_index[1]
    n = x.shape[0]
    # GCNConv layer 1 (normalize=False): sum-aggregate transformed source features to dst
    h = jax.ops.segment_sum((x @ W1)[src], dst, num_segments=n) + b1
    # BatchNorm1d (training-mode batch statistics)
    mean = jnp.mean(h, axis=0)
    var = jnp.var(h, axis=0)
    h = (h - mean) / jnp.sqrt(var + 1e-5) * gamma + beta
    # activation
    h1 = jax.nn.relu(h)
    # dropout is identity in eval mode
    # GCNConv layer 2
    h2 = jax.ops.segment_sum((h1 @ W2)[src], dst, num_segments=n) + b2
    # JumpingKnowledge 'max': elementwise max over layer outputs
    hjk = jnp.maximum(h1, h2)
    # final linear
    out = hjk @ Wfc + bfc
    return out

if __name__ == "__main__":
    import jax
    _d = setup_inputs()
    print(jax.jit(kernel)(*tuple(_d.values())))

</pallas_src>

<mosaic_0001>
#map = affine_map<(d0, d1) -> (0)>
#map1 = affine_map<(d0, d1) -> (0, 0)>
#map2 = affine_map<(d0, d1) -> (0, 0, 0)>
module attributes {stable_mosaic.version = 14 : i64} {
  func.func @seg_sum(%arg0: i32, %arg1: i32, %arg2: memref<320000xi32, #tpu.memory_space<hbm>>, %arg3: memref<320000xi32, #tpu.memory_space<hbm>>, %arg4: memref<10000x128xf32, #tpu.memory_space<hbm>>, %arg5: memref<10240x128xf32, #tpu.memory_space<hbm>>, %arg6: memref<2x10240x128xf32, #tpu.memory_space<hbm>>, %arg7: memref<3x128xi32, #tpu.memory_space<vmem>>, %arg8: memref<3x128xi32, #tpu.memory_space<vmem>>, %arg9: memref<2x128x128xf32, #tpu.memory_space<vmem>>, %arg10: memref<16xi32, #tpu.memory_space<vmem>>, %arg11: memref<16xi32, #tpu.memory_space<vmem>>, %arg12: memref<16x128xf32, #tpu.memory_space<vmem>>, %arg13: memref<10240x128xf32, #tpu.memory_space<vmem_shared>>, %arg14: memref<!tpu.dma_semaphore, #tpu.memory_space<semaphore_mem>>, %arg15: memref<!tpu.dma_semaphore, #tpu.memory_space<semaphore_mem>>, %arg16: memref<!tpu.dma_semaphore, #tpu.memory_space<semaphore_mem>>, %arg17: memref<!tpu.dma_semaphore, #tpu.memory_space<semaphore_mem>>, %arg18: memref<!tpu.dma_semaphore, #tpu.memory_space<semaphore_mem>>, %arg19: memref<!tpu.dma_semaphore, #tpu.memory_space<semaphore_mem>>, %arg20: memref<!tpu.dma_semaphore, #tpu.memory_space<semaphore_mem>>, %arg21: memref<!tpu.dma_semaphore, #tpu.memory_space<semaphore_mem>>) attributes {dimension_semantics = [#tpu.dimension_semantics<core_parallel>, #tpu.dimension_semantics<subcore_parallel>], iteration_bounds = array<i64: 2, 16>, scalar_prefetch = 0 : i64, scratch_operands = 15 : i64, tpu.core_type = #tpu.core_type<sc_vector_subcore>, window_params = [{transform_indices = #map}, {transform_indices = #map}, {transform_indices = #map1}, {transform_indices = #map1}, {transform_indices = #map2}]} {
    %mul3A = arith.constant 2 : i32
    %mul3A_0 = arith.muli %arg1, %mul3A : i32
    %add3A = arith.addi %mul3A_0, %arg0 : i32
    %mul3A_1 = arith.constant 640 : i32
    %mul3A_2 = arith.muli %arg1, %mul3A_1 : i32
    %mul3A_3 = arith.constant 10000 : i32
    %mul3A_4 = arith.muli %add3A, %mul3A_3 : i32
    %dma_start3A = arith.constant 0 : i32
    %dma_start3A_5 = tpu.memref_slice %arg13[%mul3A_2, %dma_start3A] : memref<10240x128xf32, #tpu.memory_space<vmem_shared>> -> memref<640x128xf32, #tpu.memory_space<vmem_shared>>
    %dma_start3A_6 = arith.constant 0 : i32
    %dma_start3A_7 = tpu.memref_slice %arg5[%mul3A_2, %dma_start3A_6] : memref<10240x128xf32, #tpu.memory_space<hbm>> -> memref<640x128xf32, #tpu.memory_space<hbm>>
    tpu.enqueue_dma source(%dma_start3A_7 : memref<640x128xf32, #tpu.memory_space<hbm>>) target(%dma_start3A_5 : memref<640x128xf32, #tpu.memory_space<vmem_shared>>) target_semaphore(%arg21 : memref<!tpu.dma_semaphore, #tpu.memory_space<semaphore_mem>>)
    %add3A_8 = arith.constant 0 : i32
    %add3A_9 = arith.addi %mul3A_4, %add3A_8 : i32
    %dma_start3A_10 = arith.constant 0 : i32
    %dma_start3A_11 = arith.constant 0 : i32
    %dma_start3A_12 = tpu.memref_slice %arg7[%dma_start3A_10, %dma_start3A_11] : memref<3x128xi32, #tpu.memory_space<vmem>> -> memref<1x128xi32, #tpu.memory_space<vmem>>
    %dma_start3A_13 = tpu.memref_squeeze %dma_start3A_12 : memref<1x128xi32, #tpu.memory_space<vmem>> -> memref<128xi32, #tpu.memory_space<vmem>>
    %dma_start3A_14 = tpu.memref_slice %arg2[%add3A_9] : memref<320000xi32, #tpu.memory_space<hbm>> -> memref<128xi32, #tpu.memory_space<hbm>>
    %dma_start3A_15 = arith.constant 0 : i32
    %dma_start3A_16 = tpu.memref_slice %arg7[%dma_start3A_10, %dma_start3A_15] : memref<3x128xi32, #tpu.memory_space<vmem>> -> memref<1x128xi32, #tpu.memory_space<vmem>>
    %dma_start3A_17 = tpu.memref_squeeze %dma_start3A_16 : memref<1x128xi32, #tpu.memory_space<vmem>> -> memref<128xi32, #tpu.memory_space<vmem>>
    %dma_start3A_18 = tpu.memref_slice %arg2[%add3A_9] : memref<320000xi32, #tpu.memory_space<hbm>> -> memref<128xi32, #tpu.memory_space<hbm>>
    tpu.enqueue_dma source(%dma_start3A_18 : memref<128xi32, #tpu.memory_space<hbm>>) target(%dma_start3A_17 : memref<128xi32, #tpu.memory_space<vmem>>) target_semaphore(%arg14 : memref<!tpu.dma_semaphore, #tpu.memory_space<semaphore_mem>>)
    %add3A_19 = arith.constant 0 : i32
    %add3A_20 = arith.addi %mul3A_4, %add3A_19 : i32
    %dma_start3A_21 = arith.constant 0 : i32
    %dma_start3A_22 = arith.constant 0 : i32
    %dma_start3A_23 = tpu.memref_slice %arg8[%dma_start3A_21, %dma_start3A_22] : memref<3x128xi32, #tpu.memory_space<vmem>> -> memref<1x128xi32, #tpu.memory_space<vmem>>
    %dma_start3A_24 = tpu.memref_squeeze %dma_start3A_23 : memref<1x128xi32, #tpu.memory_space<vmem>> -> memref<128xi32, #tpu.memory_space<vmem>>
    %dma_start3A_25 = tpu.memref_slice %arg3[%add3A_20] : memref<320000xi32, #tpu.memory_space<hbm>> -> memref<128xi32, #tpu.memory_space<hbm>>
    %dma_start3A_26 = arith.constant 0 : i32
    %dma_start3A_27 = tpu.memref_slice %arg8[%dma_start3A_21, %dma_start3A_26] : memref<3x128xi32, #tpu.memory_space<vmem>> -> memref<1x128xi32, #tpu.memory_space<vmem>>
    %dma_start3A_28 = tpu.memref_squeeze %dma_start3A_27 : memref<1x128xi32, #tpu.memory_space<vmem>> -> memref<128xi32, #tpu.memory_space<vmem>>
    %dma_start3A_29 = tpu.memref_slice %arg3[%add3A_20] : memref<320000xi32, #tpu.memory_space<hbm>> -> memref<128xi32, #tpu.memory_space<hbm>>
    tpu.enqueue_dma source(%dma_start3A_29 : memref<128xi32, #tpu.memory_space<hbm>>) target(%dma_start3A_28 : memref<128xi32, #tpu.memory_space<vmem>>) target_semaphore(%arg14 : memref<!tpu.dma_semaphore, #tpu.memory_space<semaphore_mem>>)
    %dma_wait3A = arith.constant 0 : i32
    %dma_wait3A_30 = arith.constant 0 : i32
    %dma_wait3A_31 = tpu.memref_slice %arg7[%dma_wait3A, %dma_wait3A_30] : memref<3x128xi32, #tpu.memory_space<vmem>> -> memref<1x128xi32, #tpu.memory_space<vmem>>
    %dma_wait3A_32 = tpu.memref_squeeze %dma_wait3A_31 : memref<1x128xi32, #tpu.memory_space<vmem>> -> memref<128xi32, #tpu.memory_space<vmem>>
    %dma_wait3A_33 = arith.constant 0 : i32
    %dma_wait3A_34 = tpu.memref_slice %arg2[%dma_wait3A_33] : memref<320000xi32, #tpu.memory_space<hbm>> -> memref<128xi32, #tpu.memory_space<hbm>>
    %dma_wait3A_35 = arith.constant 0 : i32
    %dma_wait3A_36 = tpu.memref_slice %arg7[%dma_wait3A, %dma_wait3A_35] : memref<3x128xi32, #tpu.memory_space<vmem>> -> memref<1x128xi32, #tpu.memory_space<vmem>>
    %dma_wait3A_37 = tpu.memref_squeeze %dma_wait3A_36 : memref<1x128xi32, #tpu.memory_space<vmem>> -> memref<128xi32, #tpu.memory_space<vmem>>
    %dma_wait3A_38 = arith.constant 0 : i32
    %dma_wait3A_39 = tpu.memref_slice %arg2[%dma_wait3A_38] : memref<320000xi32, #tpu.memory_space<hbm>> -> memref<128xi32, #tpu.memory_space<hbm>>
    tpu.wait_dma2 semaphore(%arg14 : memref<!tpu.dma_semaphore, #tpu.memory_space<semaphore_mem>>) src(%dma_wait3A_39 : memref<128xi32, #tpu.memory_space<hbm>>) dst(%dma_wait3A_37 : memref<128xi32, #tpu.memory_space<vmem>>)
    %dma_wait3A_40 = arith.constant 0 : i32
    %dma_wait3A_41 = arith.constant 0 : i32
    %dma_wait3A_42 = tpu.memref_slice %arg8[%dma_wait3A_40, %dma_wait3A_41] : memref<3x128xi32, #tpu.memory_space<vmem>> -> memref<1x128xi32, #tpu.memory_space<vmem>>
    %dma_wait3A_43 = tpu.memref_squeeze %dma_wait3A_42 : memref<1x128xi32, #tpu.memory_space<vmem>> -> memref<128xi32, #tpu.memory_space<vmem>>
    %dma_wait3A_44 = arith.constant 0 : i32
    %dma_wait3A_45 = tpu.memref_slice %arg3[%dma_wait3A_44] : memref<320000xi32, #tpu.memory_space<hbm>> -> memref<128xi32, #tpu.memory_space<hbm>>
    %dma_wait3A_46 = arith.constant 0 : i32
    %dma_wait3A_47 = tpu.memref_slice %arg8[%dma_wait3A_40, %dma_wait3A_46] : memref<3x128xi32, #tpu.memory_space<vmem>> -> memref<1x128xi32, #tpu.memory_space<vmem>>
    %dma_wait3A_48 = tpu.memref_squeeze %dma_wait3A_47 : memref<1x128xi32, #tpu.memory_space<vmem>> -> memref<128xi32, #tpu.memory_space<vmem>>
    %dma_wait3A_49 = arith.constant 0 : i32
    %dma_wait3A_50 = tpu.memref_slice %arg3[%dma_wait3A_49] : memref<320000xi32, #tpu.memory_space<hbm>> -> memref<128xi32, #tpu.memory_space<hbm>>
    tpu.wait_dma2 semaphore(%arg14 : memref<!tpu.dma_semaphore, #tpu.memory_space<semaphore_mem>>) src(%dma_wait3A_50 : memref<128xi32, #tpu.memory_space<hbm>>) dst(%dma_wait3A_48 : memref<128xi32, #tpu.memory_space<vmem>>)
    %dma_start3A_51 = arith.constant 0 : i32
    %dma_start3A_52 = arith.constant 0 : i32
    %dma_start3A_53 = arith.constant 0 : i32
    %dma_start3A_54 = arith.constant 0 : i32
    %dma_start3A_55 = tpu.memref_slice %arg9[%dma_start3A_52, %dma_start3A_53, %dma_start3A_54] : memref<2x128x128xf32, #tpu.memory_space<vmem>> -> memref<1x128x128xf32, #tpu.memory_space<vmem>>
    %dma_start3A_56 = tpu.memref_squeeze %dma_start3A_55 : memref<1x128x128xf32, #tpu.memory_space<vmem>> -> memref<128x128xf32, #tpu.memory_space<vmem>>
    %dma_start3A_57 = arith.constant 0 : i32
    %dma_start3A_58 = tpu.memref_slice %arg7[%dma_start3A_51, %dma_start3A_57] : memref<3x128xi32, #tpu.memory_space<vmem>> -> memref<1x128xi32, #tpu.memory_space<vmem>>
    %dma_start3A_59 = tpu.memref_squeeze %dma_start3A_58 : memref<1x128xi32, #tpu.memory_space<vmem>> -> memref<128xi32, #tpu.memory_space<vmem>>
    %dma_start3A_60 = arith.constant 0 : i32
    %dma_start3A_61 = arith.constant 0 : i32
    %dma_start3A_62 = tpu.memref_slice %arg4[%dma_start3A_60, %dma_start3A_61] : memref<10000x128xf32, #tpu.memory_space<hbm>> -> memref<10000x128xf32, #tpu.memory_space<hbm>>
    tpu.enqueue_indirect_dma source(%dma_start3A_62 : memref<10000x128xf32, #tpu.memory_space<hbm>>) target(%dma_start3A_56 : memref<128x128xf32, #tpu.memory_space<vmem>>) offsets(%dma_start3A_59 : memref<128xi32, #tpu.memory_space<vmem>>) semaphore(%arg17 : memref<!tpu.dma_semaphore, #tpu.memory_space<semaphore_mem>>)
    %add3A_63 = arith.constant 128 : i32
    %add3A_64 = arith.addi %mul3A_4, %add3A_63 : i32
    %dma_start3A_65 = arith.constant 1 : i32
    %dma_start3A_66 = arith.constant 0 : i32
    %dma_start3A_67 = tpu.memref_slice %arg7[%dma_start3A_65, %dma_start3A_66] : memref<3x128xi32, #tpu.memory_space<vmem>> -> memref<1x128xi32, #tpu.memory_space<vmem>>
    %dma_start3A_68 = tpu.memref_squeeze %dma_start3A_67 : memref<1x128xi32, #tpu.memory_space<vmem>> -> memref<128xi32, #tpu.memory_space<vmem>>
    %dma_start3A_69 = tpu.memref_slice %arg2[%add3A_64] : memref<320000xi32, #tpu.memory_space<hbm>> -> memref<128xi32, #tpu.memory_space<hbm>>
    %dma_start3A_70 = arith.constant 0 : i32
    %dma_start3A_71 = tpu.memref_slice %arg7[%dma_start3A_65, %dma_start3A_70] : memref<3x128xi32, #tpu.memory_space<vmem>> -> memref<1x128xi32, #tpu.memory_space<vmem>>
    %dma_start3A_72 = tpu.memref_squeeze %dma_start3A_71 : memref<1x128xi32, #tpu.memory_space<vmem>> -> memref<128xi32, #tpu.memory_space<vmem>>
    %dma_start3A_73 = tpu.memref_slice %arg2[%add3A_64] : memref<320000xi32, #tpu.memory_space<hbm>> -> memref<128xi32, #tpu.memory_space<hbm>>
    tpu.enqueue_dma source(%dma_start3A_73 : memref<128xi32, #tpu.memory_space<hbm>>) target(%dma_start3A_72 : memref<128xi32, #tpu.memory_space<vmem>>) target_semaphore(%arg15 : memref<!tpu.dma_semaphore, #tpu.memory_space<semaphore_mem>>)
    %add3A_74 = arith.constant 128 : i32
    %add3A_75 = arith.addi %mul3A_4, %add3A_74 : i32
    %dma_start3A_76 = arith.constant 1 : i32
    %dma_start3A_77 = arith.constant 0 : i32
    %dma_start3A_78 = tpu.memref_slice %arg8[%dma_start3A_76, %dma_start3A_77] : memref<3x128xi32, #tpu.memory_space<vmem>> -> memref<1x128xi32, #tpu.memory_space<vmem>>
    %dma_start3A_79 = tpu.memref_squeeze %dma_start3A_78 : memref<1x128xi32, #tpu.memory_space<vmem>> -> memref<128xi32, #tpu.memory_space<vmem>>
    %dma_start3A_80 = tpu.memref_slice %arg3[%add3A_75] : memref<320000xi32, #tpu.memory_space<hbm>> -> memref<128xi32, #tpu.memory_space<hbm>>
    %dma_start3A_81 = arith.constant 0 : i32
    %dma_start3A_82 = tpu.memref_slice %arg8[%dma_start3A_76, %dma_start3A_81] : memref<3x128xi32, #tpu.memory_space<vmem>> -> memref<1x128xi32, #tpu.memory_space<vmem>>
    %dma_start3A_83 = tpu.memref_squeeze %dma_start3A_82 : memref<1x128xi32, #tpu.memory_space<vmem>> -> memref<128xi32, #tpu.memory_space<vmem>>
    %dma_start3A_84 = tpu.memref_slice %arg3[%add3A_75] : memref<320000xi32, #tpu.memory_space<hbm>> -> memref<128xi32, #tpu.memory_space<hbm>>
    tpu.enqueue_dma source(%dma_start3A_84 : memref<128xi32, #tpu.memory_space<hbm>>) target(%dma_start3A_83 : memref<128xi32, #tpu.memory_space<vmem>>) target_semaphore(%arg15 : memref<!tpu.dma_semaphore, #tpu.memory_space<semaphore_mem>>)
    %dma_wait3A_85 = arith.constant 0 : i32
    %dma_wait3A_86 = tpu.memref_slice %arg13[%mul3A_2, %dma_wait3A_85] : memref<10240x128xf32, #tpu.memory_space<vmem_shared>> -> memref<640x128xf32, #tpu.memory_space<vmem_shared>>
    %dma_wait3A_87 = arith.constant 0 : i32
    %dma_wait3A_88 = tpu.memref_slice %arg5[%mul3A_2, %dma_wait3A_87] : memref<10240x128xf32, #tpu.memory_space<hbm>> -> memref<640x128xf32, #tpu.memory_space<hbm>>
    tpu.wait_dma2 semaphore(%arg21 : memref<!tpu.dma_semaphore, #tpu.memory_space<semaphore_mem>>) src(%dma_wait3A_88 : memref<640x128xf32, #tpu.memory_space<hbm>>) dst(%dma_wait3A_86 : memref<640x128xf32, #tpu.memory_space<vmem_shared>>)
    %barrier3A = arith.constant 0 : index
    tpu.barrier barrier_id(%barrier3A)
    %scan3A = arith.constant 0 : i32
    %scan3A_89 = arith.constant 0 : i32
    %scan3A_90 = arith.constant 13 : i32
    %scan3A_91 = arith.addi %scan3A_89, %scan3A_90 : i32
    %scan3A_92 = arith.constant 1 : i32
    scf.for %scan3A_115 = %scan3A_89 to %scan3A_91 step %scan3A_92  : i32 {
      %mul3A_116 = arith.constant 6 : i32
      %mul3A_117 = arith.muli %scan3A_115, %mul3A_116 : i32
      %add3A_118 = arith.constant 0 : i32
      %add3A_119 = arith.addi %mul3A_117, %add3A_118 : i32
      %add3A_120 = arith.constant 1 : i32
      %add3A_121 = arith.addi %add3A_119, %add3A_120 : i32
      %lt3A = arith.constant 78 : i32
      %lt3A_122 = arith.cmpi slt, %add3A_121, %lt3A : i32
      %convert_element_type3A = arith.extui %lt3A_122 : i1 to i32
      %cond3A = arith.constant 0 : i32
      %cond3A_123 = arith.cmpi ne, %convert_element_type3A, %cond3A : i32
      scf.if %cond3A_123 {
        %dma_wait3A_436 = arith.constant 1 : i32
        %dma_wait3A_437 = arith.constant 0 : i32
        %dma_wait3A_438 = tpu.memref_slice %arg7[%dma_wait3A_436, %dma_wait3A_437] : memref<3x128xi32, #tpu.memory_space<vmem>> -> memref<1x128xi32, #tpu.memory_space<vmem>>
        %dma_wait3A_439 = tpu.memref_squeeze %dma_wait3A_438 : memref<1x128xi32, #tpu.memory_space<vmem>> -> memref<128xi32, #tpu.memory_space<vmem>>
        %dma_wait3A_440 = arith.constant 0 : i32
        %dma_wait3A_441 = tpu.memref_slice %arg2[%dma_wait3A_440] : memref<320000xi32, #tpu.memory_space<hbm>> -> memref<128xi32, #tpu.memory_space<hbm>>
        %dma_wait3A_442 = arith.constant 0 : i32
        %dma_wait3A_443 = tpu.memref_slice %arg7[%dma_wait3A_436, %dma_wait3A_442] : memref<3x128xi32, #tpu.memory_space<vmem>> -> memref<1x128xi32, #tpu.memory_space<vmem>>
        %dma_wait3A_444 = tpu.memref_squeeze %dma_wait3A_443 : memref<1x128xi32, #tpu.memory_space<vmem>> -> memref<128xi32, #tpu.memory_space<vmem>>
        %dma_wait3A_445 = arith.constant 0 : i32
        %dma_wait3A_446 = tpu.memref_slice %arg2[%dma_wait3A_445] : memref<320000xi32, #tpu.memory_space<hbm>> -> memref<128xi32, #tpu.memory_space<hbm>>
        tpu.wait_dma2 semaphore(%arg15 : memref<!tpu.dma_semaphore, #tpu.memory_space<semaphore_mem>>) src(%dma_wait3A_446 : memref<128xi32, #tpu.memory_space<hbm>>) dst(%dma_wait3A_444 : memref<128xi32, #tpu.memory_space<vmem>>)
        %dma_wait3A_447 = arith.constant 1 : i32
        %dma_wait3A_448 = arith.constant 0 : i32
        %dma_wait3A_449 = tpu.memref_slice %arg8[%dma_wait3A_447, %dma_wait3A_448] : memref<3x128xi32, #tpu.memory_space<vmem>> -> memref<1x128xi32, #tpu.memory_space<vmem>>
        %dma_wait3A_450 = tpu.memref_squeeze %dma_wait3A_449 : memref<1x128xi32, #tpu.memory_space<vmem>> -> memref<128xi32, #tpu.memory_space<vmem>>
        %dma_wait3A_451 = arith.constant 0 : i32
        %dma_wait3A_452 = tpu.memref_slice %arg3[%dma_wait3A_451] : memref<320000xi32, #tpu.memory_space<hbm>> -> memref<128xi32, #tpu.memory_space<hbm>>
        %dma_wait3A_453 = arith.constant 0 : i32
        %dma_wait3A_454 = tpu.memref_slice %arg8[%dma_wait3A_447, %dma_wait3A_453] : memref<3x128xi32, #tpu.memory_space<vmem>> -> memref<1x128xi32, #tpu.memory_space<vmem>>
        %dma_wait3A_455 = tpu.memref_squeeze %dma_wait3A_454 : memref<1x128xi32, #tpu.memory_space<vmem>> -> memref<128xi32, #tpu.memory_space<vmem>>
        %dma_wait3A_456 = arith.constant 0 : i32
        %dma_wait3A_457 = tpu.memref_slice %arg3[%dma_wait3A_456] : memref<320000xi32, #tpu.memory_space<hbm>> -> memref<128xi32, #tpu.memory_space<hbm>>
        tpu.wait_dma2 semaphore(%arg15 : memref<!tpu.dma_semaphore, #tpu.memory_space<semaphore_mem>>) src(%dma_wait3A_457 : memref<128xi32, #tpu.memory_space<hbm>>) dst(%dma_wait3A_455 : memref<128xi32, #tpu.memory_space<vmem>>)
      } else {
      }
      %ge3A = arith.constant 1 : i32
      %ge3A_124 = arith.cmpi sge, %add3A_119, %ge3A : i32
      %convert_element_type3A_125 = arith.extui %ge3A_124 : i1 to i32
      %cond3A_126 = arith.constant 0 : i32
      %cond3A_127 = arith.cmpi ne, %convert_element_type3A_125, %cond3A_126 : i32
      scf.if %cond3A_127 {
        %dma_wait3A_436 = arith.constant 1 : i32
        %dma_wait3A_437 = arith.constant 2 : i32
        %dma_wait3A_438 = arith.constant 0 : i32
        %dma_wait3A_439 = arith.constant 0 : i32
        %dma_wait3A_440 = tpu.memref_slice %arg9[%dma_wait3A_436, %dma_wait3A_438, %dma_wait3A_439] : memref<2x128x128xf32, #tpu.memory_space<vmem>> -> memref<1x128x128xf32, #tpu.memory_space<vmem>>
        %dma_wait3A_441 = tpu.memref_squeeze %dma_wait3A_440 : memref<1x128x128xf32, #tpu.memory_space<vmem>> -> memref<128x128xf32, #tpu.memory_space<vmem>>
        %dma_wait3A_442 = arith.constant 0 : i32
        %dma_wait3A_443 = tpu.memref_slice %arg8[%dma_wait3A_437, %dma_wait3A_442] : memref<3x128xi32, #tpu.memory_space<vmem>> -> memref<1x128xi32, #tpu.memory_space<vmem>>
        %dma_wait3A_444 = tpu.memref_squeeze %dma_wait3A_443 : memref<1x128xi32, #tpu.memory_space<vmem>> -> memref<128xi32, #tpu.memory_space<vmem>>
        %dma_wait3A_445 = arith.constant 0 : i32
        %dma_wait3A_446 = arith.constant 0 : i32
        %dma_wait3A_447 = tpu.memref_slice %arg13[%dma_wait3A_445, %dma_wait3A_446] : memref<10240x128xf32, #tpu.memory_space<vmem_shared>> -> memref<10240x128xf32, #tpu.memory_space<vmem_shared>>
        tpu.wait_indirect_dma semaphore(%arg20 : memref<!tpu.dma_semaphore, #tpu.memory_space<semaphore_mem>>) src(%dma_wait3A_441 : memref<128x128xf32, #tpu.memory_space<vmem>>) dst(%dma_wait3A_447 : memref<10240x128xf32, #tpu.memory_space<vmem_shared>>)
      } else {
      }
      %add3A_128 = arith.constant 1 : i32
      %add3A_129 = arith.addi %add3A_119, %add3A_128 : i32
      %lt3A_130 = arith.constant 78 : i32
      %lt3A_131 = arith.cmpi slt, %add3A_129, %lt3A_130 : i32
      %convert_element_type3A_132 = arith.extui %lt3A_131 : i1 to i32
      %cond3A_133 = arith.constant 0 : i32
      %cond3A_134 = arith.cmpi ne, %convert_element_type3A_132, %cond3A_133 : i32
      scf.if %cond3A_134 {
        %dma_start3A_436 = arith.constant 1 : i32
        %dma_start3A_437 = arith.constant 1 : i32
        %dma_start3A_438 = arith.constant 0 : i32
        %dma_start3A_439 = arith.constant 0 : i32
        %dma_start3A_440 = tpu.memref_slice %arg9[%dma_start3A_437, %dma_start3A_438, %dma_start3A_439] : memref<2x128x128xf32, #tpu.memory_space<vmem>> -> memref<1x128x128xf32, #tpu.memory_space<vmem>>
        %dma_start3A_441 = tpu.memref_squeeze %dma_start3A_440 : memref<1x128x128xf32, #tpu.memory_space<vmem>> -> memref<128x128xf32, #tpu.memory_space<vmem>>
        %dma_start3A_442 = arith.constant 0 : i32
        %dma_start3A_443 = tpu.memref_slice %arg7[%dma_start3A_436, %dma_start3A_442] : memref<3x128xi32, #tpu.memory_space<vmem>> -> memref<1x128xi32, #tpu.memory_space<vmem>>
        %dma_start3A_444 = tpu.memref_squeeze %dma_start3A_443 : memref<1x128xi32, #tpu.memory_space<vmem>> -> memref<128xi32, #tpu.memory_space<vmem>>
        %dma_start3A_445 = arith.constant 0 : i32
        %dma_start3A_446 = arith.constant 0 : i32
        %dma_start3A_447 = tpu.memref_slice %arg4[%dma_start3A_445, %dma_start3A_446] : memref<10000x128xf32, #tpu.memory_space<hbm>> -> memref<10000x128xf32, #tpu.memory_space<hbm>>
        tpu.enqueue_indirect_dma source(%dma_start3A_447 : memref<10000x128xf32, #tpu.memory_space<hbm>>) target(%dma_start3A_441 : memref<128x128xf32, #tpu.memory_space<vmem>>) offsets(%dma_start3A_444 : memref<128xi32, #tpu.memory_space<vmem>>) semaphore(%arg18 : memref<!tpu.dma_semaphore, #tpu.memory_space<semaphore_mem>>)
      } else {
      }
      %dma_wait3A_135 = arith.constant 0 : i32
      %dma_wait3A_136 = arith.constant 0 : i32
      %dma_wait3A_137 = arith.constant 0 : i32
      %dma_wait3A_138 = arith.constant 0 : i32
      %dma_wait3A_139 = tpu.memref_slice %arg9[%dma_wait3A_136, %dma_wait3A_137, %dma_wait3A_138] : memref<2x128x128xf32, #tpu.memory_space<vmem>> -> memref<1x128x128xf32, #tpu.memory_space<vmem>>
      %dma_wait3A_140 = tpu.memref_squeeze %dma_wait3A_139 : memref<1x128x128xf32, #tpu.memory_space<vmem>> -> memref<128x128xf32, #tpu.memory_space<vmem>>
      %dma_wait3A_141 = arith.constant 0 : i32
      %dma_wait3A_142 = tpu.memref_slice %arg7[%dma_wait3A_135, %dma_wait3A_141] : memref<3x128xi32, #tpu.memory_space<vmem>> -> memref<1x128xi32, #tpu.memory_space<vmem>>
      %dma_wait3A_143 = tpu.memref_squeeze %dma_wait3A_142 : memref<1x128xi32, #tpu.memory_space<vmem>> -> memref<128xi32, #tpu.memory_space<vmem>>
      %dma_wait3A_144 = arith.constant 0 : i32
      %dma_wait3A_145 = arith.constant 0 : i32
      %dma_wait3A_146 = tpu.memref_slice %arg4[%dma_wait3A_144, %dma_wait3A_145] : memref<10000x128xf32, #tpu.memory_space<hbm>> -> memref<10000x128xf32, #tpu.memory_space<hbm>>
      tpu.wait_indirect_dma semaphore(%arg17 : memref<!tpu.dma_semaphore, #tpu.memory_space<semaphore_mem>>) src(%dma_wait3A_146 : memref<10000x128xf32, #tpu.memory_space<hbm>>) dst(%dma_wait3A_140 : memref<128x128xf32, #tpu.memory_space<vmem>>)
      %dma_start3A_147 = arith.constant 0 : i32
      %dma_start3A_148 = arith.constant 0 : i32
      %dma_start3A_149 = arith.constant 0 : i32
      %dma_start3A_150 = arith.constant 0 : i32
      %dma_start3A_151 = tpu.memref_slice %arg9[%dma_start3A_147, %dma_start3A_149, %dma_start3A_150] : memref<2x128x128xf32, #tpu.memory_space<vmem>> -> memref<1x128x128xf32, #tpu.memory_space<vmem>>
      %dma_start3A_152 = tpu.memref_squeeze %dma_start3A_151 : memref<1x128x128xf32, #tpu.memory_space<vmem>> -> memref<128x128xf32, #tpu.memory_space<vmem>>
      %dma_start3A_153 = arith.constant 0 : i32
      %dma_start3A_154 = tpu.memref_slice %arg8[%dma_start3A_148, %dma_start3A_153] : memref<3x128xi32, #tpu.memory_space<vmem>> -> memref<1x128xi32, #tpu.memory_space<vmem>>
      %dma_start3A_155 = tpu.memref_squeeze %dma_start3A_154 : memref<1x128xi32, #tpu.memory_space<vmem>> -> memref<128xi32, #tpu.memory_space<vmem>>
      %dma_start3A_156 = arith.constant 0 : i32
      %dma_start3A_157 = arith.constant 0 : i32
      %dma_start3A_158 = tpu.memref_slice %arg13[%dma_start3A_156, %dma_start3A_157] : memref<10240x128xf32, #tpu.memory_space<vmem_shared>> -> memref<10240x128xf32, #tpu.memory_space<vmem_shared>>
      tpu.enqueue_indirect_dma source(%dma_start3A_152 : memref<128x128xf32, #tpu.memory_space<vmem>>) target(%dma_start3A_158 : memref<10240x128xf32, #tpu.memory_space<vmem_shared>>) offsets(%dma_start3A_155 : memref<128xi32, #tpu.memory_space<vmem>>) semaphore(%arg19 : memref<!tpu.dma_semaphore, #tpu.memory_space<semaphore_mem>>) {add = true}
      %add3A_159 = arith.constant 2 : i32
      %add3A_160 = arith.addi %add3A_119, %add3A_159 : i32
      %lt3A_161 = arith.constant 78 : i32
      %lt3A_162 = arith.cmpi slt, %add3A_160, %lt3A_161 : i32
      %convert_element_type3A_163 = arith.extui %lt3A_162 : i1 to i32
      %cond3A_164 = arith.constant 0 : i32
      %cond3A_165 = arith.cmpi ne, %convert_element_type3A_163, %cond3A_164 : i32
      scf.if %cond3A_165 {
        %add3A_436 = arith.constant 2 : i32
        %add3A_437 = arith.addi %add3A_119, %add3A_436 : i32
        %mul3A_438 = arith.constant 128 : i32
        %mul3A_439 = arith.muli %add3A_437, %mul3A_438 : i32
        %add3A_440 = arith.addi %mul3A_4, %mul3A_439 : i32
        %dma_start3A_441 = arith.constant 2 : i32
        %dma_start3A_442 = arith.constant 0 : i32
        %dma_start3A_443 = tpu.memref_slice %arg7[%dma_start3A_441, %dma_start3A_442] : memref<3x128xi32, #tpu.memory_space<vmem>> -> memref<1x128xi32, #tpu.memory_space<vmem>>
        %dma_start3A_444 = tpu.memref_squeeze %dma_start3A_443 : memref<1x128xi32, #tpu.memory_space<vmem>> -> memref<128xi32, #tpu.memory_space<vmem>>
        %dma_start3A_445 = tpu.memref_slice %arg2[%add3A_440] : memref<320000xi32, #tpu.memory_space<hbm>> -> memref<128xi32, #tpu.memory_space<hbm>>
        %dma_start3A_446 = arith.constant 0 : i32
        %dma_start3A_447 = tpu.memref_slice %arg7[%dma_start3A_441, %dma_start3A_446] : memref<3x128xi32, #tpu.memory_space<vmem>> -> memref<1x128xi32, #tpu.memory_space<vmem>>
        %dma_start3A_448 = tpu.memref_squeeze %dma_start3A_447 : memref<1x128xi32, #tpu.memory_space<vmem>> -> memref<128xi32, #tpu.memory_space<vmem>>
        %dma_start3A_449 = tpu.memref_slice %arg2[%add3A_440] : memref<320000xi32, #tpu.memory_space<hbm>> -> memref<128xi32, #tpu.memory_space<hbm>>
        tpu.enqueue_dma source(%dma_start3A_449 : memref<128xi32, #tpu.memory_space<hbm>>) target(%dma_start3A_448 : memref<128xi32, #tpu.memory_space<vmem>>) target_semaphore(%arg16 : memref<!tpu.dma_semaphore, #tpu.memory_space<semaphore_mem>>)
        %mul3A_450 = arith.constant 128 : i32
        %mul3A_451 = arith.muli %add3A_437, %mul3A_450 : i32
        %add3A_452 = arith.addi %mul3A_4, %mul3A_451 : i32
        %dma_start3A_453 = arith.constant 2 : i32
        %dma_start3A_454 = arith.constant 0 : i32
        %dma_start3A_455 = tpu.memref_slice %arg8[%dma_start3A_453, %dma_start3A_454] : memref<3x128xi32, #tpu.memory_space<vmem>> -> memref<1x128xi32, #tpu.memory_space<vmem>>
        %dma_start3A_456 = tpu.memref_squeeze %dma_start3A_455 : memref<1x128xi32, #tpu.memory_space<vmem>> -> memref<128xi32, #tpu.memory_space<vmem>>
        %dma_start3A_457 = tpu.memref_slice %arg3[%add3A_452] : memref<320000xi32, #tpu.memory_space<hbm>> -> memref<128xi32, #tpu.memory_space<hbm>>
        %dma_start3A_458 = arith.constant 0 : i32
        %dma_start3A_459 = tpu.memref_slice %arg8[%dma_start3A_453, %dma_start3A_458] : memref<3x128xi32, #tpu.memory_space<vmem>> -> memref<1x128xi32, #tpu.memory_space<vmem>>
        %dma_start3A_460 = tpu.memref_squeeze %dma_start3A_459 : memref<1x128xi32, #tpu.memory_space<vmem>> -> memref<128xi32, #tpu.memory_space<vmem>>
        %dma_start3A_461 = tpu.memref_slice %arg3[%add3A_452] : memref<320000xi32, #tpu.memory_space<hbm>> -> memref<128xi32, #tpu.memory_space<hbm>>
        tpu.enqueue_dma source(%dma_start3A_461 : memref<128xi32, #tpu.memory_space<hbm>>) target(%dma_start3A_460 : memref<128xi32, #tpu.memory_space<vmem>>) target_semaphore(%arg16 : memref<!tpu.dma_semaphore, #tpu.memory_space<semaphore_mem>>)
      } else {
      }
      %mul3A_166 = arith.constant 6 : i32
      %mul3A_167 = arith.muli %scan3A_115, %mul3A_166 : i32
      %add3A_168 = arith.constant 1 : i32
      %add3A_169 = arith.addi %mul3A_167, %add3A_168 : i32
      %add3A_170 = arith.constant 1 : i32
      %add3A_171 = arith.addi %add3A_169, %add3A_170 : i32
      %lt3A_172 = arith.constant 78 : i32
      %lt3A_173 = arith.cmpi slt, %add3A_171, %lt3A_172 : i32
      %convert_element_type3A_174 = arith.extui %lt3A_173 : i1 to i32
      %cond3A_175 = arith.constant 0 : i32
      %cond3A_176 = arith.cmpi ne, %convert_element_type3A_174, %cond3A_175 : i32
      scf.if %cond3A_176 {
        %dma_wait3A_436 = arith.constant 2 : i32
        %dma_wait3A_437 = arith.constant 0 : i32
        %dma_wait3A_438 = tpu.memref_slice %arg7[%dma_wait3A_436, %dma_wait3A_437] : memref<3x128xi32, #tpu.memory_space<vmem>> -> memref<1x128xi32, #tpu.memory_space<vmem>>
        %dma_wait3A_439 = tpu.memref_squeeze %dma_wait3A_438 : memref<1x128xi32, #tpu.memory_space<vmem>> -> memref<128xi32, #tpu.memory_space<vmem>>
        %dma_wait3A_440 = arith.constant 0 : i32
        %dma_wait3A_441 = tpu.memref_slice %arg2[%dma_wait3A_440] : memref<320000xi32, #tpu.memory_space<hbm>> -> memref<128xi32, #tpu.memory_space<hbm>>
        %dma_wait3A_442 = arith.constant 0 : i32
        %dma_wait3A_443 = tpu.memref_slice %arg7[%dma_wait3A_436, %dma_wait3A_442] : memref<3x128xi32, #tpu.memory_space<vmem>> -> memref<1x128xi32, #tpu.memory_space<vmem>>
        %dma_wait3A_444 = tpu.memref_squeeze %dma_wait3A_443 : memref<1x128xi32, #tpu.memory_space<vmem>> -> memref<128xi32, #tpu.memory_space<vmem>>
        %dma_wait3A_445 = arith.constant 0 : i32
        %dma_wait3A_446 = tpu.memref_slice %arg2[%dma_wait3A_445] : memref<320000xi32, #tpu.memory_space<hbm>> -> memref<128xi32, #tpu.memory_space<hbm>>
        tpu.wait_dma2 semaphore(%arg16 : memref<!tpu.dma_semaphore, #tpu.memory_space<semaphore_mem>>) src(%dma_wait3A_446 : memref<128xi32, #tpu.memory_space<hbm>>) dst(%dma_wait3A_444 : memref<128xi32, #tpu.memory_space<vmem>>)
        %dma_wait3A_447 = arith.constant 2 : i32
        %dma_wait3A_448 = arith.constant 0 : i32
        %dma_wait3A_449 = tpu.memref_slice %arg8[%dma_wait3A_447, %dma_wait3A_448] : memref<3x128xi32, #tpu.memory_space<vmem>> -> memref<1x128xi32, #tpu.memory_space<vmem>>
        %dma_wait3A_450 = tpu.memref_squeeze %dma_wait3A_449 : memref<1x128xi32, #tpu.memory_space<vmem>> -> memref<128xi32, #tpu.memory_space<vmem>>
        %dma_wait3A_451 = arith.constant 0 : i32
        %dma_wait3A_452 = tpu.memref_slice %arg3[%dma_wait3A_451] : memref<320000xi32, #tpu.memory_space<hbm>> -> memref<128xi32, #tpu.memory_space<hbm>>
        %dma_wait3A_453 = arith.constant 0 : i32
        %dma_wait3A_454 = tpu.memref_slice %arg8[%dma_wait3A_447, %dma_wait3A_453] : memref<3x128xi32, #tpu.memory_space<vmem>> -> memref<1x128xi32, #tpu.memory_space<vmem>>
        %dma_wait3A_455 = tpu.memref_squeeze %dma_wait3A_454 : memref<1x128xi32, #tpu.memory_space<vmem>> -> memref<128xi32, #tpu.memory_space<vmem>>
        %dma_wait3A_456 = arith.constant 0 : i32
        %dma_wait3A_457 = tpu.memref_slice %arg3[%dma_wait3A_456] : memref<320000xi32, #tpu.memory_space<hbm>> -> memref<128xi32, #tpu.memory_space<hbm>>
        tpu.wait_dma2 semaphore(%arg16 : memref<!tpu.dma_semaphore, #tpu.memory_space<semaphore_mem>>) src(%dma_wait3A_457 : memref<128xi32, #tpu.memory_space<hbm>>) dst(%dma_wait3A_455 : memref<128xi32, #tpu.memory_space<vmem>>)
      } else {
      }
      %ge3A_177 = arith.constant 1 : i32
      %ge3A_178 = arith.cmpi sge, %add3A_169, %ge3A_177 : i32
      %convert_element_type3A_179 = arith.extui %ge3A_178 : i1 to i32
      %cond3A_180 = arith.constant 0 : i32
      %cond3A_181 = arith.cmpi ne, %convert_element_type3A_179, %cond3A_180 : i32
      scf.if %cond3A_181 {
        %dma_wait3A_436 = arith.constant 0 : i32
        %dma_wait3A_437 = arith.constant 0 : i32
        %dma_wait3A_438 = arith.constant 0 : i32
        %dma_wait3A_439 = arith.constant 0 : i32
        %dma_wait3A_440 = tpu.memref_slice %arg9[%dma_wait3A_436, %dma_wait3A_438, %dma_wait3A_439] : memref<2x128x128xf32, #tpu.memory_space<vmem>> -> memref<1x128x128xf32, #tpu.memory_space<vmem>>
        %dma_wait3A_441 = tpu.memref_squeeze %dma_wait3A_440 : memref<1x128x128xf32, #tpu.memory_space<vmem>> -> memref<128x128xf32, #tpu.memory_space<vmem>>
        %dma_wait3A_442 = arith.constant 0 : i32
        %dma_wait3A_443 = tpu.memref_slice %arg8[%dma_wait3A_437, %dma_wait3A_442] : memref<3x128xi32, #tpu.memory_space<vmem>> -> memref<1x128xi32, #tpu.memory_space<vmem>>
        %dma_wait3A_444 = tpu.memref_squeeze %dma_wait3A_443 : memref<1x128xi32, #tpu.memory_space<vmem>> -> memref<128xi32, #tpu.memory_space<vmem>>
        %dma_wait3A_445 = arith.constant 0 : i32
        %dma_wait3A_446 = arith.constant 0 : i32
        %dma_wait3A_447 = tpu.memref_slice %arg13[%dma_wait3A_445, %dma_wait3A_446] : memref<10240x128xf32, #tpu.memory_space<vmem_shared>> -> memref<10240x128xf32, #tpu.memory_space<vmem_shared>>
        tpu.wait_indirect_dma semaphore(%arg19 : memref<!tpu.dma_semaphore, #tpu.memory_space<semaphore_mem>>) src(%dma_wait3A_441 : memref<128x128xf32, #tpu.memory_space<vmem>>) dst(%dma_wait3A_447 : memref<10240x128xf32, #tpu.memory_space<vmem_shared>>)
      } else {
      }
      %add3A_182 = arith.constant 1 : i32
      %add3A_183 = arith.addi %add3A_169, %add3A_182 : i32
      %lt3A_184 = arith.constant 78 : i32
      %lt3A_185 = arith.cmpi slt, %add3A_183, %lt3A_184 : i32
      %convert_element_type3A_186 = arith.extui %lt3A_185 : i1 to i32
      %cond3A_187 = arith.constant 0 : i32
      %cond3A_188 = arith.cmpi ne, %convert_element_type3A_186, %cond3A_187 : i32
      scf.if %cond3A_188 {
        %dma_start3A_436 = arith.constant 2 : i32
        %dma_start3A_437 = arith.constant 0 : i32
        %dma_start3A_438 = arith.constant 0 : i32
        %dma_start3A_439 = arith.constant 0 : i32
        %dma_start3A_440 = tpu.memref_slice %arg9[%dma_start3A_437, %dma_start3A_438, %dma_start3A_439] : memref<2x128x128xf32, #tpu.memory_space<vmem>> -> memref<1x128x128xf32, #tpu.memory_space<vmem>>
        %dma_start3A_441 = tpu.memref_squeeze %dma_start3A_440 : memref<1x128x128xf32, #tpu.memory_space<vmem>> -> memref<128x128xf32, #tpu.memory_space<vmem>>
        %dma_start3A_442 = arith.constant 0 : i32
        %dma_start3A_443 = tpu.memref_slice %arg7[%dma_start3A_436, %dma_start3A_442] : memref<3x128xi32, #tpu.memory_space<vmem>> -> memref<1x128xi32, #tpu.memory_space<vmem>>
        %dma_start3A_444 = tpu.memref_squeeze %dma_start3A_443 : memref<1x128xi32, #tpu.memory_space<vmem>> -> memref<128xi32, #tpu.memory_space<vmem>>
        %dma_start3A_445 = arith.constant 0 : i32
        %dma_start3A_446 = arith.constant 0 : i32
        %dma_start3A_447 = tpu.memref_slice %arg4[%dma_start3A_445, %dma_start3A_446] : memref<10000x128xf32, #tpu.memory_space<hbm>> -> memref<10000x128xf32, #tpu.memory_space<hbm>>
        tpu.enqueue_indirect_dma source(%dma_start3A_447 : memref<10000x128xf32, #tpu.memory_space<hbm>>) target(%dma_start3A_441 : memref<128x128xf32, #tpu.memory_space<vmem>>) offsets(%dma_start3A_444 : memref<128xi32, #tpu.memory_space<vmem>>) semaphore(%arg17 : memref<!tpu.dma_semaphore, #tpu.memory_space<semaphore_mem>>)
      } else {
      }
      %dma_wait3A_189 = arith.constant 1 : i32
      %dma_wait3A_190 = arith.constant 1 : i32
      %dma_wait3A_191 = arith.constant 0 : i32
      %dma_wait3A_192 = arith.constant 0 : i32
      %dma_wait3A_193 = tpu.memref_slice %arg9[%dma_wait3A_190, %dma_wait3A_191, %dma_wait3A_192] : memref<2x128x128xf32, #tpu.memory_space<vmem>> -> memref<1x128x128xf32, #tpu.memory_space<vmem>>
      %dma_wait3A_194 = tpu.memref_squeeze %dma_wait3A_193 : memref<1x128x128xf32, #tpu.memory_space<vmem>> -> memref<128x128xf32, #tpu.memory_space<vmem>>
      %dma_wait3A_195 = arith.constant 0 : i32
      %dma_wait3A_196 = tpu.memref_slice %arg7[%dma_wait3A_189, %dma_wait3A_195] : memref<3x128xi32, #tpu.memory_space<vmem>> -> memref<1x128xi32, #tpu.memory_space<vmem>>
      %dma_wait3A_197 = tpu.memref_squeeze %dma_wait3A_196 : memref<1x128xi32, #tpu.memory_space<vmem>> -> memref<128xi32, #tpu.memory_space<vmem>>
      %dma_wait3A_198 = arith.constant 0 : i32
      %dma_wait3A_199 = arith.constant 0 : i32
      %dma_wait3A_200 = tpu.memref_slice %arg4[%dma_wait3A_198, %dma_wait3A_199] : memref<10000x128xf32, #tpu.memory_space<hbm>> -> memref<10000x128xf32, #tpu.memory_space<hbm>>
      tpu.wait_indirect_dma semaphore(%arg18 : memref<!tpu.dma_semaphore, #tpu.memory_space<semaphore_mem>>) src(%dma_wait3A_200 : memref<10000x128xf32, #tpu.memory_space<hbm>>) dst(%dma_wait3A_194 : memref<128x128xf32, #tpu.memory_space<vmem>>)
      %dma_start3A_201 = arith.constant 1 : i32
      %dma_start3A_202 = arith.constant 1 : i32
      %dma_start3A_203 = arith.constant 0 : i32
      %dma_start3A_204 = arith.constant 0 : i32
      %dma_start3A_205 = tpu.memref_slice %arg9[%dma_start3A_201, %dma_start3A_203, %dma_start3A_204] : memref<2x128x128xf32, #tpu.memory_space<vmem>> -> memref<1x128x128xf32, #tpu.memory_space<vmem>>
      %dma_start3A_206 = tpu.memref_squeeze %dma_start3A_205 : memref<1x128x128xf32, #tpu.memory_space<vmem>> -> memref<128x128xf32, #tpu.memory_space<vmem>>
      %dma_start3A_207 = arith.constant 0 : i32
      %dma_start3A_208 = tpu.memref_slice %arg8[%dma_start3A_202, %dma_start3A_207] : memref<3x128xi32, #tpu.memory_space<vmem>> -> memref<1x128xi32, #tpu.memory_space<vmem>>
      %dma_start3A_209 = tpu.memref_squeeze %dma_start3A_208 : memref<1x128xi32, #tpu.memory_space<vmem>> -> memref<128xi32, #tpu.memory_space<vmem>>
      %dma_start3A_210 = arith.constant 0 : i32
      %dma_start3A_211 = arith.constant 0 : i32
      %dma_start3A_212 = tpu.memref_slice %arg13[%dma_start3A_210, %dma_start3A_211] : memref<10240x128xf32, #tpu.memory_space<vmem_shared>> -> memref<10240x128xf32, #tpu.memory_space<vmem_shared>>
      tpu.enqueue_indirect_dma source(%dma_start3A_206 : memref<128x128xf32, #tpu.memory_space<vmem>>) target(%dma_start3A_212 : memref<10240x128xf32, #tpu.memory_space<vmem_shared>>) offsets(%dma_start3A_209 : memref<128xi32, #tpu.memory_space<vmem>>) semaphore(%arg20 : memref<!tpu.dma_semaphore, #tpu.memory_space<semaphore_mem>>) {add = true}
      %add3A_213 = arith.constant 2 : i32
      %add3A_214 = arith.addi %add3A_169, %add3A_213 : i32
      %lt3A_215 = arith.constant 78 : i32
      %lt3A_216 = arith.cmpi slt, %add3A_214, %lt3A_215 : i32
      %convert_element_type3A_217 = arith.extui %lt3A_216 : i1 to i32
      %cond3A_218 = arith.constant 0 : i32
      %cond3A_219 = arith.cmpi ne, %convert_element_type3A_217, %cond3A_218 : i32
      scf.if %cond3A_219 {
        %add3A_436 = arith.constant 2 : i32
        %add3A_437 = arith.addi %add3A_169, %add3A_436 : i32
        %mul3A_438 = arith.constant 128 : i32
        %mul3A_439 = arith.muli %add3A_437, %mul3A_438 : i32
        %add3A_440 = arith.addi %mul3A_4, %mul3A_439 : i32
        %dma_start3A_441 = arith.constant 0 : i32
        %dma_start3A_442 = arith.constant 0 : i32
        %dma_start3A_443 = tpu.memref_slice %arg7[%dma_start3A_441, %dma_start3A_442] : memref<3x128xi32, #tpu.memory_space<vmem>> -> memref<1x128xi32, #tpu.memory_space<vmem>>
        %dma_start3A_444 = tpu.memref_squeeze %dma_start3A_443 : memref<1x128xi32, #tpu.memory_space<vmem>> -> memref<128xi32, #tpu.memory_space<vmem>>
        %dma_start3A_445 = tpu.memref_slice %arg2[%add3A_440] : memref<320000xi32, #tpu.memory_space<hbm>> -> memref<128xi32, #tpu.memory_space<hbm>>
        %dma_start3A_446 = arith.constant 0 : i32
        %dma_start3A_447 = tpu.memref_slice %arg7[%dma_start3A_441, %dma_start3A_446] : memref<3x128xi32, #tpu.memory_space<vmem>> -> memref<1x128xi32, #tpu.memory_space<vmem>>
        %dma_start3A_448 = tpu.memref_squeeze %dma_start3A_447 : memref<1x128xi32, #tpu.memory_space<vmem>> -> memref<128xi32, #tpu.memory_space<vmem>>
        %dma_start3A_449 = tpu.memref_slice %arg2[%add3A_440] : memref<320000xi32, #tpu.memory_space<hbm>> -> memref<128xi32, #tpu.memory_space<hbm>>
        tpu.enqueue_dma source(%dma_start3A_449 : memref<128xi32, #tpu.memory_space<hbm>>) target(%dma_start3A_448 : memref<128xi32, #tpu.memory_space<vmem>>) target_semaphore(%arg14 : memref<!tpu.dma_semaphore, #tpu.memory_space<semaphore_mem>>)
        %mul3A_450 = arith.constant 128 : i32
        %mul3A_451 = arith.muli %add3A_437, %mul3A_450 : i32
        %add3A_452 = arith.addi %mul3A_4, %mul3A_451 : i32
        %dma_start3A_453 = arith.constant 0 : i32
        %dma_start3A_454 = arith.constant 0 : i32
        %dma_start3A_455 = tpu.memref_slice %arg8[%dma_start3A_453, %dma_start3A_454] : memref<3x128xi32, #tpu.memory_space<vmem>> -> memref<1x128xi32, #tpu.memory_space<vmem>>
        %dma_start3A_456 = tpu.memref_squeeze %dma_start3A_455 : memref<1x128xi32, #tpu.memory_space<vmem>> -> memref<128xi32, #tpu.memory_space<vmem>>
        %dma_start3A_457 = tpu.memref_slice %arg3[%add3A_452] : memref<320000xi32, #tpu.memory_space<hbm>> -> memref<128xi32, #tpu.memory_space<hbm>>
        %dma_start3A_458 = arith.constant 0 : i32
        %dma_start3A_459 = tpu.memref_slice %arg8[%dma_start3A_453, %dma_start3A_458] : memref<3x128xi32, #tpu.memory_space<vmem>> -> memref<1x128xi32, #tpu.memory_space<vmem>>
        %dma_start3A_460 = tpu.memref_squeeze %dma_start3A_459 : memref<1x128xi32, #tpu.memory_space<vmem>> -> memref<128xi32, #tpu.memory_space<vmem>>
        %dma_start3A_461 = tpu.memref_slice %arg3[%add3A_452] : memref<320000xi32, #tpu.memory_space<hbm>> -> memref<128xi32, #tpu.memory_space<hbm>>
        tpu.enqueue_dma source(%dma_start3A_461 : memref<128xi32, #tpu.memory_space<hbm>>) target(%dma_start3A_460 : memref<128xi32, #tpu.memory_space<vmem>>) target_semaphore(%arg14 : memref<!tpu.dma_semaphore, #tpu.memory_space<semaphore_mem>>)
      } else {
      }
      %mul3A_220 = arith.constant 6 : i32
      %mul3A_221 = arith.muli %scan3A_115, %mul3A_220 : i32
      %add3A_222 = arith.constant 2 : i32
      %add3A_223 = arith.addi %mul3A_221, %add3A_222 : i32
      %add3A_224 = arith.constant 1 : i32
      %add3A_225 = arith.addi %add3A_223, %add3A_224 : i32
      %lt3A_226 = arith.constant 78 : i32
      %lt3A_227 = arith.cmpi slt, %add3A_225, %lt3A_226 : i32
      %convert_element_type3A_228 = arith.extui %lt3A_227 : i1 to i32
      %cond3A_229 = arith.constant 0 : i32
      %cond3A_230 = arith.cmpi ne, %convert_element_type3A_228, %cond3A_229 : i32
      scf.if %cond3A_230 {
        %dma_wait3A_436 = arith.constant 0 : i32
        %dma_wait3A_437 = arith.constant 0 : i32
        %dma_wait3A_438 = tpu.memref_slice %arg7[%dma_wait3A_436, %dma_wait3A_437] : memref<3x128xi32, #tpu.memory_space<vmem>> -> memref<1x128xi32, #tpu.memory_space<vmem>>
        %dma_wait3A_439 = tpu.memref_squeeze %dma_wait3A_438 : memref<1x128xi32, #tpu.memory_space<vmem>> -> memref<128xi32, #tpu.memory_space<vmem>>
        %dma_wait3A_440 = arith.constant 0 : i32
        %dma_wait3A_441 = tpu.memref_slice %arg2[%dma_wait3A_440] : memref<320000xi32, #tpu.memory_space<hbm>> -> memref<128xi32, #tpu.memory_space<hbm>>
        %dma_wait3A_442 = arith.constant 0 : i32
        %dma_wait3A_443 = tpu.memref_slice %arg7[%dma_wait3A_436, %dma_wait3A_442] : memref<3x128xi32, #tpu.memory_space<vmem>> -> memref<1x128xi32, #tpu.memory_space<vmem>>
        %dma_wait3A_444 = tpu.memref_squeeze %dma_wait3A_443 : memref<1x128xi32, #tpu.memory_space<vmem>> -> memref<128xi32, #tpu.memory_space<vmem>>
        %dma_wait3A_445 = arith.constant 0 : i32
        %dma_wait3A_446 = tpu.memref_slice %arg2[%dma_wait3A_445] : memref<320000xi32, #tpu.memory_space<hbm>> -> memref<128xi32, #tpu.memory_space<hbm>>
        tpu.wait_dma2 semaphore(%arg14 : memref<!tpu.dma_semaphore, #tpu.memory_space<semaphore_mem>>) src(%dma_wait3A_446 : memref<128xi32, #tpu.memory_space<hbm>>) dst(%dma_wait3A_444 : memref<128xi32, #tpu.memory_space<vmem>>)
        %dma_wait3A_447 = arith.constant 0 : i32
        %dma_wait3A_448 = arith.constant 0 : i32
        %dma_wait3A_449 = tpu.memref_slice %arg8[%dma_wait3A_447, %dma_wait3A_448] : memref<3x128xi32, #tpu.memory_space<vmem>> -> memref<1x128xi32, #tpu.memory_space<vmem>>
        %dma_wait3A_450 = tpu.memref_squeeze %dma_wait3A_449 : memref<1x128xi32, #tpu.memory_space<vmem>> -> memref<128xi32, #tpu.memory_space<vmem>>
        %dma_wait3A_451 = arith.constant 0 : i32
        %dma_wait3A_452 = tpu.memref_slice %arg3[%dma_wait3A_451] : memref<320000xi32, #tpu.memory_space<hbm>> -> memref<128xi32, #tpu.memory_space<hbm>>
        %dma_wait3A_453 = arith.constant 0 : i32
        %dma_wait3A_454 = tpu.memref_slice %arg8[%dma_wait3A_447, %dma_wait3A_453] : memref<3x128xi32, #tpu.memory_space<vmem>> -> memref<1x128xi32, #tpu.memory_space<vmem>>
        %dma_wait3A_455 = tpu.memref_squeeze %dma_wait3A_454 : memref<1x128xi32, #tpu.memory_space<vmem>> -> memref<128xi32, #tpu.memory_space<vmem>>
        %dma_wait3A_456 = arith.constant 0 : i32
        %dma_wait3A_457 = tpu.memref_slice %arg3[%dma_wait3A_456] : memref<320000xi32, #tpu.memory_space<hbm>> -> memref<128xi32, #tpu.memory_space<hbm>>
        tpu.wait_dma2 semaphore(%arg14 : memref<!tpu.dma_semaphore, #tpu.memory_space<semaphore_mem>>) src(%dma_wait3A_457 : memref<128xi32, #tpu.memory_space<hbm>>) dst(%dma_wait3A_455 : memref<128xi32, #tpu.memory_space<vmem>>)
      } else {
      }
      %ge3A_231 = arith.constant 1 : i32
      %ge3A_232 = arith.cmpi sge, %add3A_223, %ge3A_231 : i32
      %convert_element_type3A_233 = arith.extui %ge3A_232 : i1 to i32
      %cond3A_234 = arith.constant 0 : i32
      %cond3A_235 = arith.cmpi ne, %convert_element_type3A_233, %cond3A_234 : i32
      scf.if %cond3A_235 {
        %dma_wait3A_436 = arith.constant 1 : i32
        %dma_wait3A_437 = arith.constant 1 : i32
        %dma_wait3A_438 = arith.constant 0 : i32
        %dma_wait3A_439 = arith.constant 0 : i32
        %dma_wait3A_440 = tpu.memref_slice %arg9[%dma_wait3A_436, %dma_wait3A_438, %dma_wait3A_439] : memref<2x128x128xf32, #tpu.memory_space<vmem>> -> memref<1x128x128xf32, #tpu.memory_space<vmem>>
        %dma_wait3A_441 = tpu.memref_squeeze %dma_wait3A_440 : memref<1x128x128xf32, #tpu.memory_space<vmem>> -> memref<128x128xf32, #tpu.memory_space<vmem>>
        %dma_wait3A_442 = arith.constant 0 : i32
        %dma_wait3A_443 = tpu.memref_slice %arg8[%dma_wait3A_437, %dma_wait3A_442] : memref<3x128xi32, #tpu.memory_space<vmem>> -> memref<1x128xi32, #tpu.memory_space<vmem>>
        %dma_wait3A_444 = tpu.memref_squeeze %dma_wait3A_443 : memref<1x128xi32, #tpu.memory_space<vmem>> -> memref<128xi32, #tpu.memory_space<vmem>>
        %dma_wait3A_445 = arith.constant 0 : i32
        %dma_wait3A_446 = arith.constant 0 : i32
        %dma_wait3A_447 = tpu.memref_slice %arg13[%dma_wait3A_445, %dma_wait3A_446] : memref<10240x128xf32, #tpu.memory_space<vmem_shared>> -> memref<10240x128xf32, #tpu.memory_space<vmem_shared>>
        tpu.wait_indirect_dma semaphore(%arg20 : memref<!tpu.dma_semaphore, #tpu.memory_space<semaphore_mem>>) src(%dma_wait3A_441 : memref<128x128xf32, #tpu.memory_space<vmem>>) dst(%dma_wait3A_447 : memref<10240x128xf32, #tpu.memory_space<vmem_shared>>)
      } else {
      }
      %add3A_236 = arith.constant 1 : i32
      %add3A_237 = arith.addi %add3A_223, %add3A_236 : i32
      %lt3A_238 = arith.constant 78 : i32
      %lt3A_239 = arith.cmpi slt, %add3A_237, %lt3A_238 : i32
      %convert_element_type3A_240 = arith.extui %lt3A_239 : i1 to i32
      %cond3A_241 = arith.constant 0 : i32
      %cond3A_242 = arith.cmpi ne, %convert_element_type3A_240, %cond3A_241 : i32
      scf.if %cond3A_242 {
        %dma_start3A_436 = arith.constant 0 : i32
        %dma_start3A_437 = arith.constant 1 : i32
        %dma_start3A_438 = arith.constant 0 : i32
        %dma_start3A_439 = arith.constant 0 : i32
        %dma_start3A_440 = tpu.memref_slice %arg9[%dma_start3A_437, %dma_start3A_438, %dma_start3A_439] : memref<2x128x128xf32, #tpu.memory_space<vmem>> -> memref<1x128x128xf32, #tpu.memory_space<vmem>>
        %dma_start3A_441 = tpu.memref_squeeze %dma_start3A_440 : memref<1x128x128xf32, #tpu.memory_space<vmem>> -> memref<128x128xf32, #tpu.memory_space<vmem>>
        %dma_start3A_442 = arith.constant 0 : i32
        %dma_start3A_443 = tpu.memref_slice %arg7[%dma_start3A_436, %dma_start3A_442] : memref<3x128xi32, #tpu.memory_space<vmem>> -> memref<1x128xi32, #tpu.memory_space<vmem>>
        %dma_start3A_444 = tpu.memref_squeeze %dma_start3A_443 : memref<1x128xi32, #tpu.memory_space<vmem>> -> memref<128xi32, #tpu.memory_space<vmem>>
        %dma_start3A_445 = arith.constant 0 : i32
        %dma_start3A_446 = arith.constant 0 : i32
        %dma_start3A_447 = tpu.memref_slice %arg4[%dma_start3A_445, %dma_start3A_446] : memref<10000x128xf32, #tpu.memory_space<hbm>> -> memref<10000x128xf32, #tpu.memory_space<hbm>>
        tpu.enqueue_indirect_dma source(%dma_start3A_447 : memref<10000x128xf32, #tpu.memory_space<hbm>>) target(%dma_start3A_441 : memref<128x128xf32, #tpu.memory_space<vmem>>) offsets(%dma_start3A_444 : memref<128xi32, #tpu.memory_space<vmem>>) semaphore(%arg18 : memref<!tpu.dma_semaphore, #tpu.memory_space<semaphore_mem>>)
      } else {
      }
      %dma_wait3A_243 = arith.constant 2 : i32
      %dma_wait3A_244 = arith.constant 0 : i32
      %dma_wait3A_245 = arith.constant 0 : i32
      %dma_wait3A_246 = arith.constant 0 : i32
      %dma_wait3A_247 = tpu.memref_slice %arg9[%dma_wait3A_244, %dma_wait3A_245, %dma_wait3A_246] : memref<2x128x128xf32, #tpu.memory_space<vmem>> -> memref<1x128x128xf32, #tpu.memory_space<vmem>>
      %dma_wait3A_248 = tpu.memref_squeeze %dma_wait3A_247 : memref<1x128x128xf32, #tpu.memory_space<vmem>> -> memref<128x128xf32, #tpu.memory_space<vmem>>
      %dma_wait3A_249 = arith.constant 0 : i32
      %dma_wait3A_250 = tpu.memref_slice %arg7[%dma_wait3A_243, %dma_wait3A_249] : memref<3x128xi32, #tpu.memory_space<vmem>> -> memref<1x128xi32, #tpu.memory_space<vmem>>
      %dma_wait3A_251 = tpu.memref_squeeze %dma_wait3A_250 : memref<1x128xi32, #tpu.memory_space<vmem>> -> memref<128xi32, #tpu.memory_space<vmem>>
      %dma_wait3A_252 = arith.constant 0 : i32
      %dma_wait3A_253 = arith.constant 0 : i32
      %dma_wait3A_254 = tpu.memref_slice %arg4[%dma_wait3A_252, %dma_wait3A_253] : memref<10000x128xf32, #tpu.memory_space<hbm>> -> memref<10000x128xf32, #tpu.memory_space<hbm>>
      tpu.wait_indirect_dma semaphore(%arg17 : memref<!tpu.dma_semaphore, #tpu.memory_space<semaphore_mem>>) src(%dma_wait3A_254 : memref<10000x128xf32, #tpu.memory_space<hbm>>) dst(%dma_wait3A_248 : memref<128x128xf32, #tpu.memory_space<vmem>>)
      %dma_start3A_255 = arith.constant 0 : i32
      %dma_start3A_256 = arith.constant 2 : i32
      %dma_start3A_257 = arith.constant 0 : i32
      %dma_start3A_258 = arith.constant 0 : i32
      %dma_start3A_259 = tpu.memref_slice %arg9[%dma_start3A_255, %dma_start3A_257, %dma_start3A_258] : memref<2x128x128xf32, #tpu.memory_space<vmem>> -> memref<1x128x128xf32, #tpu.memory_space<vmem>>
      %dma_start3A_260 = tpu.memref_squeeze %dma_start3A_259 : memref<1x128x128xf32, #tpu.memory_space<vmem>> -> memref<128x128xf32, #tpu.memory_space<vmem>>
      %dma_start3A_261 = arith.constant 0 : i32
      %dma_start3A_262 = tpu.memref_slice %arg8[%dma_start3A_256, %dma_start3A_261] : memref<3x128xi32, #tpu.memory_space<vmem>> -> memref<1x128xi32, #tpu.memory_space<vmem>>
      %dma_start3A_263 = tpu.memref_squeeze %dma_start3A_262 : memref<1x128xi32, #tpu.memory_space<vmem>> -> memref<128xi32, #tpu.memory_space<vmem>>
      %dma_start3A_264 = arith.constant 0 : i32
      %dma_start3A_265 = arith.constant 0 : i32
      %dma_start3A_266 = tpu.memref_slice %arg13[%dma_start3A_264, %dma_start3A_265] : memref<10240x128xf32, #tpu.memory_space<vmem_shared>> -> memref<10240x128xf32, #tpu.memory_space<vmem_shared>>
      tpu.enqueue_indirect_dma source(%dma_start3A_260 : memref<128x128xf32, #tpu.memory_space<vmem>>) target(%dma_start3A_266 : memref<10240x128xf32, #tpu.memory_space<vmem_shared>>) offsets(%dma_start3A_263 : memref<128xi32, #tpu.memory_space<vmem>>) semaphore(%arg19 : memref<!tpu.dma_semaphore, #tpu.memory_space<semaphore_mem>>) {add = true}
      %add3A_267 = arith.constant 2 : i32
      %add3A_268 = arith.addi %add3A_223, %add3A_267 : i32
      %lt3A_269 = arith.constant 78 : i32
      %lt3A_270 = arith.cmpi slt, %add3A_268, %lt3A_269 : i32
      %convert_element_type3A_271 = arith.extui %lt3A_270 : i1 to i32
      %cond3A_272 = arith.constant 0 : i32
      %cond3A_273 = arith.cmpi ne, %convert_element_type3A_271, %cond3A_272 : i32
      scf.if %cond3A_273 {
        %add3A_436 = arith.constant 2 : i32
        %add3A_437 = arith.addi %add3A_223, %add3A_436 : i32
        %mul3A_438 = arith.constant 128 : i32
        %mul3A_439 = arith.muli %add3A_437, %mul3A_438 : i32
        %add3A_440 = arith.addi %mul3A_4, %mul3A_439 : i32
        %dma_start3A_441 = arith.constant 1 : i32
        %dma_start3A_442 = arith.constant 0 : i32
        %dma_start3A_443 = tpu.memref_slice %arg7[%dma_start3A_441, %dma_start3A_442] : memref<3x128xi32, #tpu.memory_space<vmem>> -> memref<1x128xi32, #tpu.memory_space<vmem>>
        %dma_start3A_444 = tpu.memref_squeeze %dma_start3A_443 : memref<1x128xi32, #tpu.memory_space<vmem>> -> memref<128xi32, #tpu.memory_space<vmem>>
        %dma_start3A_445 = tpu.memref_slice %arg2[%add3A_440] : memref<320000xi32, #tpu.memory_space<hbm>> -> memref<128xi32, #tpu.memory_space<hbm>>
        %dma_start3A_446 = arith.constant 0 : i32
        %dma_start3A_447 = tpu.memref_slice %arg7[%dma_start3A_441, %dma_start3A_446] : memref<3x128xi32, #tpu.memory_space<vmem>> -> memref<1x128xi32, #tpu.memory_space<vmem>>
        %dma_start3A_448 = tpu.memref_squeeze %dma_start3A_447 : memref<1x128xi32, #tpu.memory_space<vmem>> -> memref<128xi32, #tpu.memory_space<vmem>>
        %dma_start3A_449 = tpu.memref_slice %arg2[%add3A_440] : memref<320000xi32, #tpu.memory_space<hbm>> -> memref<128xi32, #tpu.memory_space<hbm>>
        tpu.enqueue_dma source(%dma_start3A_449 : memref<128xi32, #tpu.memory_space<hbm>>) target(%dma_start3A_448 : memref<128xi32, #tpu.memory_space<vmem>>) target_semaphore(%arg15 : memref<!tpu.dma_semaphore, #tpu.memory_space<semaphore_mem>>)
        %mul3A_450 = arith.constant 128 : i32
        %mul3A_451 = arith.muli %add3A_437, %mul3A_450 : i32
        %add3A_452 = arith.addi %mul3A_4, %mul3A_451 : i32
        %dma_start3A_453 = arith.constant 1 : i32
        %dma_start3A_454 = arith.constant 0 : i32
        %dma_start3A_455 = tpu.memref_slice %arg8[%dma_start3A_453, %dma_start3A_454] : memref<3x128xi32, #tpu.memory_space<vmem>> -> memref<1x128xi32, #tpu.memory_space<vmem>>
        %dma_start3A_456 = tpu.memref_squeeze %dma_start3A_455 : memref<1x128xi32, #tpu.memory_space<vmem>> -> memref<128xi32, #tpu.memory_space<vmem>>
        %dma_start3A_457 = tpu.memref_slice %arg3[%add3A_452] : memref<320000xi32, #tpu.memory_space<hbm>> -> memref<128xi32, #tpu.memory_space<hbm>>
        %dma_start3A_458 = arith.constant 0 : i32
        %dma_start3A_459 = tpu.memref_slice %arg8[%dma_start3A_453, %dma_start3A_458] : memref<3x128xi32, #tpu.memory_space<vmem>> -> memref<1x128xi32, #tpu.memory_space<vmem>>
        %dma_start3A_460 = tpu.memref_squeeze %dma_start3A_459 : memref<1x128xi32, #tpu.memory_space<vmem>> -> memref<128xi32, #tpu.memory_space<vmem>>
        %dma_start3A_461 = tpu.memref_slice %arg3[%add3A_452] : memref<320000xi32, #tpu.memory_space<hbm>> -> memref<128xi32, #tpu.memory_space<hbm>>
        tpu.enqueue_dma source(%dma_start3A_461 : memref<128xi32, #tpu.memory_space<hbm>>) target(%dma_start3A_460 : memref<128xi32, #tpu.memory_space<vmem>>) target_semaphore(%arg15 : memref<!tpu.dma_semaphore, #tpu.memory_space<semaphore_mem>>)
      } else {
      }
      %mul3A_274 = arith.constant 6 : i32
      %mul3A_275 = arith.muli %scan3A_115, %mul3A_274 : i32
      %add3A_276 = arith.constant 3 : i32
      %add3A_277 = arith.addi %mul3A_275, %add3A_276 : i32
      %add3A_278 = arith.constant 1 : i32
      %add3A_279 = arith.addi %add3A_277, %add3A_278 : i32
      %lt3A_280 = arith.constant 78 : i32
      %lt3A_281 = arith.cmpi slt, %add3A_279, %lt3A_280 : i32
      %convert_element_type3A_282 = arith.extui %lt3A_281 : i1 to i32
      %cond3A_283 = arith.constant 0 : i32
      %cond3A_284 = arith.cmpi ne, %convert_element_type3A_282, %cond3A_283 : i32
      scf.if %cond3A_284 {
        %dma_wait3A_436 = arith.constant 1 : i32
        %dma_wait3A_437 = arith.constant 0 : i32
        %dma_wait3A_438 = tpu.memref_slice %arg7[%dma_wait3A_436, %dma_wait3A_437] : memref<3x128xi32, #tpu.memory_space<vmem>> -> memref<1x128xi32, #tpu.memory_space<vmem>>
        %dma_wait3A_439 = tpu.memref_squeeze %dma_wait3A_438 : memref<1x128xi32, #tpu.memory_space<vmem>> -> memref<128xi32, #tpu.memory_space<vmem>>
        %dma_wait3A_440 = arith.constant 0 : i32
        %dma_wait3A_441 = tpu.memref_slice %arg2[%dma_wait3A_440] : memref<320000xi32, #tpu.memory_space<hbm>> -> memref<128xi32, #tpu.memory_space<hbm>>
        %dma_wait3A_442 = arith.constant 0 : i32
        %dma_wait3A_443 = tpu.memref_slice %arg7[%dma_wait3A_436, %dma_wait3A_442] : memref<3x128xi32, #tpu.memory_space<vmem>> -> memref<1x128xi32, #tpu.memory_space<vmem>>
        %dma_wait3A_444 = tpu.memref_squeeze %dma_wait3A_443 : memref<1x128xi32, #tpu.memory_space<vmem>> -> memref<128xi32, #tpu.memory_space<vmem>>
        %dma_wait3A_445 = arith.constant 0 : i32
        %dma_wait3A_446 = tpu.memref_slice %arg2[%dma_wait3A_445] : memref<320000xi32, #tpu.memory_space<hbm>> -> memref<128xi32, #tpu.memory_space<hbm>>
        tpu.wait_dma2 semaphore(%arg15 : memref<!tpu.dma_semaphore, #tpu.memory_space<semaphore_mem>>) src(%dma_wait3A_446 : memref<128xi32, #tpu.memory_space<hbm>>) dst(%dma_wait3A_444 : memref<128xi32, #tpu.memory_space<vmem>>)
        %dma_wait3A_447 = arith.constant 1 : i32
        %dma_wait3A_448 = arith.constant 0 : i32
        %dma_wait3A_449 = tpu.memref_slice %arg8[%dma_wait3A_447, %dma_wait3A_448] : memref<3x128xi32, #tpu.memory_space<vmem>> -> memref<1x128xi32, #tpu.memory_space<vmem>>
        %dma_wait3A_450 = tpu.memref_squeeze %dma_wait3A_449 : memref<1x128xi32, #tpu.memory_space<vmem>> -> memref<128xi32, #tpu.memory_space<vmem>>
        %dma_wait3A_451 = arith.constant 0 : i32
        %dma_wait3A_452 = tpu.memref_slice %arg3[%dma_wait3A_451] : memref<320000xi32, #tpu.memory_space<hbm>> -> memref<128xi32, #tpu.memory_space<hbm>>
        %dma_wait3A_453 = arith.constant 0 : i32
        %dma_wait3A_454 = tpu.memref_slice %arg8[%dma_wait3A_447, %dma_wait3A_453] : memref<3x128xi32, #tpu.memory_space<vmem>> -> memref<1x128xi32, #tpu.memory_space<vmem>>
        %dma_wait3A_455 = tpu.memref_squeeze %dma_wait3A_454 : memref<1x128xi32, #tpu.memory_space<vmem>> -> memref<128xi32, #tpu.memory_space<vmem>>
        %dma_wait3A_456 = arith.constant 0 : i32
        %dma_wait3A_457 = tpu.memref_slice %arg3[%dma_wait3A_456] : memref<320000xi32, #tpu.memory_space<hbm>> -> memref<128xi32, #tpu.memory_space<hbm>>
        tpu.wait_dma2 semaphore(%arg15 : memref<!tpu.dma_semaphore, #tpu.memory_space<semaphore_mem>>) src(%dma_wait3A_457 : memref<128xi32, #tpu.memory_space<hbm>>) dst(%dma_wait3A_455 : memref<128xi32, #tpu.memory_space<vmem>>)
      } else {
      }
      %ge3A_285 = arith.constant 1 : i32
      %ge3A_286 = arith.cmpi sge, %add3A_277, %ge3A_285 : i32
      %convert_element_type3A_287 = arith.extui %ge3A_286 : i1 to i32
      %cond3A_288 = arith.constant 0 : i32
      %cond3A_289 = arith.cmpi ne, %convert_element_type3A_287, %cond3A_288 : i32
      scf.if %cond3A_289 {
        %dma_wait3A_436 = arith.constant 0 : i32
        %dma_wait3A_437 = arith.constant 2 : i32
        %dma_wait3A_438 = arith.constant 0 : i32
        %dma_wait3A_439 = arith.constant 0 : i32
        %dma_wait3A_440 = tpu.memref_slice %arg9[%dma_wait3A_436, %dma_wait3A_438, %dma_wait3A_439] : memref<2x128x128xf32, #tpu.memory_space<vmem>> -> memref<1x128x128xf32, #tpu.memory_space<vmem>>
        %dma_wait3A_441 = tpu.memref_squeeze %dma_wait3A_440 : memref<1x128x128xf32, #tpu.memory_space<vmem>> -> memref<128x128xf32, #tpu.memory_space<vmem>>
        %dma_wait3A_442 = arith.constant 0 : i32
        %dma_wait3A_443 = tpu.memref_slice %arg8[%dma_wait3A_437, %dma_wait3A_442] : memref<3x128xi32, #tpu.memory_space<vmem>> -> memref<1x128xi32, #tpu.memory_space<vmem>>
        %dma_wait3A_444 = tpu.memref_squeeze %dma_wait3A_443 : memref<1x128xi32, #tpu.memory_space<vmem>> -> memref<128xi32, #tpu.memory_space<vmem>>
        %dma_wait3A_445 = arith.constant 0 : i32
        %dma_wait3A_446 = arith.constant 0 : i32
        %dma_wait3A_447 = tpu.memref_slice %arg13[%dma_wait3A_445, %dma_wait3A_446] : memref<10240x128xf32, #tpu.memory_space<vmem_shared>> -> memref<10240x128xf32, #tpu.memory_space<vmem_shared>>
        tpu.wait_indirect_dma semaphore(%arg19 : memref<!tpu.dma_semaphore, #tpu.memory_space<semaphore_mem>>) src(%dma_wait3A_441 : memref<128x128xf32, #tpu.memory_space<vmem>>) dst(%dma_wait3A_447 : memref<10240x128xf32, #tpu.memory_space<vmem_shared>>)
      } else {
      }
      %add3A_290 = arith.constant 1 : i32
      %add3A_291 = arith.addi %add3A_277, %add3A_290 : i32
      %lt3A_292 = arith.constant 78 : i32
      %lt3A_293 = arith.cmpi slt, %add3A_291, %lt3A_292 : i32
      %convert_element_type3A_294 = arith.extui %lt3A_293 : i1 to i32
      %cond3A_295 = arith.constant 0 : i32
      %cond3A_296 = arith.cmpi ne, %convert_element_type3A_294, %cond3A_295 : i32
      scf.if %cond3A_296 {
        %dma_start3A_436 = arith.constant 1 : i32
        %dma_start3A_437 = arith.constant 0 : i32
        %dma_start3A_438 = arith.constant 0 : i32
        %dma_start3A_439 = arith.constant 0 : i32
        %dma_start3A_440 = tpu.memref_slice %arg9[%dma_start3A_437, %dma_start3A_438, %dma_start3A_439] : memref<2x128x128xf32, #tpu.memory_space<vmem>> -> memref<1x128x128xf32, #tpu.memory_space<vmem>>
        %dma_start3A_441 = tpu.memref_squeeze %dma_start3A_440 : memref<1x128x128xf32, #tpu.memory_space<vmem>> -> memref<128x128xf32, #tpu.memory_space<vmem>>
        %dma_start3A_442 = arith.constant 0 : i32
        %dma_start3A_443 = tpu.memref_slice %arg7[%dma_start3A_436, %dma_start3A_442] : memref<3x128xi32, #tpu.memory_space<vmem>> -> memref<1x128xi32, #tpu.memory_space<vmem>>
        %dma_start3A_444 = tpu.memref_squeeze %dma_start3A_443 : memref<1x128xi32, #tpu.memory_space<vmem>> -> memref<128xi32, #tpu.memory_space<vmem>>
        %dma_start3A_445 = arith.constant 0 : i32
        %dma_start3A_446 = arith.constant 0 : i32
        %dma_start3A_447 = tpu.memref_slice %arg4[%dma_start3A_445, %dma_start3A_446] : memref<10000x128xf32, #tpu.memory_space<hbm>> -> memref<10000x128xf32, #tpu.memory_space<hbm>>
        tpu.enqueue_indirect_dma source(%dma_start3A_447 : memref<10000x128xf32, #tpu.memory_space<hbm>>) target(%dma_start3A_441 : memref<128x128xf32, #tpu.memory_space<vmem>>) offsets(%dma_start3A_444 : memref<128xi32, #tpu.memory_space<vmem>>) semaphore(%arg17 : memref<!tpu.dma_semaphore, #tpu.memory_space<semaphore_mem>>)
      } else {
      }
      %dma_wait3A_297 = arith.constant 0 : i32
      %dma_wait3A_298 = arith.constant 1 : i32
      %dma_wait3A_299 = arith.constant 0 : i32
      %dma_wait3A_300 = arith.constant 0 : i32
      %dma_wait3A_301 = tpu.memref_slice %arg9[%dma_wait3A_298, %dma_wait3A_299, %dma_wait3A_300] : memref<2x128x128xf32, #tpu.memory_space<vmem>> -> memref<1x128x128xf32, #tpu.memory_space<vmem>>
      %dma_wait3A_302 = tpu.memref_squeeze %dma_wait3A_301 : memref<1x128x128xf32, #tpu.memory_space<vmem>> -> memref<128x128xf32, #tpu.memory_space<vmem>>
      %dma_wait3A_303 = arith.constant 0 : i32
      %dma_wait3A_304 = tpu.memref_slice %arg7[%dma_wait3A_297, %dma_wait3A_303] : memref<3x128xi32, #tpu.memory_space<vmem>> -> memref<1x128xi32, #tpu.memory_space<vmem>>
      %dma_wait3A_305 = tpu.memref_squeeze %dma_wait3A_304 : memref<1x128xi32, #tpu.memory_space<vmem>> -> memref<128xi32, #tpu.memory_space<vmem>>
      %dma_wait3A_306 = arith.constant 0 : i32
      %dma_wait3A_307 = arith.constant 0 : i32
      %dma_wait3A_308 = tpu.memref_slice %arg4[%dma_wait3A_306, %dma_wait3A_307] : memref<10000x128xf32, #tpu.memory_space<hbm>> -> memref<10000x128xf32, #tpu.memory_space<hbm>>
      tpu.wait_indirect_dma semaphore(%arg18 : memref<!tpu.dma_semaphore, #tpu.memory_space<semaphore_mem>>) src(%dma_wait3A_308 : memref<10000x128xf32, #tpu.memory_space<hbm>>) dst(%dma_wait3A_302 : memref<128x128xf32, #tpu.memory_space<vmem>>)
      %dma_start3A_309 = arith.constant 1 : i32
      %dma_start3A_310 = arith.constant 0 : i32
      %dma_start3A_311 = arith.constant 0 : i32
      %dma_start3A_312 = arith.constant 0 : i32
      %dma_start3A_313 = tpu.memref_slice %arg9[%dma_start3A_309, %dma_start3A_311, %dma_start3A_312] : memref<2x128x128xf32, #tpu.memory_space<vmem>> -> memref<1x128x128xf32, #tpu.memory_space<vmem>>
      %dma_start3A_314 = tpu.memref_squeeze %dma_start3A_313 : memref<1x128x128xf32, #tpu.memory_space<vmem>> -> memref<128x128xf32, #tpu.memory_space<vmem>>
      %dma_start3A_315 = arith.constant 0 : i32
      %dma_start3A_316 = tpu.memref_slice %arg8[%dma_start3A_310, %dma_start3A_315] : memref<3x128xi32, #tpu.memory_space<vmem>> -> memref<1x128xi32, #tpu.memory_space<vmem>>
      %dma_start3A_317 = tpu.memref_squeeze %dma_start3A_316 : memref<1x128xi32, #tpu.memory_space<vmem>> -> memref<128xi32, #tpu.memory_space<vmem>>
      %dma_start3A_318 = arith.constant 0 : i32
      %dma_start3A_319 = arith.constant 0 : i32
      %dma_start3A_320 = tpu.memref_slice %arg13[%dma_start3A_318, %dma_start3A_319] : memref<10240x128xf32, #tpu.memory_space<vmem_shared>> -> memref<10240x128xf32, #tpu.memory_space<vmem_shared>>
      tpu.enqueue_indirect_dma source(%dma_start3A_314 : memref<128x128xf32, #tpu.memory_space<vmem>>) target(%dma_start3A_320 : memref<10240x128xf32, #tpu.memory_space<vmem_shared>>) offsets(%dma_start3A_317 : memref<128xi32, #tpu.memory_space<vmem>>) semaphore(%arg20 : memref<!tpu.dma_semaphore, #tpu.memory_space<semaphore_mem>>) {add = true}
      %add3A_321 = arith.constant 2 : i32
      %add3A_322 = arith.addi %add3A_277, %add3A_321 : i32
      %lt3A_323 = arith.constant 78 : i32
      %lt3A_324 = arith.cmpi slt, %add3A_322, %lt3A_323 : i32
      %convert_element_type3A_325 = arith.extui %lt3A_324 : i1 to i32
      %cond3A_326 = arith.constant 0 : i32
      %cond3A_327 = arith.cmpi ne, %convert_element_type3A_325, %cond3A_326 : i32
      scf.if %cond3A_327 {
        %add3A_436 = arith.constant 2 : i32
        %add3A_437 = arith.addi %add3A_277, %add3A_436 : i32
        %mul3A_438 = arith.constant 128 : i32
        %mul3A_439 = arith.muli %add3A_437, %mul3A_438 : i32
        %add3A_440 = arith.addi %mul3A_4, %mul3A_439 : i32
        %dma_start3A_441 = arith.constant 2 : i32
        %dma_start3A_442 = arith.constant 0 : i32
        %dma_start3A_443 = tpu.memref_slice %arg7[%dma_start3A_441, %dma_start3A_442] : memref<3x128xi32, #tpu.memory_space<vmem>> -> memref<1x128xi32, #tpu.memory_space<vmem>>
        %dma_start3A_444 = tpu.memref_squeeze %dma_start3A_443 : memref<1x128xi32, #tpu.memory_space<vmem>> -> memref<128xi32, #tpu.memory_space<vmem>>
        %dma_start3A_445 = tpu.memref_slice %arg2[%add3A_440] : memref<320000xi32, #tpu.memory_space<hbm>> -> memref<128xi32, #tpu.memory_space<hbm>>
        %dma_start3A_446 = arith.constant 0 : i32
        %dma_start3A_447 = tpu.memref_slice %arg7[%dma_start3A_441, %dma_start3A_446] : memref<3x128xi32, #tpu.memory_space<vmem>> -> memref<1x128xi32, #tpu.memory_space<vmem>>
        %dma_start3A_448 = tpu.memref_squeeze %dma_start3A_447 : memref<1x128xi32, #tpu.memory_space<vmem>> -> memref<128xi32, #tpu.memory_space<vmem>>
        %dma_start3A_449 = tpu.memref_slice %arg2[%add3A_440] : memref<320000xi32, #tpu.memory_space<hbm>> -> memref<128xi32, #tpu.memory_space<hbm>>
        tpu.enqueue_dma source(%dma_start3A_449 : memref<128xi32, #tpu.memory_space<hbm>>) target(%dma_start3A_448 : memref<128xi32, #tpu.memory_space<vmem>>) target_semaphore(%arg16 : memref<!tpu.dma_semaphore, #tpu.memory_space<semaphore_mem>>)
        %mul3A_450 = arith.constant 128 : i32
        %mul3A_451 = arith.muli %add3A_437, %mul3A_450 : i32
        %add3A_452 = arith.addi %mul3A_4, %mul3A_451 : i32
        %dma_start3A_453 = arith.constant 2 : i32
        %dma_start3A_454 = arith.constant 0 : i32
        %dma_start3A_455 = tpu.memref_slice %arg8[%dma_start3A_453, %dma_start3A_454] : memref<3x128xi32, #tpu.memory_space<vmem>> -> memref<1x128xi32, #tpu.memory_space<vmem>>
        %dma_start3A_456 = tpu.memref_squeeze %dma_start3A_455 : memref<1x128xi32, #tpu.memory_space<vmem>> -> memref<128xi32, #tpu.memory_space<vmem>>
        %dma_start3A_457 = tpu.memref_slice %arg3[%add3A_452] : memref<320000xi32, #tpu.memory_space<hbm>> -> memref<128xi32, #tpu.memory_space<hbm>>
        %dma_start3A_458 = arith.constant 0 : i32
        %dma_start3A_459 = tpu.memref_slice %arg8[%dma_start3A_453, %dma_start3A_458] : memref<3x128xi32, #tpu.memory_space<vmem>> -> memref<1x128xi32, #tpu.memory_space<vmem>>
        %dma_start3A_460 = tpu.memref_squeeze %dma_start3A_459 : memref<1x128xi32, #tpu.memory_space<vmem>> -> memref<128xi32, #tpu.memory_space<vmem>>
        %dma_start3A_461 = tpu.memref_slice %arg3[%add3A_452] : memref<320000xi32, #tpu.memory_space<hbm>> -> memref<128xi32, #tpu.memory_space<hbm>>
        tpu.enqueue_dma source(%dma_start3A_461 : memref<128xi32, #tpu.memory_space<hbm>>) target(%dma_start3A_460 : memref<128xi32, #tpu.memory_space<vmem>>) target_semaphore(%arg16 : memref<!tpu.dma_semaphore, #tpu.memory_space<semaphore_mem>>)
      } else {
      }
      %mul3A_328 = arith.constant 6 : i32
      %mul3A_329 = arith.muli %scan3A_115, %mul3A_328 : i32
      %add3A_330 = arith.constant 4 : i32
      %add3A_331 = arith.addi %mul3A_329, %add3A_330 : i32
      %add3A_332 = arith.constant 1 : i32
      %add3A_333 = arith.addi %add3A_331, %add3A_332 : i32
      %lt3A_334 = arith.constant 78 : i32
      %lt3A_335 = arith.cmpi slt, %add3A_333, %lt3A_334 : i32
      %convert_element_type3A_336 = arith.extui %lt3A_335 : i1 to i32
      %cond3A_337 = arith.constant 0 : i32
      %cond3A_338 = arith.cmpi ne, %convert_element_type3A_336, %cond3A_337 : i32
      scf.if %cond3A_338 {
        %dma_wait3A_436 = arith.constant 2 : i32
        %dma_wait3A_437 = arith.constant 0 : i32
        %dma_wait3A_438 = tpu.memref_slice %arg7[%dma_wait3A_436, %dma_wait3A_437] : memref<3x128xi32, #tpu.memory_space<vmem>> -> memref<1x128xi32, #tpu.memory_space<vmem>>
        %dma_wait3A_439 = tpu.memref_squeeze %dma_wait3A_438 : memref<1x128xi32, #tpu.memory_space<vmem>> -> memref<128xi32, #tpu.memory_space<vmem>>
        %dma_wait3A_440 = arith.constant 0 : i32
        %dma_wait3A_441 = tpu.memref_slice %arg2[%dma_wait3A_440] : memref<320000xi32, #tpu.memory_space<hbm>> -> memref<128xi32, #tpu.memory_space<hbm>>
        %dma_wait3A_442 = arith.constant 0 : i32
        %dma_wait3A_443 = tpu.memref_slice %arg7[%dma_wait3A_436, %dma_wait3A_442] : memref<3x128xi32, #tpu.memory_space<vmem>> -> memref<1x128xi32, #tpu.memory_space<vmem>>
        %dma_wait3A_444 = tpu.memref_squeeze %dma_wait3A_443 : memref<1x128xi32, #tpu.memory_space<vmem>> -> memref<128xi32, #tpu.memory_space<vmem>>
        %dma_wait3A_445 = arith.constant 0 : i32
        %dma_wait3A_446 = tpu.memref_slice %arg2[%dma_wait3A_445] : memref<320000xi32, #tpu.memory_space<hbm>> -> memref<128xi32, #tpu.memory_space<hbm>>
        tpu.wait_dma2 semaphore(%arg16 : memref<!tpu.dma_semaphore, #tpu.memory_space<semaphore_mem>>) src(%dma_wait3A_446 : memref<128xi32, #tpu.memory_space<hbm>>) dst(%dma_wait3A_444 : memref<128xi32, #tpu.memory_space<vmem>>)
        %dma_wait3A_447 = arith.constant 2 : i32
        %dma_wait3A_448 = arith.constant 0 : i32
        %dma_wait3A_449 = tpu.memref_slice %arg8[%dma_wait3A_447, %dma_wait3A_448] : memref<3x128xi32, #tpu.memory_space<vmem>> -> memref<1x128xi32, #tpu.memory_space<vmem>>
        %dma_wait3A_450 = tpu.memref_squeeze %dma_wait3A_449 : memref<1x128xi32, #tpu.memory_space<vmem>> -> memref<128xi32, #tpu.memory_space<vmem>>
        %dma_wait3A_451 = arith.constant 0 : i32
        %dma_wait3A_452 = tpu.memref_slice %arg3[%dma_wait3A_451] : memref<320000xi32, #tpu.memory_space<hbm>> -> memref<128xi32, #tpu.memory_space<hbm>>
        %dma_wait3A_453 = arith.constant 0 : i32
        %dma_wait3A_454 = tpu.memref_slice %arg8[%dma_wait3A_447, %dma_wait3A_453] : memref<3x128xi32, #tpu.memory_space<vmem>> -> memref<1x128xi32, #tpu.memory_space<vmem>>
        %dma_wait3A_455 = tpu.memref_squeeze %dma_wait3A_454 : memref<1x128xi32, #tpu.memory_space<vmem>> -> memref<128xi32, #tpu.memory_space<vmem>>
        %dma_wait3A_456 = arith.constant 0 : i32
        %dma_wait3A_457 = tpu.memref_slice %arg3[%dma_wait3A_456] : memref<320000xi32, #tpu.memory_space<hbm>> -> memref<128xi32, #tpu.memory_space<hbm>>
        tpu.wait_dma2 semaphore(%arg16 : memref<!tpu.dma_semaphore, #tpu.memory_space<semaphore_mem>>) src(%dma_wait3A_457 : memref<128xi32, #tpu.memory_space<hbm>>) dst(%dma_wait3A_455 : memref<128xi32, #tpu.memory_space<vmem>>)
      } else {
      }
      %ge3A_339 = arith.constant 1 : i32
      %ge3A_340 = arith.cmpi sge, %add3A_331, %ge3A_339 : i32
      %convert_element_type3A_341 = arith.extui %ge3A_340 : i1 to i32
      %cond3A_342 = arith.constant 0 : i32
      %cond3A_343 = arith.cmpi ne, %convert_element_type3A_341, %cond3A_342 : i32
      scf.if %cond3A_343 {
        %dma_wait3A_436 = arith.constant 1 : i32
        %dma_wait3A_437 = arith.constant 0 : i32
        %dma_wait3A_438 = arith.constant 0 : i32
        %dma_wait3A_439 = arith.constant 0 : i32
        %dma_wait3A_440 = tpu.memref_slice %arg9[%dma_wait3A_436, %dma_wait3A_438, %dma_wait3A_439] : memref<2x128x128xf32, #tpu.memory_space<vmem>> -> memref<1x128x128xf32, #tpu.memory_space<vmem>>
        %dma_wait3A_441 = tpu.memref_squeeze %dma_wait3A_440 : memref<1x128x128xf32, #tpu.memory_space<vmem>> -> memref<128x128xf32, #tpu.memory_space<vmem>>
        %dma_wait3A_442 = arith.constant 0 : i32
        %dma_wait3A_443 = tpu.memref_slice %arg8[%dma_wait3A_437, %dma_wait3A_442] : memref<3x128xi32, #tpu.memory_space<vmem>> -> memref<1x128xi32, #tpu.memory_space<vmem>>
        %dma_wait3A_444 = tpu.memref_squeeze %dma_wait3A_443 : memref<1x128xi32, #tpu.memory_space<vmem>> -> memref<128xi32, #tpu.memory_space<vmem>>
        %dma_wait3A_445 = arith.constant 0 : i32
        %dma_wait3A_446 = arith.constant 0 : i32
        %dma_wait3A_447 = tpu.memref_slice %arg13[%dma_wait3A_445, %dma_wait3A_446] : memref<10240x128xf32, #tpu.memory_space<vmem_shared>> -> memref<10240x128xf32, #tpu.memory_space<vmem_shared>>
        tpu.wait_indirect_dma semaphore(%arg20 : memref<!tpu.dma_semaphore, #tpu.memory_space<semaphore_mem>>) src(%dma_wait3A_441 : memref<128x128xf32, #tpu.memory_space<vmem>>) dst(%dma_wait3A_447 : memref<10240x128xf32, #tpu.memory_space<vmem_shared>>)
      } else {
      }
      %add3A_344 = arith.constant 1 : i32
      %add3A_345 = arith.addi %add3A_331, %add3A_344 : i32
      %lt3A_346 = arith.constant 78 : i32
      %lt3A_347 = arith.cmpi slt, %add3A_345, %lt3A_346 : i32
      %convert_element_type3A_348 = arith.extui %lt3A_347 : i1 to i32
      %cond3A_349 = arith.constant 0 : i32
      %cond3A_350 = arith.cmpi ne, %convert_element_type3A_348, %cond3A_349 : i32
      scf.if %cond3A_350 {
        %dma_start3A_436 = arith.constant 2 : i32
        %dma_start3A_437 = arith.constant 1 : i32
        %dma_start3A_438 = arith.constant 0 : i32
        %dma_start3A_439 = arith.constant 0 : i32
        %dma_start3A_440 = tpu.memref_slice %arg9[%dma_start3A_437, %dma_start3A_438, %dma_start3A_439] : memref<2x128x128xf32, #tpu.memory_space<vmem>> -> memref<1x128x128xf32, #tpu.memory_space<vmem>>
        %dma_start3A_441 = tpu.memref_squeeze %dma_start3A_440 : memref<1x128x128xf32, #tpu.memory_space<vmem>> -> memref<128x128xf32, #tpu.memory_space<vmem>>
        %dma_start3A_442 = arith.constant 0 : i32
        %dma_start3A_443 = tpu.memref_slice %arg7[%dma_start3A_436, %dma_start3A_442] : memref<3x128xi32, #tpu.memory_space<vmem>> -> memref<1x128xi32, #tpu.memory_space<vmem>>
        %dma_start3A_444 = tpu.memref_squeeze %dma_start3A_443 : memref<1x128xi32, #tpu.memory_space<vmem>> -> memref<128xi32, #tpu.memory_space<vmem>>
        %dma_start3A_445 = arith.constant 0 : i32
        %dma_start3A_446 = arith.constant 0 : i32
        %dma_start3A_447 = tpu.memref_slice %arg4[%dma_start3A_445, %dma_start3A_446] : memref<10000x128xf32, #tpu.memory_space<hbm>> -> memref<10000x128xf32, #tpu.memory_space<hbm>>
        tpu.enqueue_indirect_dma source(%dma_start3A_447 : memref<10000x128xf32, #tpu.memory_space<hbm>>) target(%dma_start3A_441 : memref<128x128xf32, #tpu.memory_space<vmem>>) offsets(%dma_start3A_444 : memref<128xi32, #tpu.memory_space<vmem>>) semaphore(%arg18 : memref<!tpu.dma_semaphore, #tpu.memory_space<semaphore_mem>>)
      } else {
      }
      %dma_wait3A_351 = arith.constant 1 : i32
      %dma_wait3A_352 = arith.constant 0 : i32
      %dma_wait3A_353 = arith.constant 0 : i32
      %dma_wait3A_354 = arith.constant 0 : i32
      %dma_wait3A_355 = tpu.memref_slice %arg9[%dma_wait3A_352, %dma_wait3A_353, %dma_wait3A_354] : memref<2x128x128xf32, #tpu.memory_space<vmem>> -> memref<1x128x128xf32, #tpu.memory_space<vmem>>
      %dma_wait3A_356 = tpu.memref_squeeze %dma_wait3A_355 : memref<1x128x128xf32, #tpu.memory_space<vmem>> -> memref<128x128xf32, #tpu.memory_space<vmem>>
      %dma_wait3A_357 = arith.constant 0 : i32
      %dma_wait3A_358 = tpu.memref_slice %arg7[%dma_wait3A_351, %dma_wait3A_357] : memref<3x128xi32, #tpu.memory_space<vmem>> -> memref<1x128xi32, #tpu.memory_space<vmem>>
      %dma_wait3A_359 = tpu.memref_squeeze %dma_wait3A_358 : memref<1x128xi32, #tpu.memory_space<vmem>> -> memref<128xi32, #tpu.memory_space<vmem>>
      %dma_wait3A_360 = arith.constant 0 : i32
      %dma_wait3A_361 = arith.constant 0 : i32
      %dma_wait3A_362 = tpu.memref_slice %arg4[%dma_wait3A_360, %dma_wait3A_361] : memref<10000x128xf32, #tpu.memory_space<hbm>> -> memref<10000x128xf32, #tpu.memory_space<hbm>>
      tpu.wait_indirect_dma semaphore(%arg17 : memref<!tpu.dma_semaphore, #tpu.memory_space<semaphore_mem>>) src(%dma_wait3A_362 : memref<10000x128xf32, #tpu.memory_space<hbm>>) dst(%dma_wait3A_356 : memref<128x128xf32, #tpu.memory_space<vmem>>)
      %dma_start3A_363 = arith.constant 0 : i32
      %dma_start3A_364 = arith.constant 1 : i32
      %dma_start3A_365 = arith.constant 0 : i32
      %dma_start3A_366 = arith.constant 0 : i32
      %dma_start3A_367 = tpu.memref_slice %arg9[%dma_start3A_363, %dma_start3A_365, %dma_start3A_366] : memref<2x128x128xf32, #tpu.memory_space<vmem>> -> memref<1x128x128xf32, #tpu.memory_space<vmem>>
      %dma_start3A_368 = tpu.memref_squeeze %dma_start3A_367 : memref<1x128x128xf32, #tpu.memory_space<vmem>> -> memref<128x128xf32, #tpu.memory_space<vmem>>
      %dma_start3A_369 = arith.constant 0 : i32
      %dma_start3A_370 = tpu.memref_slice %arg8[%dma_start3A_364, %dma_start3A_369] : memref<3x128xi32, #tpu.memory_space<vmem>> -> memref<1x128xi32, #tpu.memory_space<vmem>>
      %dma_start3A_371 = tpu.memref_squeeze %dma_start3A_370 : memref<1x128xi32, #tpu.memory_space<vmem>> -> memref<128xi32, #tpu.memory_space<vmem>>
      %dma_start3A_372 = arith.constant 0 : i32
      %dma_start3A_373 = arith.constant 0 : i32
      %dma_start3A_374 = tpu.memref_slice %arg13[%dma_start3A_372, %dma_start3A_373] : memref<10240x128xf32, #tpu.memory_space<vmem_shared>> -> memref<10240x128xf32, #tpu.memory_space<vmem_shared>>
      tpu.enqueue_indirect_dma source(%dma_start3A_368 : memref<128x128xf32, #tpu.memory_space<vmem>>) target(%dma_start3A_374 : memref<10240x128xf32, #tpu.memory_space<vmem_shared>>) offsets(%dma_start3A_371 : memref<128xi32, #tpu.memory_space<vmem>>) semaphore(%arg19 : memref<!tpu.dma_semaphore, #tpu.memory_space<semaphore_mem>>) {add = true}
      %add3A_375 = arith.constant 2 : i32
      %add3A_376 = arith.addi %add3A_331, %add3A_375 : i32
      %lt3A_377 = arith.constant 78 : i32
      %lt3A_378 = arith.cmpi slt, %add3A_376, %lt3A_377 : i32
      %convert_element_type3A_379 = arith.extui %lt3A_378 : i1 to i32
      %cond3A_380 = arith.constant 0 : i32
      %cond3A_381 = arith.cmpi ne, %convert_element_type3A_379, %cond3A_380 : i32
      scf.if %cond3A_381 {
        %add3A_436 = arith.constant 2 : i32
        %add3A_437 = arith.addi %add3A_331, %add3A_436 : i32
        %mul3A_438 = arith.constant 128 : i32
        %mul3A_439 = arith.muli %add3A_437, %mul3A_438 : i32
        %add3A_440 = arith.addi %mul3A_4, %mul3A_439 : i32
        %dma_start3A_441 = arith.constant 0 : i32
        %dma_start3A_442 = arith.constant 0 : i32
        %dma_start3A_443 = tpu.memref_slice %arg7[%dma_start3A_441, %dma_start3A_442] : memref<3x128xi32, #tpu.memory_space<vmem>> -> memref<1x128xi32, #tpu.memory_space<vmem>>
        %dma_start3A_444 = tpu.memref_squeeze %dma_start3A_443 : memref<1x128xi32, #tpu.memory_space<vmem>> -> memref<128xi32, #tpu.memory_space<vmem>>
        %dma_start3A_445 = tpu.memref_slice %arg2[%add3A_440] : memref<320000xi32, #tpu.memory_space<hbm>> -> memref<128xi32, #tpu.memory_space<hbm>>
        %dma_start3A_446 = arith.constant 0 : i32
        %dma_start3A_447 = tpu.memref_slice %arg7[%dma_start3A_441, %dma_start3A_446] : memref<3x128xi32, #tpu.memory_space<vmem>> -> memref<1x128xi32, #tpu.memory_space<vmem>>
        %dma_start3A_448 = tpu.memref_squeeze %dma_start3A_447 : memref<1x128xi32, #tpu.memory_space<vmem>> -> memref<128xi32, #tpu.memory_space<vmem>>
        %dma_start3A_449 = tpu.memref_slice %arg2[%add3A_440] : memref<320000xi32, #tpu.memory_space<hbm>> -> memref<128xi32, #tpu.memory_space<hbm>>
        tpu.enqueue_dma source(%dma_start3A_449 : memref<128xi32, #tpu.memory_space<hbm>>) target(%dma_start3A_448 : memref<128xi32, #tpu.memory_space<vmem>>) target_semaphore(%arg14 : memref<!tpu.dma_semaphore, #tpu.memory_space<semaphore_mem>>)
        %mul3A_450 = arith.constant 128 : i32
        %mul3A_451 = arith.muli %add3A_437, %mul3A_450 : i32
        %add3A_452 = arith.addi %mul3A_4, %mul3A_451 : i32
        %dma_start3A_453 = arith.constant 0 : i32
        %dma_start3A_454 = arith.constant 0 : i32
        %dma_start3A_455 = tpu.memref_slice %arg8[%dma_start3A_453, %dma_start3A_454] : memref<3x128xi32, #tpu.memory_space<vmem>> -> memref<1x128xi32, #tpu.memory_space<vmem>>
        %dma_start3A_456 = tpu.memref_squeeze %dma_start3A_455 : memref<1x128xi32, #tpu.memory_space<vmem>> -> memref<128xi32, #tpu.memory_space<vmem>>
        %dma_start3A_457 = tpu.memref_slice %arg3[%add3A_452] : memref<320000xi32, #tpu.memory_space<hbm>> -> memref<128xi32, #tpu.memory_space<hbm>>
        %dma_start3A_458 = arith.constant 0 : i32
        %dma_start3A_459 = tpu.memref_slice %arg8[%dma_start3A_453, %dma_start3A_458] : memref<3x128xi32, #tpu.memory_space<vmem>> -> memref<1x128xi32, #tpu.memory_space<vmem>>
        %dma_start3A_460 = tpu.memref_squeeze %dma_start3A_459 : memref<1x128xi32, #tpu.memory_space<vmem>> -> memref<128xi32, #tpu.memory_space<vmem>>
        %dma_start3A_461 = tpu.memref_slice %arg3[%add3A_452] : memref<320000xi32, #tpu.memory_space<hbm>> -> memref<128xi32, #tpu.memory_space<hbm>>
        tpu.enqueue_dma source(%dma_start3A_461 : memref<128xi32, #tpu.memory_space<hbm>>) target(%dma_start3A_460 : memref<128xi32, #tpu.memory_space<vmem>>) target_semaphore(%arg14 : memref<!tpu.dma_semaphore, #tpu.memory_space<semaphore_mem>>)
      } else {
      }
      %mul3A_382 = arith.constant 6 : i32
      %mul3A_383 = arith.muli %scan3A_115, %mul3A_382 : i32
      %add3A_384 = arith.constant 5 : i32
      %add3A_385 = arith.addi %mul3A_383, %add3A_384 : i32
      %add3A_386 = arith.constant 1 : i32
      %add3A_387 = arith.addi %add3A_385, %add3A_386 : i32
      %lt3A_388 = arith.constant 78 : i32
      %lt3A_389 = arith.cmpi slt, %add3A_387, %lt3A_388 : i32
      %convert_element_type3A_390 = arith.extui %lt3A_389 : i1 to i32
      %cond3A_391 = arith.constant 0 : i32
      %cond3A_392 = arith.cmpi ne, %convert_element_type3A_390, %cond3A_391 : i32
      scf.if %cond3A_392 {
        %dma_wait3A_436 = arith.constant 0 : i32
        %dma_wait3A_437 = arith.constant 0 : i32
        %dma_wait3A_438 = tpu.memref_slice %arg7[%dma_wait3A_436, %dma_wait3A_437] : memref<3x128xi32, #tpu.memory_space<vmem>> -> memref<1x128xi32, #tpu.memory_space<vmem>>
        %dma_wait3A_439 = tpu.memref_squeeze %dma_wait3A_438 : memref<1x128xi32, #tpu.memory_space<vmem>> -> memref<128xi32, #tpu.memory_space<vmem>>
        %dma_wait3A_440 = arith.constant 0 : i32
        %dma_wait3A_441 = tpu.memref_slice %arg2[%dma_wait3A_440] : memref<320000xi32, #tpu.memory_space<hbm>> -> memref<128xi32, #tpu.memory_space<hbm>>
        %dma_wait3A_442 = arith.constant 0 : i32
        %dma_wait3A_443 = tpu.memref_slice %arg7[%dma_wait3A_436, %dma_wait3A_442] : memref<3x128xi32, #tpu.memory_space<vmem>> -> memref<1x128xi32, #tpu.memory_space<vmem>>
        %dma_wait3A_444 = tpu.memref_squeeze %dma_wait3A_443 : memref<1x128xi32, #tpu.memory_space<vmem>> -> memref<128xi32, #tpu.memory_space<vmem>>
        %dma_wait3A_445 = arith.constant 0 : i32
        %dma_wait3A_446 = tpu.memref_slice %arg2[%dma_wait3A_445] : memref<320000xi32, #tpu.memory_space<hbm>> -> memref<128xi32, #tpu.memory_space<hbm>>
        tpu.wait_dma2 semaphore(%arg14 : memref<!tpu.dma_semaphore, #tpu.memory_space<semaphore_mem>>) src(%dma_wait3A_446 : memref<128xi32, #tpu.memory_space<hbm>>) dst(%dma_wait3A_444 : memref<128xi32, #tpu.memory_space<vmem>>)
        %dma_wait3A_447 = arith.constant 0 : i32
        %dma_wait3A_448 = arith.constant 0 : i32
        %dma_wait3A_449 = tpu.memref_slice %arg8[%dma_wait3A_447, %dma_wait3A_448] : memref<3x128xi32, #tpu.memory_space<vmem>> -> memref<1x128xi32, #tpu.memory_space<vmem>>
        %dma_wait3A_450 = tpu.memref_squeeze %dma_wait3A_449 : memref<1x128xi32, #tpu.memory_space<vmem>> -> memref<128xi32, #tpu.memory_space<vmem>>
        %dma_wait3A_451 = arith.constant 0 : i32
        %dma_wait3A_452 = tpu.memref_slice %arg3[%dma_wait3A_451] : memref<320000xi32, #tpu.memory_space<hbm>> -> memref<128xi32, #tpu.memory_space<hbm>>
        %dma_wait3A_453 = arith.constant 0 : i32
        %dma_wait3A_454 = tpu.memref_slice %arg8[%dma_wait3A_447, %dma_wait3A_453] : memref<3x128xi32, #tpu.memory_space<vmem>> -> memref<1x128xi32, #tpu.memory_space<vmem>>
        %dma_wait3A_455 = tpu.memref_squeeze %dma_wait3A_454 : memref<1x128xi32, #tpu.memory_space<vmem>> -> memref<128xi32, #tpu.memory_space<vmem>>
        %dma_wait3A_456 = arith.constant 0 : i32
        %dma_wait3A_457 = tpu.memref_slice %arg3[%dma_wait3A_456] : memref<320000xi32, #tpu.memory_space<hbm>> -> memref<128xi32, #tpu.memory_space<hbm>>
        tpu.wait_dma2 semaphore(%arg14 : memref<!tpu.dma_semaphore, #tpu.memory_space<semaphore_mem>>) src(%dma_wait3A_457 : memref<128xi32, #tpu.memory_space<hbm>>) dst(%dma_wait3A_455 : memref<128xi32, #tpu.memory_space<vmem>>)
      } else {
      }
      %ge3A_393 = arith.constant 1 : i32
      %ge3A_394 = arith.cmpi sge, %add3A_385, %ge3A_393 : i32
      %convert_element_type3A_395 = arith.extui %ge3A_394 : i1 to i32
      %cond3A_396 = arith.constant 0 : i32
      %cond3A_397 = arith.cmpi ne, %convert_element_type3A_395, %cond3A_396 : i32
      scf.if %cond3A_397 {
        %dma_wait3A_436 = arith.constant 0 : i32
        %dma_wait3A_437 = arith.constant 1 : i32
        %dma_wait3A_438 = arith.constant 0 : i32
        %dma_wait3A_439 = arith.constant 0 : i32
        %dma_wait3A_440 = tpu.memref_slice %arg9[%dma_wait3A_436, %dma_wait3A_438, %dma_wait3A_439] : memref<2x128x128xf32, #tpu.memory_space<vmem>> -> memref<1x128x128xf32, #tpu.memory_space<vmem>>
        %dma_wait3A_441 = tpu.memref_squeeze %dma_wait3A_440 : memref<1x128x128xf32, #tpu.memory_space<vmem>> -> memref<128x128xf32, #tpu.memory_space<vmem>>
        %dma_wait3A_442 = arith.constant 0 : i32
        %dma_wait3A_443 = tpu.memref_slice %arg8[%dma_wait3A_437, %dma_wait3A_442] : memref<3x128xi32, #tpu.memory_space<vmem>> -> memref<1x128xi32, #tpu.memory_space<vmem>>
        %dma_wait3A_444 = tpu.memref_squeeze %dma_wait3A_443 : memref<1x128xi32, #tpu.memory_space<vmem>> -> memref<128xi32, #tpu.memory_space<vmem>>
        %dma_wait3A_445 = arith.constant 0 : i32
        %dma_wait3A_446 = arith.constant 0 : i32
        %dma_wait3A_447 = tpu.memref_slice %arg13[%dma_wait3A_445, %dma_wait3A_446] : memref<10240x128xf32, #tpu.memory_space<vmem_shared>> -> memref<10240x128xf32, #tpu.memory_space<vmem_shared>>
        tpu.wait_indirect_dma semaphore(%arg19 : memref<!tpu.dma_semaphore, #tpu.memory_space<semaphore_mem>>) src(%dma_wait3A_441 : memref<128x128xf32, #tpu.memory_space<vmem>>) dst(%dma_wait3A_447 : memref<10240x128xf32, #tpu.memory_space<vmem_shared>>)
      } else {
      }
      %add3A_398 = arith.constant 1 : i32
      %add3A_399 = arith.addi %add3A_385, %add3A_398 : i32
      %lt3A_400 = arith.constant 78 : i32
      %lt3A_401 = arith.cmpi slt, %add3A_399, %lt3A_400 : i32
      %convert_element_type3A_402 = arith.extui %lt3A_401 : i1 to i32
      %cond3A_403 = arith.constant 0 : i32
      %cond3A_404 = arith.cmpi ne, %convert_element_type3A_402, %cond3A_403 : i32
      scf.if %cond3A_404 {
        %dma_start3A_436 = arith.constant 0 : i32
        %dma_start3A_437 = arith.constant 0 : i32
        %dma_start3A_438 = arith.constant 0 : i32
        %dma_start3A_439 = arith.constant 0 : i32
        %dma_start3A_440 = tpu.memref_slice %arg9[%dma_start3A_437, %dma_start3A_438, %dma_start3A_439] : memref<2x128x128xf32, #tpu.memory_space<vmem>> -> memref<1x128x128xf32, #tpu.memory_space<vmem>>
        %dma_start3A_441 = tpu.memref_squeeze %dma_start3A_440 : memref<1x128x128xf32, #tpu.memory_space<vmem>> -> memref<128x128xf32, #tpu.memory_space<vmem>>
        %dma_start3A_442 = arith.constant 0 : i32
        %dma_start3A_443 = tpu.memref_slice %arg7[%dma_start3A_436, %dma_start3A_442] : memref<3x128xi32, #tpu.memory_space<vmem>> -> memref<1x128xi32, #tpu.memory_space<vmem>>
        %dma_start3A_444 = tpu.memref_squeeze %dma_start3A_443 : memref<1x128xi32, #tpu.memory_space<vmem>> -> memref<128xi32, #tpu.memory_space<vmem>>
        %dma_start3A_445 = arith.constant 0 : i32
        %dma_start3A_446 = arith.constant 0 : i32
        %dma_start3A_447 = tpu.memref_slice %arg4[%dma_start3A_445, %dma_start3A_446] : memref<10000x128xf32, #tpu.memory_space<hbm>> -> memref<10000x128xf32, #tpu.memory_space<hbm>>
        tpu.enqueue_indirect_dma source(%dma_start3A_447 : memref<10000x128xf32, #tpu.memory_space<hbm>>) target(%dma_start3A_441 : memref<128x128xf32, #tpu.memory_space<vmem>>) offsets(%dma_start3A_444 : memref<128xi32, #tpu.memory_space<vmem>>) semaphore(%arg17 : memref<!tpu.dma_semaphore, #tpu.memory_space<semaphore_mem>>)
      } else {
      }
      %dma_wait3A_405 = arith.constant 2 : i32
      %dma_wait3A_406 = arith.constant 1 : i32
      %dma_wait3A_407 = arith.constant 0 : i32
      %dma_wait3A_408 = arith.constant 0 : i32
      %dma_wait3A_409 = tpu.memref_slice %arg9[%dma_wait3A_406, %dma_wait3A_407, %dma_wait3A_408] : memref<2x128x128xf32, #tpu.memory_space<vmem>> -> memref<1x128x128xf32, #tpu.memory_space<vmem>>
      %dma_wait3A_410 = tpu.memref_squeeze %dma_wait3A_409 : memref<1x128x128xf32, #tpu.memory_space<vmem>> -> memref<128x128xf32, #tpu.memory_space<vmem>>
      %dma_wait3A_411 = arith.constant 0 : i32
      %dma_wait3A_412 = tpu.memref_slice %arg7[%dma_wait3A_405, %dma_wait3A_411] : memref<3x128xi32, #tpu.memory_space<vmem>> -> memref<1x128xi32, #tpu.memory_space<vmem>>
      %dma_wait3A_413 = tpu.memref_squeeze %dma_wait3A_412 : memref<1x128xi32, #tpu.memory_space<vmem>> -> memref<128xi32, #tpu.memory_space<vmem>>
      %dma_wait3A_414 = arith.constant 0 : i32
      %dma_wait3A_415 = arith.constant 0 : i32
      %dma_wait3A_416 = tpu.memref_slice %arg4[%dma_wait3A_414, %dma_wait3A_415] : memref<10000x128xf32, #tpu.memory_space<hbm>> -> memref<10000x128xf32, #tpu.memory_space<hbm>>
      tpu.wait_indirect_dma semaphore(%arg18 : memref<!tpu.dma_semaphore, #tpu.memory_space<semaphore_mem>>) src(%dma_wait3A_416 : memref<10000x128xf32, #tpu.memory_space<hbm>>) dst(%dma_wait3A_410 : memref<128x128xf32, #tpu.memory_space<vmem>>)
      %dma_start3A_417 = arith.constant 1 : i32
      %dma_start3A_418 = arith.constant 2 : i32
      %dma_start3A_419 = arith.constant 0 : i32
      %dma_start3A_420 = arith.constant 0 : i32
      %dma_start3A_421 = tpu.memref_slice %arg9[%dma_start3A_417, %dma_start3A_419, %dma_start3A_420] : memref<2x128x128xf32, #tpu.memory_space<vmem>> -> memref<1x128x128xf32, #tpu.memory_space<vmem>>
      %dma_start3A_422 = tpu.memref_squeeze %dma_start3A_421 : memref<1x128x128xf32, #tpu.memory_space<vmem>> -> memref<128x128xf32, #tpu.memory_space<vmem>>
      %dma_start3A_423 = arith.constant 0 : i32
      %dma_start3A_424 = tpu.memref_slice %arg8[%dma_start3A_418, %dma_start3A_423] : memref<3x128xi32, #tpu.memory_space<vmem>> -> memref<1x128xi32, #tpu.memory_space<vmem>>
      %dma_start3A_425 = tpu.memref_squeeze %dma_start3A_424 : memref<1x128xi32, #tpu.memory_space<vmem>> -> memref<128xi32, #tpu.memory_space<vmem>>
      %dma_start3A_426 = arith.constant 0 : i32
      %dma_start3A_427 = arith.constant 0 : i32
      %dma_start3A_428 = tpu.memref_slice %arg13[%dma_start3A_426, %dma_start3A_427] : memref<10240x128xf32, #tpu.memory_space<vmem_shared>> -> memref<10240x128xf32, #tpu.memory_space<vmem_shared>>
      tpu.enqueue_indirect_dma source(%dma_start3A_422 : memref<128x128xf32, #tpu.memory_space<vmem>>) target(%dma_start3A_428 : memref<10240x128xf32, #tpu.memory_space<vmem_shared>>) offsets(%dma_start3A_425 : memref<128xi32, #tpu.memory_space<vmem>>) semaphore(%arg20 : memref<!tpu.dma_semaphore, #tpu.memory_space<semaphore_mem>>) {add = true}
      %add3A_429 = arith.constant 2 : i32
      %add3A_430 = arith.addi %add3A_385, %add3A_429 : i32
      %lt3A_431 = arith.constant 78 : i32
      %lt3A_432 = arith.cmpi slt, %add3A_430, %lt3A_431 : i32
      %convert_element_type3A_433 = arith.extui %lt3A_432 : i1 to i32
      %cond3A_434 = arith.constant 0 : i32
      %cond3A_435 = arith.cmpi ne, %convert_element_type3A_433, %cond3A_434 : i32
      scf.if %cond3A_435 {
        %add3A_436 = arith.constant 2 : i32
        %add3A_437 = arith.addi %add3A_385, %add3A_436 : i32
        %mul3A_438 = arith.constant 128 : i32
        %mul3A_439 = arith.muli %add3A_437, %mul3A_438 : i32
        %add3A_440 = arith.addi %mul3A_4, %mul3A_439 : i32
        %dma_start3A_441 = arith.constant 1 : i32
        %dma_start3A_442 = arith.constant 0 : i32
        %dma_start3A_443 = tpu.memref_slice %arg7[%dma_start3A_441, %dma_start3A_442] : memref<3x128xi32, #tpu.memory_space<vmem>> -> memref<1x128xi32, #tpu.memory_space<vmem>>
        %dma_start3A_444 = tpu.memref_squeeze %dma_start3A_443 : memref<1x128xi32, #tpu.memory_space<vmem>> -> memref<128xi32, #tpu.memory_space<vmem>>
        %dma_start3A_445 = tpu.memref_slice %arg2[%add3A_440] : memref<320000xi32, #tpu.memory_space<hbm>> -> memref<128xi32, #tpu.memory_space<hbm>>
        %dma_start3A_446 = arith.constant 0 : i32
        %dma_start3A_447 = tpu.memref_slice %arg7[%dma_start3A_441, %dma_start3A_446] : memref<3x128xi32, #tpu.memory_space<vmem>> -> memref<1x128xi32, #tpu.memory_space<vmem>>
        %dma_start3A_448 = tpu.memref_squeeze %dma_start3A_447 : memref<1x128xi32, #tpu.memory_space<vmem>> -> memref<128xi32, #tpu.memory_space<vmem>>
        %dma_start3A_449 = tpu.memref_slice %arg2[%add3A_440] : memref<320000xi32, #tpu.memory_space<hbm>> -> memref<128xi32, #tpu.memory_space<hbm>>
        tpu.enqueue_dma source(%dma_start3A_449 : memref<128xi32, #tpu.memory_space<hbm>>) target(%dma_start3A_448 : memref<128xi32, #tpu.memory_space<vmem>>) target_semaphore(%arg15 : memref<!tpu.dma_semaphore, #tpu.memory_space<semaphore_mem>>)
        %mul3A_450 = arith.constant 128 : i32
        %mul3A_451 = arith.muli %add3A_437, %mul3A_450 : i32
        %add3A_452 = arith.addi %mul3A_4, %mul3A_451 : i32
        %dma_start3A_453 = arith.constant 1 : i32
        %dma_start3A_454 = arith.constant 0 : i32
        %dma_start3A_455 = tpu.memref_slice %arg8[%dma_start3A_453, %dma_start3A_454] : memref<3x128xi32, #tpu.memory_space<vmem>> -> memref<1x128xi32, #tpu.memory_space<vmem>>
        %dma_start3A_456 = tpu.memref_squeeze %dma_start3A_455 : memref<1x128xi32, #tpu.memory_space<vmem>> -> memref<128xi32, #tpu.memory_space<vmem>>
        %dma_start3A_457 = tpu.memref_slice %arg3[%add3A_452] : memref<320000xi32, #tpu.memory_space<hbm>> -> memref<128xi32, #tpu.memory_space<hbm>>
        %dma_start3A_458 = arith.constant 0 : i32
        %dma_start3A_459 = tpu.memref_slice %arg8[%dma_start3A_453, %dma_start3A_458] : memref<3x128xi32, #tpu.memory_space<vmem>> -> memref<1x128xi32, #tpu.memory_space<vmem>>
        %dma_start3A_460 = tpu.memref_squeeze %dma_start3A_459 : memref<1x128xi32, #tpu.memory_space<vmem>> -> memref<128xi32, #tpu.memory_space<vmem>>
        %dma_start3A_461 = tpu.memref_slice %arg3[%add3A_452] : memref<320000xi32, #tpu.memory_space<hbm>> -> memref<128xi32, #tpu.memory_space<hbm>>
        tpu.enqueue_dma source(%dma_start3A_461 : memref<128xi32, #tpu.memory_space<hbm>>) target(%dma_start3A_460 : memref<128xi32, #tpu.memory_space<vmem>>) target_semaphore(%arg15 : memref<!tpu.dma_semaphore, #tpu.memory_space<semaphore_mem>>)
      } else {
      }
    }
    %scan3A_93 = arith.constant 13 : i32
    %dma_wait3A_94 = arith.constant 1 : i32
    %dma_wait3A_95 = arith.constant 2 : i32
    %dma_wait3A_96 = arith.constant 0 : i32
    %dma_wait3A_97 = arith.constant 0 : i32
    %dma_wait3A_98 = tpu.memref_slice %arg9[%dma_wait3A_94, %dma_wait3A_96, %dma_wait3A_97] : memref<2x128x128xf32, #tpu.memory_space<vmem>> -> memref<1x128x128xf32, #tpu.memory_space<vmem>>
    %dma_wait3A_99 = tpu.memref_squeeze %dma_wait3A_98 : memref<1x128x128xf32, #tpu.memory_space<vmem>> -> memref<128x128xf32, #tpu.memory_space<vmem>>
    %dma_wait3A_100 = arith.constant 0 : i32
    %dma_wait3A_101 = tpu.memref_slice %arg8[%dma_wait3A_95, %dma_wait3A_100] : memref<3x128xi32, #tpu.memory_space<vmem>> -> memref<1x128xi32, #tpu.memory_space<vmem>>
    %dma_wait3A_102 = tpu.memref_squeeze %dma_wait3A_101 : memref<1x128xi32, #tpu.memory_space<vmem>> -> memref<128xi32, #tpu.memory_space<vmem>>
    %dma_wait3A_103 = arith.constant 0 : i32
    %dma_wait3A_104 = arith.constant 0 : i32
    %dma_wait3A_105 = tpu.memref_slice %arg13[%dma_wait3A_103, %dma_wait3A_104] : memref<10240x128xf32, #tpu.memory_space<vmem_shared>> -> memref<10240x128xf32, #tpu.memory_space<vmem_shared>>
    tpu.wait_indirect_dma semaphore(%arg20 : memref<!tpu.dma_semaphore, #tpu.memory_space<semaphore_mem>>) src(%dma_wait3A_99 : memref<128x128xf32, #tpu.memory_space<vmem>>) dst(%dma_wait3A_105 : memref<10240x128xf32, #tpu.memory_space<vmem_shared>>)
    %add3A_106 = arith.constant 9984 : i32
    %add3A_107 = arith.addi %mul3A_4, %add3A_106 : i32
    "tpu.region"() ({
      %run_scoped3A = tpu.sem_alloc : memref<!tpu.dma_semaphore, #tpu.memory_space<semaphore_mem>>
      %dma_start3A_115 = tpu.memref_slice %arg2[%add3A_107] : memref<320000xi32, #tpu.memory_space<hbm>> -> memref<16xi32, #tpu.memory_space<hbm>>
      %dma_start3A_116 = tpu.memref_slice %arg2[%add3A_107] : memref<320000xi32, #tpu.memory_space<hbm>> -> memref<16xi32, #tpu.memory_space<hbm>>
      tpu.enqueue_dma source(%dma_start3A_116 : memref<16xi32, #tpu.memory_space<hbm>>) target(%arg10 : memref<16xi32, #tpu.memory_space<vmem>>) target_semaphore(%run_scoped3A : memref<!tpu.dma_semaphore, #tpu.memory_space<semaphore_mem>>)
      %dma_wait3A_117 = tpu.memref_slice %arg2[%add3A_107] : memref<320000xi32, #tpu.memory_space<hbm>> -> memref<16xi32, #tpu.memory_space<hbm>>
      %dma_wait3A_118 = tpu.memref_slice %arg2[%add3A_107] : memref<320000xi32, #tpu.memory_space<hbm>> -> memref<16xi32, #tpu.memory_space<hbm>>
      tpu.wait_dma2 semaphore(%run_scoped3A : memref<!tpu.dma_semaphore, #tpu.memory_space<semaphore_mem>>) src(%dma_wait3A_118 : memref<16xi32, #tpu.memory_space<hbm>>) dst(%arg10 : memref<16xi32, #tpu.memory_space<vmem>>)
      tpu.yield
    }) : () -> ()
    "tpu.region"() ({
      %run_scoped3A = tpu.sem_alloc : memref<!tpu.dma_semaphore, #tpu.memory_space<semaphore_mem>>
      %dma_start3A_115 = tpu.memref_slice %arg3[%add3A_107] : memref<320000xi32, #tpu.memory_space<hbm>> -> memref<16xi32, #tpu.memory_space<hbm>>
      %dma_start3A_116 = tpu.memref_slice %arg3[%add3A_107] : memref<320000xi32, #tpu.memory_space<hbm>> -> memref<16xi32, #tpu.memory_space<hbm>>
      tpu.enqueue_dma source(%dma_start3A_116 : memref<16xi32, #tpu.memory_space<hbm>>) target(%arg11 : memref<16xi32, #tpu.memory_space<vmem>>) target_semaphore(%run_scoped3A : memref<!tpu.dma_semaphore, #tpu.memory_space<semaphore_mem>>)
      %dma_wait3A_117 = tpu.memref_slice %arg3[%add3A_107] : memref<320000xi32, #tpu.memory_space<hbm>> -> memref<16xi32, #tpu.memory_space<hbm>>
      %dma_wait3A_118 = tpu.memref_slice %arg3[%add3A_107] : memref<320000xi32, #tpu.memory_space<hbm>> -> memref<16xi32, #tpu.memory_space<hbm>>
      tpu.wait_dma2 semaphore(%run_scoped3A : memref<!tpu.dma_semaphore, #tpu.memory_space<semaphore_mem>>) src(%dma_wait3A_118 : memref<16xi32, #tpu.memory_space<hbm>>) dst(%arg11 : memref<16xi32, #tpu.memory_space<vmem>>)
      tpu.yield
    }) : () -> ()
    %dma_start3A_108 = arith.constant 0 : i32
    %dma_start3A_109 = arith.constant 0 : i32
    %dma_start3A_110 = tpu.memref_slice %arg4[%dma_start3A_108, %dma_start3A_109] : memref<10000x128xf32, #tpu.memory_space<hbm>> -> memref<10000x128xf32, #tpu.memory_space<hbm>>
    tpu.enqueue_indirect_dma source(%dma_start3A_110 : memref<10000x128xf32, #tpu.memory_space<hbm>>) target(%arg12 : memref<16x128xf32, #tpu.memory_space<vmem>>) offsets(%arg10 : memref<16xi32, #tpu.memory_space<vmem>>) semaphore(%arg17 : memref<!tpu.dma_semaphore, #tpu.memory_space<semaphore_mem>>)
    %dma_wait3A_111 = arith.constant 0 : i32
    %dma_wait3A_112 = arith.constant 0 : i32
    %dma_wait3A_113 = tpu.memref_slice %arg4[%dma_wait3A_111, %dma_wait3A_112] : memref<10000x128xf32, #tpu.memory_space<hbm>> -> memref<10000x128xf32, #tpu.memory_space<hbm>>
    tpu.wait_indirect_dma semaphore(%arg17 : memref<!tpu.dma_semaphore, #tpu.memory_space<semaphore_mem>>) src(%dma_wait3A_113 : memref<10000x128xf32, #tpu.memory_space<hbm>>) dst(%arg12 : memref<16x128xf32, #tpu.memory_space<vmem>>)
    "tpu.region"() ({
      %run_scoped3A = tpu.sem_alloc : memref<!tpu.dma_semaphore, #tpu.memory_space<semaphore_mem>>
      %dma_start3A_115 = arith.constant 0 : i32
      %dma_start3A_116 = arith.constant 0 : i32
      %dma_start3A_117 = tpu.memref_slice %arg13[%dma_start3A_115, %dma_start3A_116] : memref<10240x128xf32, #tpu.memory_space<vmem_shared>> -> memref<10240x128xf32, #tpu.memory_space<vmem_shared>>
      tpu.enqueue_indirect_dma source(%arg12 : memref<16x128xf32, #tpu.memory_space<vmem>>) target(%dma_start3A_117 : memref<10240x128xf32, #tpu.memory_space<vmem_shared>>) offsets(%arg11 : memref<16xi32, #tpu.memory_space<vmem>>) semaphore(%run_scoped3A : memref<!tpu.dma_semaphore, #tpu.memory_space<semaphore_mem>>) {add = true}
      %dma_wait3A_118 = arith.constant 0 : i32
      %dma_wait3A_119 = arith.constant 0 : i32
      %dma_wait3A_120 = tpu.memref_slice %arg13[%dma_wait3A_118, %dma_wait3A_119] : memref<10240x128xf32, #tpu.memory_space<vmem_shared>> -> memref<10240x128xf32, #tpu.memory_space<vmem_shared>>
      tpu.wait_indirect_dma semaphore(%run_scoped3A : memref<!tpu.dma_semaphore, #tpu.memory_space<semaphore_mem>>) src(%arg12 : memref<16x128xf32, #tpu.memory_space<vmem>>) dst(%dma_wait3A_120 : memref<10240x128xf32, #tpu.memory_space<vmem_shared>>)
      tpu.yield
    }) : () -> ()
    %barrier3A_114 = arith.constant 0 : index
    tpu.barrier barrier_id(%barrier3A_114)
    "tpu.region"() ({
      %run_scoped3A = tpu.sem_alloc : memref<!tpu.dma_semaphore, #tpu.memory_space<semaphore_mem>>
      %dma_start3A_115 = arith.constant 0 : i32
      %dma_start3A_116 = tpu.memref_slice %arg6[%arg0, %mul3A_2, %dma_start3A_115] : memref<2x10240x128xf32, #tpu.memory_space<hbm>> -> memref<1x640x128xf32, #tpu.memory_space<hbm>>
      %dma_start3A_117 = tpu.memref_squeeze %dma_start3A_116 : memref<1x640x128xf32, #tpu.memory_space<hbm>> -> memref<640x128xf32, #tpu.memory_space<hbm>>
      %dma_start3A_118 = arith.constant 0 : i32
      %dma_start3A_119 = tpu.memref_slice %arg13[%mul3A_2, %dma_start3A_118] : memref<10240x128xf32, #tpu.memory_space<vmem_shared>> -> memref<640x128xf32, #tpu.memory_space<vmem_shared>>
      tpu.enqueue_dma source(%dma_start3A_119 : memref<640x128xf32, #tpu.memory_space<vmem_shared>>) target(%dma_start3A_117 : memref<640x128xf32, #tpu.memory_space<hbm>>) target_semaphore(%run_scoped3A : memref<!tpu.dma_semaphore, #tpu.memory_space<semaphore_mem>>)
      %dma_wait3A_120 = arith.constant 0 : i32
      %dma_wait3A_121 = tpu.memref_slice %arg6[%arg0, %mul3A_2, %dma_wait3A_120] : memref<2x10240x128xf32, #tpu.memory_space<hbm>> -> memref<1x640x128xf32, #tpu.memory_space<hbm>>
      %dma_wait3A_122 = tpu.memref_squeeze %dma_wait3A_121 : memref<1x640x128xf32, #tpu.memory_space<hbm>> -> memref<640x128xf32, #tpu.memory_space<hbm>>
      %dma_wait3A_123 = arith.constant 0 : i32
      %dma_wait3A_124 = tpu.memref_slice %arg13[%mul3A_2, %dma_wait3A_123] : memref<10240x128xf32, #tpu.memory_space<vmem_shared>> -> memref<640x128xf32, #tpu.memory_space<vmem_shared>>
      tpu.wait_dma2 semaphore(%run_scoped3A : memref<!tpu.dma_semaphore, #tpu.memory_space<semaphore_mem>>) src(%dma_wait3A_124 : memref<640x128xf32, #tpu.memory_space<vmem_shared>>) dst(%dma_wait3A_122 : memref<640x128xf32, #tpu.memory_space<hbm>>)
      tpu.yield
    }) : () -> ()
    return
  }
}

#map = affine_map<(d0, d1) -> (0)>
#map1 = affine_map<(d0, d1) -> (0, 0)>
#map2 = affine_map<(d0, d1) -> (0, 0, 0)>
module attributes {stable_mosaic.version = 14 : i64} {
  func.func @seg_sum(%arg0: i32, %arg1: i32, %arg2: memref<320000xi32, #tpu.memory_space<hbm>>, %arg3: memref<320000xi32, #tpu.memory_space<hbm>>, %arg4: memref<10000x128xf32, #tpu.memory_space<hbm>>, %arg5: memref<10240x128xf32, #tpu.memory_space<hbm>>, %arg6: memref<2x10240x128xf32, #tpu.memory_space<hbm>>, %arg7: memref<3x128xi32, #tpu.memory_space<vmem>>, %arg8: memref<3x128xi32, #tpu.memory_space<vmem>>, %arg9: memref<2x128x128xf32, #tpu.memory_space<vmem>>, %arg10: memref<16xi32, #tpu.memory_space<vmem>>, %arg11: memref<16xi32, #tpu.memory_space<vmem>>, %arg12: memref<16x128xf32, #tpu.memory_space<vmem>>, %arg13: memref<10240x128xf32, #tpu.memory_space<vmem_shared>>, %arg14: memref<!tpu.dma_semaphore, #tpu.memory_space<semaphore_mem>>, %arg15: memref<!tpu.dma_semaphore, #tpu.memory_space<semaphore_mem>>, %arg16: memref<!tpu.dma_semaphore, #tpu.memory_space<semaphore_mem>>, %arg17: memref<!tpu.dma_semaphore, #tpu.memory_space<semaphore_mem>>, %arg18: memref<!tpu.dma_semaphore, #tpu.memory_space<semaphore_mem>>, %arg19: memref<!tpu.dma_semaphore, #tpu.memory_space<semaphore_mem>>, %arg20: memref<!tpu.dma_semaphore, #tpu.memory_space<semaphore_mem>>, %arg21: memref<!tpu.dma_semaphore, #tpu.memory_space<semaphore_mem>>) attributes {dimension_semantics = [#tpu.dimension_semantics<core_parallel>, #tpu.dimension_semantics<subcore_parallel>], iteration_bounds = array<i64: 2, 16>, scalar_prefetch = 0 : i64, scratch_operands = 15 : i64, tpu.core_type = #tpu.core_type<sc_vector_subcore>, window_params = [{transform_indices = #map}, {transform_indices = #map}, {transform_indices = #map1}, {transform_indices = #map1}, {transform_indices = #map2}]} {
    %mul3A = arith.constant 2 : i32
    %mul3A_0 = arith.muli %arg1, %mul3A : i32
    %add3A = arith.addi %mul3A_0, %arg0 : i32
    %mul3A_1 = arith.constant 640 : i32
    %mul3A_2 = arith.muli %arg1, %mul3A_1 : i32
    %mul3A_3 = arith.constant 10000 : i32
    %mul3A_4 = arith.muli %add3A, %mul3A_3 : i32
    %dma_start3A = arith.constant 0 : i32
    %dma_start3A_5 = tpu.memref_slice %arg13[%mul3A_2, %dma_start3A] : memref<10240x128xf32, #tpu.memory_space<vmem_shared>> -> memref<640x128xf32, #tpu.memory_space<vmem_shared>>
    %dma_start3A_6 = arith.constant 0 : i32
    %dma_start3A_7 = tpu.memref_slice %arg5[%mul3A_2, %dma_start3A_6] : memref<10240x128xf32, #tpu.memory_space<hbm>> -> memref<640x128xf32, #tpu.memory_space<hbm>>
    tpu.enqueue_dma source(%dma_start3A_7 : memref<640x128xf32, #tpu.memory_space<hbm>>) target(%dma_start3A_5 : memref<640x128xf32, #tpu.memory_space<vmem_shared>>) target_semaphore(%arg21 : memref<!tpu.dma_semaphore, #tpu.memory_space<semaphore_mem>>)
    %add3A_8 = arith.constant 0 : i32
    %add3A_9 = arith.addi %mul3A_4, %add3A_8 : i32
    %dma_start3A_10 = arith.constant 0 : i32
    %dma_start3A_11 = arith.constant 0 : i32
    %dma_start3A_12 = tpu.memref_slice %arg7[%dma_start3A_10, %dma_start3A_11] : memref<3x128xi32, #tpu.memory_space<vmem>> -> memref<1x128xi32, #tpu.memory_space<vmem>>
    %dma_start3A_13 = tpu.memref_squeeze %dma_start3A_12 : memref<1x128xi32, #tpu.memory_space<vmem>> -> memref<128xi32, #tpu.memory_space<vmem>>
    %dma_start3A_14 = tpu.memref_slice %arg2[%add3A_9] : memref<320000xi32, #tpu.memory_space<hbm>> -> memref<128xi32, #tpu.memory_space<hbm>>
    %dma_start3A_15 = arith.constant 0 : i32
    %dma_start3A_16 = tpu.memref_slice %arg7[%dma_start3A_10, %dma_start3A_15] : memref<3x128xi32, #tpu.memory_space<vmem>> -> memref<1x128xi32, #tpu.memory_space<vmem>>
    %dma_start3A_17 = tpu.memref_squeeze %dma_start3A_16 : memref<1x128xi32, #tpu.memory_space<vmem>> -> memref<128xi32, #tpu.memory_space<vmem>>
    %dma_start3A_18 = tpu.memref_slice %arg2[%add3A_9] : memref<320000xi32, #tpu.memory_space<hbm>> -> memref<128xi32, #tpu.memory_space<hbm>>
    tpu.enqueue_dma source(%dma_start3A_18 : memref<128xi32, #tpu.memory_space<hbm>>) target(%dma_start3A_17 : memref<128xi32, #tpu.memory_space<vmem>>) target_semaphore(%arg14 : memref<!tpu.dma_semaphore, #tpu.memory_space<semaphore_mem>>)
    %add3A_19 = arith.constant 0 : i32
    %add3A_20 = arith.addi %mul3A_4, %add3A_19 : i32
    %dma_start3A_21 = arith.constant 0 : i32
    %dma_start3A_22 = arith.constant 0 : i32
    %dma_start3A_23 = tpu.memref_slice %arg8[%dma_start3A_21, %dma_start3A_22] : memref<3x128xi32, #tpu.memory_space<vmem>> -> memref<1x128xi32, #tpu.memory_space<vmem>>
    %dma_start3A_24 = tpu.memref_squeeze %dma_start3A_23 : memref<1x128xi32, #tpu.memory_space<vmem>> -> memref<128xi32, #tpu.memory_space<vmem>>
    %dma_start3A_25 = tpu.memref_slice %arg3[%add3A_20] : memref<320000xi32, #tpu.memory_space<hbm>> -> memref<128xi32, #tpu.memory_space<hbm>>
    %dma_start3A_26 = arith.constant 0 : i32
    %dma_start3A_27 = tpu.memref_slice %arg8[%dma_start3A_21, %dma_start3A_26] : memref<3x128xi32, #tpu.memory_space<vmem>> -> memref<1x128xi32, #tpu.memory_space<vmem>>
    %dma_start3A_28 = tpu.memref_squeeze %dma_start3A_27 : memref<1x128xi32, #tpu.memory_space<vmem>> -> memref<128xi32, #tpu.memory_space<vmem>>
    %dma_start3A_29 = tpu.memref_slice %arg3[%add3A_20] : memref<320000xi32, #tpu.memory_space<hbm>> -> memref<128xi32, #tpu.memory_space<hbm>>
    tpu.enqueue_dma source(%dma_start3A_29 : memref<128xi32, #tpu.memory_space<hbm>>) target(%dma_start3A_28 : memref<128xi32, #tpu.memory_space<vmem>>) target_semaphore(%arg14 : memref<!tpu.dma_semaphore, #tpu.memory_space<semaphore_mem>>)
    %dma_wait3A = arith.constant 0 : i32
    %dma_wait3A_30 = arith.constant 0 : i32
    %dma_wait3A_31 = tpu.memref_slice %arg7[%dma_wait3A, %dma_wait3A_30] : memref<3x128xi32, #tpu.memory_space<vmem>> -> memref<1x128xi32, #tpu.memory_space<vmem>>
    %dma_wait3A_32 = tpu.memref_squeeze %dma_wait3A_31 : memref<1x128xi32, #tpu.memory_space<vmem>> -> memref<128xi32, #tpu.memory_space<vmem>>
    %dma_wait3A_33 = arith.constant 0 : i32
    %dma_wait3A_34 = tpu.memref_slice %arg2[%dma_wait3A_33] : memref<320000xi32, #tpu.memory_space<hbm>> -> memref<128xi32, #tpu.memory_space<hbm>>
    %dma_wait3A_35 = arith.constant 0 : i32
    %dma_wait3A_36 = tpu.memref_slice %arg7[%dma_wait3A, %dma_wait3A_35] : memref<3x128xi32, #tpu.memory_space<vmem>> -> memref<1x128xi32, #tpu.memory_space<vmem>>
    %dma_wait3A_37 = tpu.memref_squeeze %dma_wait3A_36 : memref<1x128xi32, #tpu.memory_space<vmem>> -> memref<128xi32, #tpu.memory_space<vmem>>
    %dma_wait3A_38 = arith.constant 0 : i32
    %dma_wait3A_39 = tpu.memref_slice %arg2[%dma_wait3A_38] : memref<320000xi32, #tpu.memory_space<hbm>> -> memref<128xi32, #tpu.memory_space<hbm>>
    tpu.wait_dma2 semaphore(%arg14 : memref<!tpu.dma_semaphore, #tpu.memory_space<semaphore_mem>>) src(%dma_wait3A_39 : memref<128xi32, #tpu.memory_space<hbm>>) dst(%dma_wait3A_37 : memref<128xi32, #tpu.memory_space<vmem>>)
    %dma_wait3A_40 = arith.constant 0 : i32
    %dma_wait3A_41 = arith.constant 0 : i32
    %dma_wait3A_42 = tpu.memref_slice %arg8[%dma_wait3A_40, %dma_wait3A_41] : memref<3x128xi32, #tpu.memory_space<vmem>> -> memref<1x128xi32, #tpu.memory_space<vmem>>
    %dma_wait3A_43 = tpu.memref_squeeze %dma_wait3A_42 : memref<1x128xi32, #tpu.memory_space<vmem>> -> memref<128xi32, #tpu.memory_space<vmem>>
    %dma_wait3A_44 = arith.constant 0 : i32
    %dma_wait3A_45 = tpu.memref_slice %arg3[%dma_wait3A_44] : memref<320000xi32, #tpu.memory_space<hbm>> -> memref<128xi32, #tpu.memory_space<hbm>>
    %dma_wait3A_46 = arith.constant 0 : i32
    %dma_wait3A_47 = tpu.memref_slice %arg8[%dma_wait3A_40, %dma_wait3A_46] : memref<3x128xi32, #tpu.memory_space<vmem>> -> memref<1x128xi32, #tpu.memory_space<vmem>>
    %dma_wait3A_48 = tpu.memref_squeeze %dma_wait3A_47 : memref<1x128xi32, #tpu.memory_space<vmem>> -> memref<128xi32, #tpu.memory_space<vmem>>
    %dma_wait3A_49 = arith.constant 0 : i32
    %dma_wait3A_50 = tpu.memref_slice %arg3[%dma_wait3A_49] : memref<320000xi32, #tpu.memory_space<hbm>> -> memref<128xi32, #tpu.memory_space<hbm>>
    tpu.wait_dma2 semaphore(%arg14 : memref<!tpu.dma_semaphore, #tpu.memory_space<semaphore_mem>>) src(%dma_wait3A_50 : memref<128xi32, #tpu.memory_space<hbm>>) dst(%dma_wait3A_48 : memref<128xi32, #tpu.memory_space<vmem>>)
    %dma_start3A_51 = arith.constant 0 : i32
    %dma_start3A_52 = arith.constant 0 : i32
    %dma_start3A_53 = arith.constant 0 : i32
    %dma_start3A_54 = arith.constant 0 : i32
    %dma_start3A_55 = tpu.memref_slice %arg9[%dma_start3A_52, %dma_start3A_53, %dma_start3A_54] : memref<2x128x128xf32, #tpu.memory_space<vmem>> -> memref<1x128x128xf32, #tpu.memory_space<vmem>>
    %dma_start3A_56 = tpu.memref_squeeze %dma_start3A_55 : memref<1x128x128xf32, #tpu.memory_space<vmem>> -> memref<128x128xf32, #tpu.memory_space<vmem>>
    %dma_start3A_57 = arith.constant 0 : i32
    %dma_start3A_58 = tpu.memref_slice %arg7[%dma_start3A_51, %dma_start3A_57] : memref<3x128xi32, #tpu.memory_space<vmem>> -> memref<1x128xi32, #tpu.memory_space<vmem>>
    %dma_start3A_59 = tpu.memref_squeeze %dma_start3A_58 : memref<1x128xi32, #tpu.memory_space<vmem>> -> memref<128xi32, #tpu.memory_space<vmem>>
    %dma_start3A_60 = arith.constant 0 : i32
    %dma_start3A_61 = arith.constant 0 : i32
    %dma_start3A_62 = tpu.memref_slice %arg4[%dma_start3A_60, %dma_start3A_61] : memref<10000x128xf32, #tpu.memory_space<hbm>> -> memref<10000x128xf32, #tpu.memory_space<hbm>>
    tpu.enqueue_indirect_dma source(%dma_start3A_62 : memref<10000x128xf32, #tpu.memory_space<hbm>>) target(%dma_start3A_56 : memref<128x128xf32, #tpu.memory_space<vmem>>) offsets(%dma_start3A_59 : memref<128xi32, #tpu.memory_space<vmem>>) semaphore(%arg17 : memref<!tpu.dma_semaphore, #tpu.memory_space<semaphore_mem>>)
    %add3A_63 = arith.constant 128 : i32
    %add3A_64 = arith.addi %mul3A_4, %add3A_63 : i32
    %dma_start3A_65 = arith.constant 1 : i32
    %dma_start3A_66 = arith.constant 0 : i32
    %dma_start3A_67 = tpu.memref_slice %arg7[%dma_start3A_65, %dma_start3A_66] : memref<3x128xi32, #tpu.memory_space<vmem>> -> memref<1x128xi32, #tpu.memory_space<vmem>>
    %dma_start3A_68 = tpu.memref_squeeze %dma_start3A_67 : memref<1x128xi32, #tpu.memory_space<vmem>> -> memref<128xi32, #tpu.memory_space<vmem>>
    %dma_start3A_69 = tpu.memref_slice %arg2[%add3A_64] : memref<320000xi32, #tpu.memory_space<hbm>> -> memref<128xi32, #tpu.memory_space<hbm>>
    %dma_start3A_70 = arith.constant 0 : i32
    %dma_start3A_71 = tpu.memref_slice %arg7[%dma_start3A_65, %dma_start3A_70] : memref<3x128xi32, #tpu.memory_space<vmem>> -> memref<1x128xi32, #tpu.memory_space<vmem>>
    %dma_start3A_72 = tpu.memref_squeeze %dma_start3A_71 : memref<1x128xi32, #tpu.memory_space<vmem>> -> memref<128xi32, #tpu.memory_space<vmem>>
    %dma_start3A_73 = tpu.memref_slice %arg2[%add3A_64] : memref<320000xi32, #tpu.memory_space<hbm>> -> memref<128xi32, #tpu.memory_space<hbm>>
    tpu.enqueue_dma source(%dma_start3A_73 : memref<128xi32, #tpu.memory_space<hbm>>) target(%dma_start3A_72 : memref<128xi32, #tpu.memory_space<vmem>>) target_semaphore(%arg15 : memref<!tpu.dma_semaphore, #tpu.memory_space<semaphore_mem>>)
    %add3A_74 = arith.constant 128 : i32
    %add3A_75 = arith.addi %mul3A_4, %add3A_74 : i32
    %dma_start3A_76 = arith.constant 1 : i32
    %dma_start3A_77 = arith.constant 0 : i32
    %dma_start3A_78 = tpu.memref_slice %arg8[%dma_start3A_76, %dma_start3A_77] : memref<3x128xi32, #tpu.memory_space<vmem>> -> memref<1x128xi32, #tpu.memory_space<vmem>>
    %dma_start3A_79 = tpu.memref_squeeze %dma_start3A_78 : memref<1x128xi32, #tpu.memory_space<vmem>> -> memref<128xi32, #tpu.memory_space<vmem>>
    %dma_start3A_80 = tpu.memref_slice %arg3[%add3A_75] : memref<320000xi32, #tpu.memory_space<hbm>> -> memref<128xi32, #tpu.memory_space<hbm>>
    %dma_start3A_81 = arith.constant 0 : i32
    %dma_start3A_82 = tpu.memref_slice %arg8[%dma_start3A_76, %dma_start3A_81] : memref<3x128xi32, #tpu.memory_space<vmem>> -> memref<1x128xi32, #tpu.memory_space<vmem>>
    %dma_start3A_83 = tpu.memref_squeeze %dma_start3A_82 : memref<1x128xi32, #tpu.memory_space<vmem>> -> memref<128xi32, #tpu.memory_space<vmem>>
    %dma_start3A_84 = tpu.memref_slice %arg3[%add3A_75] : memref<320000xi32, #tpu.memory_space<hbm>> -> memref<128xi32, #tpu.memory_space<hbm>>
    tpu.enqueue_dma source(%dma_start3A_84 : memref<128xi32, #tpu.memory_space<hbm>>) target(%dma_start3A_83 : memref<128xi32, #tpu.memory_space<vmem>>) target_semaphore(%arg15 : memref<!tpu.dma_semaphore, #tpu.memory_space<semaphore_mem>>)
    %dma_wait3A_85 = arith.constant 0 : i32
    %dma_wait3A_86 = tpu.memref_slice %arg13[%mul3A_2, %dma_wait3A_85] : memref<10240x128xf32, #tpu.memory_space<vmem_shared>> -> memref<640x128xf32, #tpu.memory_space<vmem_shared>>
    %dma_wait3A_87 = arith.constant 0 : i32
    %dma_wait3A_88 = tpu.memref_slice %arg5[%mul3A_2, %dma_wait3A_87] : memref<10240x128xf32, #tpu.memory_space<hbm>> -> memref<640x128xf32, #tpu.memory_space<hbm>>
    tpu.wait_dma2 semaphore(%arg21 : memref<!tpu.dma_semaphore, #tpu.memory_space<semaphore_mem>>) src(%dma_wait3A_88 : memref<640x128xf32, #tpu.memory_space<hbm>>) dst(%dma_wait3A_86 : memref<640x128xf32, #tpu.memory_space<vmem_shared>>)
    %barrier3A = arith.constant 0 : index
    tpu.barrier barrier_id(%barrier3A)
    %scan3A = arith.constant 0 : i32
    %scan3A_89 = arith.constant 0 : i32
    %scan3A_90 = arith.constant 13 : i32
    %scan3A_91 = arith.addi %scan3A_89, %scan3A_90 : i32
    %scan3A_92 = arith.constant 1 : i32
    scf.for %scan3A_115 = %scan3A_89 to %scan3A_91 step %scan3A_92  : i32 {
      %mul3A_116 = arith.constant 6 : i32
      %mul3A_117 = arith.muli %scan3A_115, %mul3A_116 : i32
      %add3A_118 = arith.constant 0 : i32
      %add3A_119 = arith.addi %mul3A_117, %add3A_118 : i32
      %add3A_120 = arith.constant 1 : i32
      %add3A_121 = arith.addi %add3A_119, %add3A_120 : i32
      %lt3A = arith.constant 78 : i32
      %lt3A_122 = arith.cmpi slt, %add3A_121, %lt3A : i32
      %convert_element_type3A = arith.extui %lt3A_122 : i1 to i32
      %cond3A = arith.constant 0 : i32
      %cond3A_123 = arith.cmpi ne, %convert_element_type3A, %cond3A : i32
      scf.if %cond3A_123 {
        %dma_wait3A_436 = arith.constant 1 : i32
        %dma_wait3A_437 = arith.constant 0 : i32
        %dma_wait3A_438 = tpu.memref_slice %arg7[%dma_wait3A_436, %dma_wait3A_437] : memref<3x128xi32, #tpu.memory_space<vmem>> -> memref<1x128xi32, #tpu.memory_space<vmem>>
        %dma_wait3A_439 = tpu.memref_squeeze %dma_wait3A_438 : memref<1x128xi32, #tpu.memory_space<vmem>> -> memref<128xi32, #tpu.memory_space<vmem>>
        %dma_wait3A_440 = arith.constant 0 : i32
        %dma_wait3A_441 = tpu.memref_slice %arg2[%dma_wait3A_440] : memref<320000xi32, #tpu.memory_space<hbm>> -> memref<128xi32, #tpu.memory_space<hbm>>
        %dma_wait3A_442 = arith.constant 0 : i32
        %dma_wait3A_443 = tpu.memref_slice %arg7[%dma_wait3A_436, %dma_wait3A_442] : memref<3x128xi32, #tpu.memory_space<vmem>> -> memref<1x128xi32, #tpu.memory_space<vmem>>
        %dma_wait3A_444 = tpu.memref_squeeze %dma_wait3A_443 : memref<1x128xi32, #tpu.memory_space<vmem>> -> memref<128xi32, #tpu.memory_space<vmem>>
        %dma_wait3A_445 = arith.constant 0 : i32
        %dma_wait3A_446 = tpu.memref_slice %arg2[%dma_wait3A_445] : memref<320000xi32, #tpu.memory_space<hbm>> -> memref<128xi32, #tpu.memory_space<hbm>>
        tpu.wait_dma2 semaphore(%arg15 : memref<!tpu.dma_semaphore, #tpu.memory_space<semaphore_mem>>) src(%dma_wait3A_446 : memref<128xi32, #tpu.memory_space<hbm>>) dst(%dma_wait3A_444 : memref<128xi32, #tpu.memory_space<vmem>>)
        %dma_wait3A_447 = arith.constant 1 : i32
        %dma_wait3A_448 = arith.constant 0 : i32
        %dma_wait3A_449 = tpu.memref_slice %arg8[%dma_wait3A_447, %dma_wait3A_448] : memref<3x128xi32, #tpu.memory_space<vmem>> -> memref<1x128xi32, #tpu.memory_space<vmem>>
        %dma_wait3A_450 = tpu.memref_squeeze %dma_wait3A_449 : memref<1x128xi32, #tpu.memory_space<vmem>> -> memref<128xi32, #tpu.memory_space<vmem>>
        %dma_wait3A_451 = arith.constant 0 : i32
        %dma_wait3A_452 = tpu.memref_slice %arg3[%dma_wait3A_451] : memref<320000xi32, #tpu.memory_space<hbm>> -> memref<128xi32, #tpu.memory_space<hbm>>
        %dma_wait3A_453 = arith.constant 0 : i32
        %dma_wait3A_454 = tpu.memref_slice %arg8[%dma_wait3A_447, %dma_wait3A_453] : memref<3x128xi32, #tpu.memory_space<vmem>> -> memref<1x128xi32, #tpu.memory_space<vmem>>
        %dma_wait3A_455 = tpu.memref_squeeze %dma_wait3A_454 : memref<1x128xi32, #tpu.memory_space<vmem>> -> memref<128xi32, #tpu.memory_space<vmem>>
        %dma_wait3A_456 = arith.constant 0 : i32
        %dma_wait3A_457 = tpu.memref_slice %arg3[%dma_wait3A_456] : memref<320000xi32, #tpu.memory_space<hbm>> -> memref<128xi32, #tpu.memory_space<hbm>>
        tpu.wait_dma2 semaphore(%arg15 : memref<!tpu.dma_semaphore, #tpu.memory_space<semaphore_mem>>) src(%dma_wait3A_457 : memref<128xi32, #tpu.memory_space<hbm>>) dst(%dma_wait3A_455 : memref<128xi32, #tpu.memory_space<vmem>>)
      } else {
      }
      %ge3A = arith.constant 1 : i32
      %ge3A_124 = arith.cmpi sge, %add3A_119, %ge3A : i32
      %convert_element_type3A_125 = arith.extui %ge3A_124 : i1 to i32
      %cond3A_126 = arith.constant 0 : i32
      %cond3A_127 = arith.cmpi ne, %convert_element_type3A_125, %cond3A_126 : i32
      scf.if %cond3A_127 {
        %dma_wait3A_436 = arith.constant 1 : i32
        %dma_wait3A_437 = arith.constant 2 : i32
        %dma_wait3A_438 = arith.constant 0 : i32
        %dma_wait3A_439 = arith.constant 0 : i32
        %dma_wait3A_440 = tpu.memref_slice %arg9[%dma_wait3A_436, %dma_wait3A_438, %dma_wait3A_439] : memref<2x128x128xf32, #tpu.memory_space<vmem>> -> memref<1x128x128xf32, #tpu.memory_space<vmem>>
        %dma_wait3A_441 = tpu.memref_squeeze %dma_wait3A_440 : memref<1x128x128xf32, #tpu.memory_space<vmem>> -> memref<128x128xf32, #tpu.memory_space<vmem>>
        %dma_wait3A_442 = arith.constant 0 : i32
        %dma_wait3A_443 = tpu.memref_slice %arg8[%dma_wait3A_437, %dma_wait3A_442] : memref<3x128xi32, #tpu.memory_space<vmem>> -> memref<1x128xi32, #tpu.memory_space<vmem>>
        %dma_wait3A_444 = tpu.memref_squeeze %dma_wait3A_443 : memref<1x128xi32, #tpu.memory_space<vmem>> -> memref<128xi32, #tpu.memory_space<vmem>>
        %dma_wait3A_445 = arith.constant 0 : i32
        %dma_wait3A_446 = arith.constant 0 : i32
        %dma_wait3A_447 = tpu.memref_slice %arg13[%dma_wait3A_445, %dma_wait3A_446] : memref<10240x128xf32, #tpu.memory_space<vmem_shared>> -> memref<10240x128xf32, #tpu.memory_space<vmem_shared>>
        tpu.wait_indirect_dma semaphore(%arg20 : memref<!tpu.dma_semaphore, #tpu.memory_space<semaphore_mem>>) src(%dma_wait3A_441 : memref<128x128xf32, #tpu.memory_space<vmem>>) dst(%dma_wait3A_447 : memref<10240x128xf32, #tpu.memory_space<vmem_shared>>)
      } else {
      }
      %add3A_128 = arith.constant 1 : i32
      %add3A_129 = arith.addi %add3A_119, %add3A_128 : i32
      %lt3A_130 = arith.constant 78 : i32
      %lt3A_131 = arith.cmpi slt, %add3A_129, %lt3A_130 : i32
      %convert_element_type3A_132 = arith.extui %lt3A_131 : i1 to i32
      %cond3A_133 = arith.constant 0 : i32
      %cond3A_134 = arith.cmpi ne, %convert_element_type3A_132, %cond3A_133 : i32
      scf.if %cond3A_134 {
        %dma_start3A_436 = arith.constant 1 : i32
        %dma_start3A_437 = arith.constant 1 : i32
        %dma_start3A_438 = arith.constant 0 : i32
        %dma_start3A_439 = arith.constant 0 : i32
        %dma_start3A_440 = tpu.memref_slice %arg9[%dma_start3A_437, %dma_start3A_438, %dma_start3A_439] : memref<2x128x128xf32, #tpu.memory_space<vmem>> -> memref<1x128x128xf32, #tpu.memory_space<vmem>>
        %dma_start3A_441 = tpu.memref_squeeze %dma_start3A_440 : memref<1x128x128xf32, #tpu.memory_space<vmem>> -> memref<128x128xf32, #tpu.memory_space<vmem>>
        %dma_start3A_442 = arith.constant 0 : i32
        %dma_start3A_443 = tpu.memref_slice %arg7[%dma_start3A_436, %dma_start3A_442] : memref<3x128xi32, #tpu.memory_space<vmem>> -> memref<1x128xi32, #tpu.memory_space<vmem>>
        %dma_start3A_444 = tpu.memref_squeeze %dma_start3A_443 : memref<1x128xi32, #tpu.memory_space<vmem>> -> memref<128xi32, #tpu.memory_space<vmem>>
        %dma_start3A_445 = arith.constant 0 : i32
        %dma_start3A_446 = arith.constant 0 : i32
        %dma_start3A_447 = tpu.memref_slice %arg4[%dma_start3A_445, %dma_start3A_446] : memref<10000x128xf32, #tpu.memory_space<hbm>> -> memref<10000x128xf32, #tpu.memory_space<hbm>>
        tpu.enqueue_indirect_dma source(%dma_start3A_447 : memref<10000x128xf32, #tpu.memory_space<hbm>>) target(%dma_start3A_441 : memref<128x128xf32, #tpu.memory_space<vmem>>) offsets(%dma_start3A_444 : memref<128xi32, #tpu.memory_space<vmem>>) semaphore(%arg18 : memref<!tpu.dma_semaphore, #tpu.memory_space<semaphore_mem>>)
      } else {
      }
      %dma_wait3A_135 = arith.constant 0 : i32
      %dma_wait3A_136 = arith.constant 0 : i32
      %dma_wait3A_137 = arith.constant 0 : i32
      %dma_wait3A_138 = arith.constant 0 : i32
      %dma_wait3A_139 = tpu.memref_slice %arg9[%dma_wait3A_136, %dma_wait3A_137, %dma_wait3A_138] : memref<2x128x128xf32, #tpu.memory_space<vmem>> -> memref<1x128x128xf32, #tpu.memory_space<vmem>>
      %dma_wait3A_140 = tpu.memref_squeeze %dma_wait3A_139 : memref<1x128x128xf32, #tpu.memory_space<vmem>> -> memref<128x128xf32, #tpu.memory_space<vmem>>
      %dma_wait3A_141 = arith.constant 0 : i32
      %dma_wait3A_142 = tpu.memref_slice %arg7[%dma_wait3A_135, %dma_wait3A_141] : memref<3x128xi32, #tpu.memory_space<vmem>> -> memref<1x128xi32, #tpu.memory_space<vmem>>
      %dma_wait3A_143 = tpu.memref_squeeze %dma_wait3A_142 : memref<1x128xi32, #tpu.memory_space<vmem>> -> memref<128xi32, #tpu.memory_space<vmem>>
      %dma_wait3A_144 = arith.constant 0 : i32
      %dma_wait3A_145 = arith.constant 0 : i32
      %dma_wait3A_146 = tpu.memref_slice %arg4[%dma_wait3A_144, %dma_wait3A_145] : memref<10000x128xf32, #tpu.memory_space<hbm>> -> memref<10000x128xf32, #tpu.memory_space<hbm>>
      tpu.wait_indirect_dma semaphore(%arg17 : memref<!tpu.dma_semaphore, #tpu.memory_space<semaphore_mem>>) src(%dma_wait3A_146 : memref<10000x128xf32, #tpu.memory_space<hbm>>) dst(%dma_wait3A_140 : memref<128x128xf32, #tpu.memory_space<vmem>>)
      %dma_start3A_147 = arith.constant 0 : i32
      %dma_start3A_148 = arith.constant 0 : i32
      %dma_start3A_149 = arith.constant 0 : i32
      %dma_start3A_150 = arith.constant 0 : i32
      %dma_start3A_151 = tpu.memref_slice %arg9[%dma_start3A_147, %dma_start3A_149, %dma_start3A_150] : memref<2x128x128xf32, #tpu.memory_space<vmem>> -> memref<1x128x128xf32, #tpu.memory_space<vmem>>
      %dma_start3A_152 = tpu.memref_squeeze %dma_start3A_151 : memref<1x128x128xf32, #tpu.memory_space<vmem>> -> memref<128x128xf32, #tpu.memory_space<vmem>>
      %dma_start3A_153 = arith.constant 0 : i32
      %dma_start3A_154 = tpu.memref_slice %arg8[%dma_start3A_148, %dma_start3A_153] : memref<3x128xi32, #tpu.memory_space<vmem>> -> memref<1x128xi32, #tpu.memory_space<vmem>>
      %dma_start3A_155 = tpu.memref_squeeze %dma_start3A_154 : memref<1x128xi32, #tpu.memory_space<vmem>> -> memref<128xi32, #tpu.memory_space<vmem>>
      %dma_start3A_156 = arith.constant 0 : i32
      %dma_start3A_157 = arith.constant 0 : i32
      %dma_start3A_158 = tpu.memref_slice %arg13[%dma_start3A_156, %dma_start3A_157] : memref<10240x128xf32, #tpu.memory_space<vmem_shared>> -> memref<10240x128xf32, #tpu.memory_space<vmem_shared>>
      tpu.enqueue_indirect_dma source(%dma_start3A_152 : memref<128x128xf32, #tpu.memory_space<vmem>>) target(%dma_start3A_158 : memref<10240x128xf32, #tpu.memory_space<vmem_shared>>) offsets(%dma_start3A_155 : memref<128xi32, #tpu.memory_space<vmem>>) semaphore(%arg19 : memref<!tpu.dma_semaphore, #tpu.memory_space<semaphore_mem>>) {add = true}
      %add3A_159 = arith.constant 2 : i32
      %add3A_160 = arith.addi %add3A_119, %add3A_159 : i32
      %lt3A_161 = arith.constant 78 : i32
      %lt3A_162 = arith.cmpi slt, %add3A_160, %lt3A_161 : i32
      %convert_element_type3A_163 = arith.extui %lt3A_162 : i1 to i32
      %cond3A_164 = arith.constant 0 : i32
      %cond3A_165 = arith.cmpi ne, %convert_element_type3A_163, %cond3A_164 : i32
      scf.if %cond3A_165 {
        %add3A_436 = arith.constant 2 : i32
        %add3A_437 = arith.addi %add3A_119, %add3A_436 : i32
        %mul3A_438 = arith.constant 128 : i32
        %mul3A_439 = arith.muli %add3A_437, %mul3A_438 : i32
        %add3A_440 = arith.addi %mul3A_4, %mul3A_439 : i32
        %dma_start3A_441 = arith.constant 2 : i32
        %dma_start3A_442 = arith.constant 0 : i32
        %dma_start3A_443 = tpu.memref_slice %arg7[%dma_start3A_441, %dma_start3A_442] : memref<3x128xi32, #tpu.memory_space<vmem>> -> memref<1x128xi32, #tpu.memory_space<vmem>>
        %dma_start3A_444 = tpu.memref_squeeze %dma_start3A_443 : memref<1x128xi32, #tpu.memory_space<vmem>> -> memref<128xi32, #tpu.memory_space<vmem>>
        %dma_start3A_445 = tpu.memref_slice %arg2[%add3A_440] : memref<320000xi32, #tpu.memory_space<hbm>> -> memref<128xi32, #tpu.memory_space<hbm>>
        %dma_start3A_446 = arith.constant 0 : i32
        %dma_start3A_447 = tpu.memref_slice %arg7[%dma_start3A_441, %dma_start3A_446] : memref<3x128xi32, #tpu.memory_space<vmem>> -> memref<1x128xi32, #tpu.memory_space<vmem>>
        %dma_start3A_448 = tpu.memref_squeeze %dma_start3A_447 : memref<1x128xi32, #tpu.memory_space<vmem>> -> memref<128xi32, #tpu.memory_space<vmem>>
        %dma_start3A_449 = tpu.memref_slice %arg2[%add3A_440] : memref<320000xi32, #tpu.memory_space<hbm>> -> memref<128xi32, #tpu.memory_space<hbm>>
        tpu.enqueue_dma source(%dma_start3A_449 : memref<128xi32, #tpu.memory_space<hbm>>) target(%dma_start3A_448 : memref<128xi32, #tpu.memory_space<vmem>>) target_semaphore(%arg16 : memref<!tpu.dma_semaphore, #tpu.memory_space<semaphore_mem>>)
        %mul3A_450 = arith.constant 128 : i32
        %mul3A_451 = arith.muli %add3A_437, %mul3A_450 : i32
        %add3A_452 = arith.addi %mul3A_4, %mul3A_451 : i32
        %dma_start3A_453 = arith.constant 2 : i32
        %dma_start3A_454 = arith.constant 0 : i32
        %dma_start3A_455 = tpu.memref_slice %arg8[%dma_start3A_453, %dma_start3A_454] : memref<3x128xi32, #tpu.memory_space<vmem>> -> memref<1x128xi32, #tpu.memory_space<vmem>>
        %dma_start3A_456 = tpu.memref_squeeze %dma_start3A_455 : memref<1x128xi32, #tpu.memory_space<vmem>> -> memref<128xi32, #tpu.memory_space<vmem>>
        %dma_start3A_457 = tpu.memref_slice %arg3[%add3A_452] : memref<320000xi32, #tpu.memory_space<hbm>> -> memref<128xi32, #tpu.memory_space<hbm>>
        %dma_start3A_458 = arith.constant 0 : i32
        %dma_start3A_459 = tpu.memref_slice %arg8[%dma_start3A_453, %dma_start3A_458] : memref<3x128xi32, #tpu.memory_space<vmem>> -> memref<1x128xi32, #tpu.memory_space<vmem>>
        %dma_start3A_460 = tpu.memref_squeeze %dma_start3A_459 : memref<1x128xi32, #tpu.memory_space<vmem>> -> memref<128xi32, #tpu.memory_space<vmem>>
        %dma_start3A_461 = tpu.memref_slice %arg3[%add3A_452] : memref<320000xi32, #tpu.memory_space<hbm>> -> memref<128xi32, #tpu.memory_space<hbm>>
        tpu.enqueue_dma source(%dma_start3A_461 : memref<128xi32, #tpu.memory_space<hbm>>) target(%dma_start3A_460 : memref<128xi32, #tpu.memory_space<vmem>>) target_semaphore(%arg16 : memref<!tpu.dma_semaphore, #tpu.memory_space<semaphore_mem>>)
      } else {
      }
      %mul3A_166 = arith.constant 6 : i32
      %mul3A_167 = arith.muli %scan3A_115, %mul3A_166 : i32
      %add3A_168 = arith.constant 1 : i32
      %add3A_169 = arith.addi %mul3A_167, %add3A_168 : i32
      %add3A_170 = arith.constant 1 : i32
      %add3A_171 = arith.addi %add3A_169, %add3A_170 : i32
      %lt3A_172 = arith.constant 78 : i32
      %lt3A_173 = arith.cmpi slt, %add3A_171, %lt3A_172 : i32
      %convert_element_type3A_174 = arith.extui %lt3A_173 : i1 to i32
      %cond3A_175 = arith.constant 0 : i32
      %cond3A_176 = arith.cmpi ne, %convert_element_type3A_174, %cond3A_175 : i32
      scf.if %cond3A_176 {
        %dma_wait3A_436 = arith.constant 2 : i32
        %dma_wait3A_437 = arith.constant 0 : i32
        %dma_wait3A_438 = tpu.memref_slice %arg7[%dma_wait3A_436, %dma_wait3A_437] : memref<3x128xi32, #tpu.memory_space<vmem>> -> memref<1x128xi32, #tpu.memory_space<vmem>>
        %dma_wait3A_439 = tpu.memref_squeeze %dma_wait3A_438 : memref<1x128xi32, #tpu.memory_space<vmem>> -> memref<128xi32, #tpu.memory_space<vmem>>
        %dma_wait3A_440 = arith.constant 0 : i32
        %dma_wait3A_441 = tpu.memref_slice %arg2[%dma_wait3A_440] : memref<320000xi32, #tpu.memory_space<hbm>> -> memref<128xi32, #tpu.memory_space<hbm>>
        %dma_wait3A_442 = arith.constant 0 : i32
        %dma_wait3A_443 = tpu.memref_slice %arg7[%dma_wait3A_436, %dma_wait3A_442] : memref<3x128xi32, #tpu.memory_space<vmem>> -> memref<1x128xi32, #tpu.memory_space<vmem>>
        %dma_wait3A_444 = tpu.memref_squeeze %dma_wait3A_443 : memref<1x128xi32, #tpu.memory_space<vmem>> -> memref<128xi32, #tpu.memory_space<vmem>>
        %dma_wait3A_445 = arith.constant 0 : i32
        %dma_wait3A_446 = tpu.memref_slice %arg2[%dma_wait3A_445] : memref<320000xi32, #tpu.memory_space<hbm>> -> memref<128xi32, #tpu.memory_space<hbm>>
        tpu.wait_dma2 semaphore(%arg16 : memref<!tpu.dma_semaphore, #tpu.memory_space<semaphore_mem>>) src(%dma_wait3A_446 : memref<128xi32, #tpu.memory_space<hbm>>) dst(%dma_wait3A_444 : memref<128xi32, #tpu.memory_space<vmem>>)
        %dma_wait3A_447 = arith.constant 2 : i32
        %dma_wait3A_448 = arith.constant 0 : i32
        %dma_wait3A_449 = tpu.memref_slice %arg8[%dma_wait3A_447, %dma_wait3A_448] : memref<3x128xi32, #tpu.memory_space<vmem>> -> memref<1x128xi32, #tpu.memory_space<vmem>>
        %dma_wait3A_450 = tpu.memref_squeeze %dma_wait3A_449 : memref<1x128xi32, #tpu.memory_space<vmem>> -> memref<128xi32, #tpu.memory_space<vmem>>
        %dma_wait3A_451 = arith.constant 0 : i32
        %dma_wait3A_452 = tpu.memref_slice %arg3[%dma_wait3A_451] : memref<320000xi32, #tpu.memory_space<hbm>> -> memref<128xi32, #tpu.memory_space<hbm>>
        %dma_wait3A_453 = arith.constant 0 : i32
        %dma_wait3A_454 = tpu.memref_slice %arg8[%dma_wait3A_447, %dma_wait3A_453] : memref<3x128xi32, #tpu.memory_space<vmem>> -> memref<1x128xi32, #tpu.memory_space<vmem>>
        %dma_wait3A_455 = tpu.memref_squeeze %dma_wait3A_454 : memref<1x128xi32, #tpu.memory_space<vmem>> -> memref<128xi32, #tpu.memory_space<vmem>>
        %dma_wait3A_456 = arith.constant 0 : i32
        %dma_wait3A_457 = tpu.memref_slice %arg3[%dma_wait3A_456] : memref<320000xi32, #tpu.memory_space<hbm>> -> memref<128xi32, #tpu.memory_space<hbm>>
        tpu.wait_dma2 semaphore(%arg16 : memref<!tpu.dma_semaphore, #tpu.memory_space<semaphore_mem>>) src(%dma_wait3A_457 : memref<128xi32, #tpu.memory_space<hbm>>) dst(%dma_wait3A_455 : memref<128xi32, #tpu.memory_space<vmem>>)
      } else {
      }
      %ge3A_177 = arith.constant 1 : i32
      %ge3A_178 = arith.cmpi sge, %add3A_169, %ge3A_177 : i32
      %convert_element_type3A_179 = arith.extui %ge3A_178 : i1 to i32
      %cond3A_180 = arith.constant 0 : i32
      %cond3A_181 = arith.cmpi ne, %convert_element_type3A_179, %cond3A_180 : i32
      scf.if %cond3A_181 {
        %dma_wait3A_436 = arith.constant 0 : i32
        %dma_wait3A_437 = arith.constant 0 : i32
        %dma_wait3A_438 = arith.constant 0 : i32
        %dma_wait3A_439 = arith.constant 0 : i32
        %dma_wait3A_440 = tpu.memref_slice %arg9[%dma_wait3A_436, %dma_wait3A_438, %dma_wait3A_439] : memref<2x128x128xf32, #tpu.memory_space<vmem>> -> memref<1x128x128xf32, #tpu.memory_space<vmem>>
        %dma_wait3A_441 = tpu.memref_squeeze %dma_wait3A_440 : memref<1x128x128xf32, #tpu.memory_space<vmem>> -> memref<128x128xf32, #tpu.memory_space<vmem>>
        %dma_wait3A_442 = arith.constant 0 : i32
        %dma_wait3A_443 = tpu.memref_slice %arg8[%dma_wait3A_437, %dma_wait3A_442] : memref<3x128xi32, #tpu.memory_space<vmem>> -> memref<1x128xi32, #tpu.memory_space<vmem>>
        %dma_wait3A_444 = tpu.memref_squeeze %dma_wait3A_443 : memref<1x128xi32, #tpu.memory_space<vmem>> -> memref<128xi32, #tpu.memory_space<vmem>>
        %dma_wait3A_445 = arith.constant 0 : i32
        %dma_wait3A_446 = arith.constant 0 : i32
        %dma_wait3A_447 = tpu.memref_slice %arg13[%dma_wait3A_445, %dma_wait3A_446] : memref<10240x128xf32, #tpu.memory_space<vmem_shared>> -> memref<10240x128xf32, #tpu.memory_space<vmem_shared>>
        tpu.wait_indirect_dma semaphore(%arg19 : memref<!tpu.dma_semaphore, #tpu.memory_space<semaphore_mem>>) src(%dma_wait3A_441 : memref<128x128xf32, #tpu.memory_space<vmem>>) dst(%dma_wait3A_447 : memref<10240x128xf32, #tpu.memory_space<vmem_shared>>)
      } else {
      }
      %add3A_182 = arith.constant 1 : i32
      %add3A_183 = arith.addi %add3A_169, %add3A_182 : i32
      %lt3A_184 = arith.constant 78 : i32
      %lt3A_185 = arith.cmpi slt, %add3A_183, %lt3A_184 : i32
      %convert_element_type3A_186 = arith.extui %lt3A_185 : i1 to i32
      %cond3A_187 = arith.constant 0 : i32
      %cond3A_188 = arith.cmpi ne, %convert_element_type3A_186, %cond3A_187 : i32
      scf.if %cond3A_188 {
        %dma_start3A_436 = arith.constant 2 : i32
        %dma_start3A_437 = arith.constant 0 : i32
        %dma_start3A_438 = arith.constant 0 : i32
        %dma_start3A_439 = arith.constant 0 : i32
        %dma_start3A_440 = tpu.memref_slice %arg9[%dma_start3A_437, %dma_start3A_438, %dma_start3A_439] : memref<2x128x128xf32, #tpu.memory_space<vmem>> -> memref<1x128x128xf32, #tpu.memory_space<vmem>>
        %dma_start3A_441 = tpu.memref_squeeze %dma_start3A_440 : memref<1x128x128xf32, #tpu.memory_space<vmem>> -> memref<128x128xf32, #tpu.memory_space<vmem>>
        %dma_start3A_442 = arith.constant 0 : i32
        %dma_start3A_443 = tpu.memref_slice %arg7[%dma_start3A_436, %dma_start3A_442] : memref<3x128xi32, #tpu.memory_space<vmem>> -> memref<1x128xi32, #tpu.memory_space<vmem>>
        %dma_start3A_444 = tpu.memref_squeeze %dma_start3A_443 : memref<1x128xi32, #tpu.memory_space<vmem>> -> memref<128xi32, #tpu.memory_space<vmem>>
        %dma_start3A_445 = arith.constant 0 : i32
        %dma_start3A_446 = arith.constant 0 : i32
        %dma_start3A_447 = tpu.memref_slice %arg4[%dma_start3A_445, %dma_start3A_446] : memref<10000x128xf32, #tpu.memory_space<hbm>> -> memref<10000x128xf32, #tpu.memory_space<hbm>>
        tpu.enqueue_indirect_dma source(%dma_start3A_447 : memref<10000x128xf32, #tpu.memory_space<hbm>>) target(%dma_start3A_441 : memref<128x128xf32, #tpu.memory_space<vmem>>) offsets(%dma_start3A_444 : memref<128xi32, #tpu.memory_space<vmem>>) semaphore(%arg17 : memref<!tpu.dma_semaphore, #tpu.memory_space<semaphore_mem>>)
      } else {
      }
      %dma_wait3A_189 = arith.constant 1 : i32
      %dma_wait3A_190 = arith.constant 1 : i32
      %dma_wait3A_191 = arith.constant 0 : i32
      %dma_wait3A_192 = arith.constant 0 : i32
      %dma_wait3A_193 = tpu.memref_slice %arg9[%dma_wait3A_190, %dma_wait3A_191, %dma_wait3A_192] : memref<2x128x128xf32, #tpu.memory_space<vmem>> -> memref<1x128x128xf32, #tpu.memory_space<vmem>>
      %dma_wait3A_194 = tpu.memref_squeeze %dma_wait3A_193 : memref<1x128x128xf32, #tpu.memory_space<vmem>> -> memref<128x128xf32, #tpu.memory_space<vmem>>
      %dma_wait3A_195 = arith.constant 0 : i32
      %dma_wait3A_196 = tpu.memref_slice %arg7[%dma_wait3A_189, %dma_wait3A_195] : memref<3x128xi32, #tpu.memory_space<vmem>> -> memref<1x128xi32, #tpu.memory_space<vmem>>
      %dma_wait3A_197 = tpu.memref_squeeze %dma_wait3A_196 : memref<1x128xi32, #tpu.memory_space<vmem>> -> memref<128xi32, #tpu.memory_space<vmem>>
      %dma_wait3A_198 = arith.constant 0 : i32
      %dma_wait3A_199 = arith.constant 0 : i32
      %dma_wait3A_200 = tpu.memref_slice %arg4[%dma_wait3A_198, %dma_wait3A_199] : memref<10000x128xf32, #tpu.memory_space<hbm>> -> memref<10000x128xf32, #tpu.memory_space<hbm>>
      tpu.wait_indirect_dma semaphore(%arg18 : memref<!tpu.dma_semaphore, #tpu.memory_space<semaphore_mem>>) src(%dma_wait3A_200 : memref<10000x128xf32, #tpu.memory_space<hbm>>) dst(%dma_wait3A_194 : memref<128x128xf32, #tpu.memory_space<vmem>>)
      %dma_start3A_201 = arith.constant 1 : i32
      %dma_start3A_202 = arith.constant 1 : i32
      %dma_start3A_203 = arith.constant 0 : i32
      %dma_start3A_204 = arith.constant 0 : i32
      %dma_start3A_205 = tpu.memref_slice %arg9[%dma_start3A_201, %dma_start3A_203, %dma_start3A_204] : memref<2x128x128xf32, #tpu.memory_space<vmem>> -> memref<1x128x128xf32, #tpu.memory_space<vmem>>
      %dma_start3A_206 = tpu.memref_squeeze %dma_start3A_205 : memref<1x128x128xf32, #tpu.memory_space<vmem>> -> memref<128x128xf32, #tpu.memory_space<vmem>>
      %dma_start3A_207 = arith.constant 0 : i32
      %dma_start3A_208 = tpu.memref_slice %arg8[%dma_start3A_202, %dma_start3A_207] : memref<3x128xi32, #tpu.memory_space<vmem>> -> memref<1x128xi32, #tpu.memory_space<vmem>>
      %dma_start3A_209 = tpu.memref_squeeze %dma_start3A_208 : memref<1x128xi32, #tpu.memory_space<vmem>> -> memref<128xi32, #tpu.memory_space<vmem>>
      %dma_start3A_210 = arith.constant 0 : i32
      %dma_start3A_211 = arith.constant 0 : i32
      %dma_start3A_212 = tpu.memref_slice %arg13[%dma_start3A_210, %dma_start3A_211] : memref<10240x128xf32, #tpu.memory_space<vmem_shared>> -> memref<10240x128xf32, #tpu.memory_space<vmem_shared>>
      tpu.enqueue_indirect_dma source(%dma_start3A_206 : memref<128x128xf32, #tpu.memory_space<vmem>>) target(%dma_start3A_212 : memref<10240x128xf32, #tpu.memory_space<vmem_shared>>) offsets(%dma_start3A_209 : memref<128xi32, #tpu.memory_space<vmem>>) semaphore(%arg20 : memref<!tpu.dma_semaphore, #tpu.memory_space<semaphore_mem>>) {add = true}
      %add3A_213 = arith.constant 2 : i32
      %add3A_214 = arith.addi %add3A_169, %add3A_213 : i32
      %lt3A_215 = arith.constant 78 : i32
      %lt3A_216 = arith.cmpi slt, %add3A_214, %lt3A_215 : i32
      %convert_element_type3A_217 = arith.extui %lt3A_216 : i1 to i32
      %cond3A_218 = arith.constant 0 : i32
      %cond3A_219 = arith.cmpi ne, %convert_element_type3A_217, %cond3A_218 : i32
      scf.if %cond3A_219 {
        %add3A_436 = arith.constant 2 : i32
        %add3A_437 = arith.addi %add3A_169, %add3A_436 : i32
        %mul3A_438 = arith.constant 128 : i32
        %mul3A_439 = arith.muli %add3A_437, %mul3A_438 : i32
        %add3A_440 = arith.addi %mul3A_4, %mul3A_439 : i32
        %dma_start3A_441 = arith.constant 0 : i32
        %dma_start3A_442 = arith.constant 0 : i32
        %dma_start3A_443 = tpu.memref_slice %arg7[%dma_start3A_441, %dma_start3A_442] : memref<3x128xi32, #tpu.memory_space<vmem>> -> memref<1x128xi32, #tpu.memory_space<vmem>>
        %dma_start3A_444 = tpu.memref_squeeze %dma_start3A_443 : memref<1x128xi32, #tpu.memory_space<vmem>> -> memref<128xi32, #tpu.memory_space<vmem>>
        %dma_start3A_445 = tpu.memref_slice %arg2[%add3A_440] : memref<320000xi32, #tpu.memory_space<hbm>> -> memref<128xi32, #tpu.memory_space<hbm>>
        %dma_start3A_446 = arith.constant 0 : i32
        %dma_start3A_447 = tpu.memref_slice %arg7[%dma_start3A_441, %dma_start3A_446] : memref<3x128xi32, #tpu.memory_space<vmem>> -> memref<1x128xi32, #tpu.memory_space<vmem>>
        %dma_start3A_448 = tpu.memref_squeeze %dma_start3A_447 : memref<1x128xi32, #tpu.memory_space<vmem>> -> memref<128xi32, #tpu.memory_space<vmem>>
        %dma_start3A_449 = tpu.memref_slice %arg2[%add3A_440] : memref<320000xi32, #tpu.memory_space<hbm>> -> memref<128xi32, #tpu.memory_space<hbm>>
        tpu.enqueue_dma source(%dma_start3A_449 : memref<128xi32, #tpu.memory_space<hbm>>) target(%dma_start3A_448 : memref<128xi32, #tpu.memory_space<vmem>>) target_semaphore(%arg14 : memref<!tpu.dma_semaphore, #tpu.memory_space<semaphore_mem>>)
        %mul3A_450 = arith.constant 128 : i32
        %mul3A_451 = arith.muli %add3A_437, %mul3A_450 : i32
        %add3A_452 = arith.addi %mul3A_4, %mul3A_451 : i32
        %dma_start3A_453 = arith.constant 0 : i32
        %dma_start3A_454 = arith.constant 0 : i32
        %dma_start3A_455 = tpu.memref_slice %arg8[%dma_start3A_453, %dma_start3A_454] : memref<3x128xi32, #tpu.memory_space<vmem>> -> memref<1x128xi32, #tpu.memory_space<vmem>>
        %dma_start3A_456 = tpu.memref_squeeze %dma_start3A_455 : memref<1x128xi32, #tpu.memory_space<vmem>> -> memref<128xi32, #tpu.memory_space<vmem>>
        %dma_start3A_457 = tpu.memref_slice %arg3[%add3A_452] : memref<320000xi32, #tpu.memory_space<hbm>> -> memref<128xi32, #tpu.memory_space<hbm>>
        %dma_start3A_458 = arith.constant 0 : i32
        %dma_start3A_459 = tpu.memref_slice %arg8[%dma_start3A_453, %dma_start3A_458] : memref<3x128xi32, #tpu.memory_space<vmem>> -> memref<1x128xi32, #tpu.memory_space<vmem>>
        %dma_start3A_460 = tpu.memref_squeeze %dma_start3A_459 : memref<1x128xi32, #tpu.memory_space<vmem>> -> memref<128xi32, #tpu.memory_space<vmem>>
        %dma_start3A_461 = tpu.memref_slice %arg3[%add3A_452] : memref<320000xi32, #tpu.memory_space<hbm>> -> memref<128xi32, #tpu.memory_space<hbm>>
        tpu.enqueue_dma source(%dma_start3A_461 : memref<128xi32, #tpu.memory_space<hbm>>) target(%dma_start3A_460 : memref<128xi32, #tpu.memory_space<vmem>>) target_semaphore(%arg14 : memref<!tpu.dma_semaphore, #tpu.memory_space<semaphore_mem>>)
      } else {
      }
      %mul3A_220 = arith.constant 6 : i32
      %mul3A_221 = arith.muli %scan3A_115, %mul3A_220 : i32
      %add3A_222 = arith.constant 2 : i32
      %add3A_223 = arith.addi %mul3A_221, %add3A_222 : i32
      %add3A_224 = arith.constant 1 : i32
      %add3A_225 = arith.addi %add3A_223, %add3A_224 : i32
      %lt3A_226 = arith.constant 78 : i32
      %lt3A_227 = arith.cmpi slt, %add3A_225, %lt3A_226 : i32
      %convert_element_type3A_228 = arith.extui %lt3A_227 : i1 to i32
      %cond3A_229 = arith.constant 0 : i32
      %cond3A_230 = arith.cmpi ne, %convert_element_type3A_228, %cond3A_229 : i32
      scf.if %cond3A_230 {
        %dma_wait3A_436 = arith.constant 0 : i32
        %dma_wait3A_437 = arith.constant 0 : i32
        %dma_wait3A_438 = tpu.memref_slice %arg7[%dma_wait3A_436, %dma_wait3A_437] : memref<3x128xi32, #tpu.memory_space<vmem>> -> memref<1x128xi32, #tpu.memory_space<vmem>>
        %dma_wait3A_439 = tpu.memref_squeeze %dma_wait3A_438 : memref<1x128xi32, #tpu.memory_space<vmem>> -> memref<128xi32, #tpu.memory_space<vmem>>
        %dma_wait3A_440 = arith.constant 0 : i32
        %dma_wait3A_441 = tpu.memref_slice %arg2[%dma_wait3A_440] : memref<320000xi32, #tpu.memory_space<hbm>> -> memref<128xi32, #tpu.memory_space<hbm>>
        %dma_wait3A_442 = arith.constant 0 : i32
        %dma_wait3A_443 = tpu.memref_slice %arg7[%dma_wait3A_436, %dma_wait3A_442] : memref<3x128xi32, #tpu.memory_space<vmem>> -> memref<1x128xi32, #tpu.memory_space<vmem>>
        %dma_wait3A_444 = tpu.memref_squeeze %dma_wait3A_443 : memref<1x128xi32, #tpu.memory_space<vmem>> -> memref<128xi32, #tpu.memory_space<vmem>>
        %dma_wait3A_445 = arith.constant 0 : i32
        %dma_wait3A_446 = tpu.memref_slice %arg2[%dma_wait3A_445] : memref<320000xi32, #tpu.memory_space<hbm>> -> memref<128xi32, #tpu.memory_space<hbm>>
        tpu.wait_dma2 semaphore(%arg14 : memref<!tpu.dma_semaphore, #tpu.memory_space<semaphore_mem>>) src(%dma_wait3A_446 : memref<128xi32, #tpu.memory_space<hbm>>) dst(%dma_wait3A_444 : memref<128xi32, #tpu.memory_space<vmem>>)
        %dma_wait3A_447 = arith.constant 0 : i32
        %dma_wait3A_448 = arith.constant 0 : i32
        %dma_wait3A_449 = tpu.memref_slice %arg8[%dma_wait3A_447, %dma_wait3A_448] : memref<3x128xi32, #tpu.memory_space<vmem>> -> memref<1x128xi32, #tpu.memory_space<vmem>>
        %dma_wait3A_450 = tpu.memref_squeeze %dma_wait3A_449 : memref<1x128xi32, #tpu.memory_space<vmem>> -> memref<128xi32, #tpu.memory_space<vmem>>
        %dma_wait3A_451 = arith.constant 0 : i32
        %dma_wait3A_452 = tpu.memref_slice %arg3[%dma_wait3A_451] : memref<320000xi32, #tpu.memory_space<hbm>> -> memref<128xi32, #tpu.memory_space<hbm>>
        %dma_wait3A_453 = arith.constant 0 : i32
        %dma_wait3A_454 = tpu.memref_slice %arg8[%dma_wait3A_447, %dma_wait3A_453] : memref<3x128xi32, #tpu.memory_space<vmem>> -> memref<1x128xi32, #tpu.memory_space<vmem>>
        %dma_wait3A_455 = tpu.memref_squeeze %dma_wait3A_454 : memref<1x128xi32, #tpu.memory_space<vmem>> -> memref<128xi32, #tpu.memory_space<vmem>>
        %dma_wait3A_456 = arith.constant 0 : i32
        %dma_wait3A_457 = tpu.memref_slice %arg3[%dma_wait3A_456] : memref<320000xi32, #tpu.memory_space<hbm>> -> memref<128xi32, #tpu.memory_space<hbm>>
        tpu.wait_dma2 semaphore(%arg14 : memref<!tpu.dma_semaphore, #tpu.memory_space<semaphore_mem>>) src(%dma_wait3A_457 : memref<128xi32, #tpu.memory_space<hbm>>) dst(%dma_wait3A_455 : memref<128xi32, #tpu.memory_space<vmem>>)
      } else {
      }
      %ge3A_231 = arith.constant 1 : i32
      %ge3A_232 = arith.cmpi sge, %add3A_223, %ge3A_231 : i32
      %convert_element_type3A_233 = arith.extui %ge3A_232 : i1 to i32
      %cond3A_234 = arith.constant 0 : i32
      %cond3A_235 = arith.cmpi ne, %convert_element_type3A_233, %cond3A_234 : i32
      scf.if %cond3A_235 {
        %dma_wait3A_436 = arith.constant 1 : i32
        %dma_wait3A_437 = arith.constant 1 : i32
        %dma_wait3A_438 = arith.constant 0 : i32
        %dma_wait3A_439 = arith.constant 0 : i32
        %dma_wait3A_440 = tpu.memref_slice %arg9[%dma_wait3A_436, %dma_wait3A_438, %dma_wait3A_439] : memref<2x128x128xf32, #tpu.memory_space<vmem>> -> memref<1x128x128xf32, #tpu.memory_space<vmem>>
        %dma_wait3A_441 = tpu.memref_squeeze %dma_wait3A_440 : memref<1x128x128xf32, #tpu.memory_space<vmem>> -> memref<128x128xf32, #tpu.memory_space<vmem>>
        %dma_wait3A_442 = arith.constant 0 : i32
        %dma_wait3A_443 = tpu.memref_slice %arg8[%dma_wait3A_437, %dma_wait3A_442] : memref<3x128xi32, #tpu.memory_space<vmem>> -> memref<1x128xi32, #tpu.memory_space<vmem>>
        %dma_wait3A_444 = tpu.memref_squeeze %dma_wait3A_443 : memref<1x128xi32, #tpu.memory_space<vmem>> -> memref<128xi32, #tpu.memory_space<vmem>>
        %dma_wait3A_445 = arith.constant 0 : i32
        %dma_wait3A_446 = arith.constant 0 : i32
        %dma_wait3A_447 = tpu.memref_slice %arg13[%dma_wait3A_445, %dma_wait3A_446] : memref<10240x128xf32, #tpu.memory_space<vmem_shared>> -> memref<10240x128xf32, #tpu.memory_space<vmem_shared>>
        tpu.wait_indirect_dma semaphore(%arg20 : memref<!tpu.dma_semaphore, #tpu.memory_space<semaphore_mem>>) src(%dma_wait3A_441 : memref<128x128xf32, #tpu.memory_space<vmem>>) dst(%dma_wait3A_447 : memref<10240x128xf32, #tpu.memory_space<vmem_shared>>)
      } else {
      }
      %add3A_236 = arith.constant 1 : i32
      %add3A_237 = arith.addi %add3A_223, %add3A_236 : i32
      %lt3A_238 = arith.constant 78 : i32
      %lt3A_239 = arith.cmpi slt, %add3A_237, %lt3A_238 : i32
      %convert_element_type3A_240 = arith.extui %lt3A_239 : i1 to i32
      %cond3A_241 = arith.constant 0 : i32
      %cond3A_242 = arith.cmpi ne, %convert_element_type3A_240, %cond3A_241 : i32
      scf.if %cond3A_242 {
        %dma_start3A_436 = arith.constant 0 : i32
        %dma_start3A_437 = arith.constant 1 : i32
        %dma_start3A_438 = arith.constant 0 : i32
        %dma_start3A_439 = arith.constant 0 : i32
        %dma_start3A_440 = tpu.memref_slice %arg9[%dma_start3A_437, %dma_start3A_438, %dma_start3A_439] : memref<2x128x128xf32, #tpu.memory_space<vmem>> -> memref<1x128x128xf32, #tpu.memory_space<vmem>>
        %dma_start3A_441 = tpu.memref_squeeze %dma_start3A_440 : memref<1x128x128xf32, #tpu.memory_space<vmem>> -> memref<128x128xf32, #tpu.memory_space<vmem>>
        %dma_start3A_442 = arith.constant 0 : i32
        %dma_start3A_443 = tpu.memref_slice %arg7[%dma_start3A_436, %dma_start3A_442] : memref<3x128xi32, #tpu.memory_space<vmem>> -> memref<1x128xi32, #tpu.memory_space<vmem>>
        %dma_start3A_444 = tpu.memref_squeeze %dma_start3A_443 : memref<1x128xi32, #tpu.memory_space<vmem>> -> memref<128xi32, #tpu.memory_space<vmem>>
        %dma_start3A_445 = arith.constant 0 : i32
        %dma_start3A_446 = arith.constant 0 : i32
        %dma_start3A_447 = tpu.memref_slice %arg4[%dma_start3A_445, %dma_start3A_446] : memref<10000x128xf32, #tpu.memory_space<hbm>> -> memref<10000x128xf32, #tpu.memory_space<hbm>>
        tpu.enqueue_indirect_dma source(%dma_start3A_447 : memref<10000x128xf32, #tpu.memory_space<hbm>>) target(%dma_start3A_441 : memref<128x128xf32, #tpu.memory_space<vmem>>) offsets(%dma_start3A_444 : memref<128xi32, #tpu.memory_space<vmem>>) semaphore(%arg18 : memref<!tpu.dma_semaphore, #tpu.memory_space<semaphore_mem>>)
      } else {
      }
      %dma_wait3A_243 = arith.constant 2 : i32
      %dma_wait3A_244 = arith.constant 0 : i32
      %dma_wait3A_245 = arith.constant 0 : i32
      %dma_wait3A_246 = arith.constant 0 : i32
      %dma_wait3A_247 = tpu.memref_slice %arg9[%dma_wait3A_244, %dma_wait3A_245, %dma_wait3A_246] : memref<2x128x128xf32, #tpu.memory_space<vmem>> -> memref<1x128x128xf32, #tpu.memory_space<vmem>>
      %dma_wait3A_248 = tpu.memref_squeeze %dma_wait3A_247 : memref<1x128x128xf32, #tpu.memory_space<vmem>> -> memref<128x128xf32, #tpu.memory_space<vmem>>
      %dma_wait3A_249 = arith.constant 0 : i32
      %dma_wait3A_250 = tpu.memref_slice %arg7[%dma_wait3A_243, %dma_wait3A_249] : memref<3x128xi32, #tpu.memory_space<vmem>> -> memref<1x128xi32, #tpu.memory_space<vmem>>
      %dma_wait3A_251 = tpu.memref_squeeze %dma_wait3A_250 : memref<1x128xi32, #tpu.memory_space<vmem>> -> memref<128xi32, #tpu.memory_space<vmem>>
      %dma_wait3A_252 = arith.constant 0 : i32
      %dma_wait3A_253 = arith.constant 0 : i32
      %dma_wait3A_254 = tpu.memref_slice %arg4[%dma_wait3A_252, %dma_wait3A_253] : memref<10000x128xf32, #tpu.memory_space<hbm>> -> memref<10000x128xf32, #tpu.memory_space<hbm>>
      tpu.wait_indirect_dma semaphore(%arg17 : memref<!tpu.dma_semaphore, #tpu.memory_space<semaphore_mem>>) src(%dma_wait3A_254 : memref<10000x128xf32, #tpu.memory_space<hbm>>) dst(%dma_wait3A_248 : memref<128x128xf32, #tpu.memory_space<vmem>>)
      %dma_start3A_255 = arith.constant 0 : i32
      %dma_start3A_256 = arith.constant 2 : i32
      %dma_start3A_257 = arith.constant 0 : i32
      %dma_start3A_258 = arith.constant 0 : i32
      %dma_start3A_259 = tpu.memref_slice %arg9[%dma_start3A_255, %dma_start3A_257, %dma_start3A_258] : memref<2x128x128xf32, #tpu.memory_space<vmem>> -> memref<1x128x128xf32, #tpu.memory_space<vmem>>
      %dma_start3A_260 = tpu.memref_squeeze %dma_start3A_259 : memref<1x128x128xf32, #tpu.memory_space<vmem>> -> memref<128x128xf32, #tpu.memory_space<vmem>>
      %dma_start3A_261 = arith.constant 0 : i32
      %dma_start3A_262 = tpu.memref_slice %arg8[%dma_start3A_256, %dma_start3A_261] : memref<3x128xi32, #tpu.memory_space<vmem>> -> memref<1x128xi32, #tpu.memory_space<vmem>>
      %dma_start3A_263 = tpu.memref_squeeze %dma_start3A_262 : memref<1x128xi32, #tpu.memory_space<vmem>> -> memref<128xi32, #tpu.memory_space<vmem>>
      %dma_start3A_264 = arith.constant 0 : i32
      %dma_start3A_265 = arith.constant 0 : i32
      %dma_start3A_266 = tpu.memref_slice %arg13[%dma_start3A_264, %dma_start3A_265] : memref<10240x128xf32, #tpu.memory_space<vmem_shared>> -> memref<10240x128xf32, #tpu.memory_space<vmem_shared>>
      tpu.enqueue_indirect_dma source(%dma_start3A_260 : memref<128x128xf32, #tpu.memory_space<vmem>>) target(%dma_start3A_266 : memref<10240x128xf32, #tpu.memory_space<vmem_shared>>) offsets(%dma_start3A_263 : memref<128xi32, #tpu.memory_space<vmem>>) semaphore(%arg19 : memref<!tpu.dma_semaphore, #tpu.memory_space<semaphore_mem>>) {add = true}
      %add3A_267 = arith.constant 2 : i32
      %add3A_268 = arith.addi %add3A_223, %add3A_267 : i32
      %lt3A_269 = arith.constant 78 : i32
      %lt3A_270 = arith.cmpi slt, %add3A_268, %lt3A_269 : i32
      %convert_element_type3A_271 = arith.extui %lt3A_270 : i1 to i32
      %cond3A_272 = arith.constant 0 : i32
      %cond3A_273 = arith.cmpi ne, %convert_element_type3A_271, %cond3A_272 : i32
      scf.if %cond3A_273 {
        %add3A_436 = arith.constant 2 : i32
        %add3A_437 = arith.addi %add3A_223, %add3A_436 : i32
        %mul3A_438 = arith.constant 128 : i32
        %mul3A_439 = arith.muli %add3A_437, %mul3A_438 : i32
        %add3A_440 = arith.addi %mul3A_4, %mul3A_439 : i32
        %dma_start3A_441 = arith.constant 1 : i32
        %dma_start3A_442 = arith.constant 0 : i32
        %dma_start3A_443 = tpu.memref_slice %arg7[%dma_start3A_441, %dma_start3A_442] : memref<3x128xi32, #tpu.memory_space<vmem>> -> memref<1x128xi32, #tpu.memory_space<vmem>>
        %dma_start3A_444 = tpu.memref_squeeze %dma_start3A_443 : memref<1x128xi32, #tpu.memory_space<vmem>> -> memref<128xi32, #tpu.memory_space<vmem>>
        %dma_start3A_445 = tpu.memref_slice %arg2[%add3A_440] : memref<320000xi32, #tpu.memory_space<hbm>> -> memref<128xi32, #tpu.memory_space<hbm>>
        %dma_start3A_446 = arith.constant 0 : i32
        %dma_start3A_447 = tpu.memref_slice %arg7[%dma_start3A_441, %dma_start3A_446] : memref<3x128xi32, #tpu.memory_space<vmem>> -> memref<1x128xi32, #tpu.memory_space<vmem>>
        %dma_start3A_448 = tpu.memref_squeeze %dma_start3A_447 : memref<1x128xi32, #tpu.memory_space<vmem>> -> memref<128xi32, #tpu.memory_space<vmem>>
        %dma_start3A_449 = tpu.memref_slice %arg2[%add3A_440] : memref<320000xi32, #tpu.memory_space<hbm>> -> memref<128xi32, #tpu.memory_space<hbm>>
        tpu.enqueue_dma source(%dma_start3A_449 : memref<128xi32, #tpu.memory_space<hbm>>) target(%dma_start3A_448 : memref<128xi32, #tpu.memory_space<vmem>>) target_semaphore(%arg15 : memref<!tpu.dma_semaphore, #tpu.memory_space<semaphore_mem>>)
        %mul3A_450 = arith.constant 128 : i32
        %mul3A_451 = arith.muli %add3A_437, %mul3A_450 : i32
        %add3A_452 = arith.addi %mul3A_4, %mul3A_451 : i32
        %dma_start3A_453 = arith.constant 1 : i32
        %dma_start3A_454 = arith.constant 0 : i32
        %dma_start3A_455 = tpu.memref_slice %arg8[%dma_start3A_453, %dma_start3A_454] : memref<3x128xi32, #tpu.memory_space<vmem>> -> memref<1x128xi32, #tpu.memory_space<vmem>>
        %dma_start3A_456 = tpu.memref_squeeze %dma_start3A_455 : memref<1x128xi32, #tpu.memory_space<vmem>> -> memref<128xi32, #tpu.memory_space<vmem>>
        %dma_start3A_457 = tpu.memref_slice %arg3[%add3A_452] : memref<320000xi32, #tpu.memory_space<hbm>> -> memref<128xi32, #tpu.memory_space<hbm>>
        %dma_start3A_458 = arith.constant 0 : i32
        %dma_start3A_459 = tpu.memref_slice %arg8[%dma_start3A_453, %dma_start3A_458] : memref<3x128xi32, #tpu.memory_space<vmem>> -> memref<1x128xi32, #tpu.memory_space<vmem>>
        %dma_start3A_460 = tpu.memref_squeeze %dma_start3A_459 : memref<1x128xi32, #tpu.memory_space<vmem>> -> memref<128xi32, #tpu.memory_space<vmem>>
        %dma_start3A_461 = tpu.memref_slice %arg3[%add3A_452] : memref<320000xi32, #tpu.memory_space<hbm>> -> memref<128xi32, #tpu.memory_space<hbm>>
        tpu.enqueue_dma source(%dma_start3A_461 : memref<128xi32, #tpu.memory_space<hbm>>) target(%dma_start3A_460 : memref<128xi32, #tpu.memory_space<vmem>>) target_semaphore(%arg15 : memref<!tpu.dma_semaphore, #tpu.memory_space<semaphore_mem>>)
      } else {
      }
      %mul3A_274 = arith.constant 6 : i32
      %mul3A_275 = arith.muli %scan3A_115, %mul3A_274 : i32
      %add3A_276 = arith.constant 3 : i32
      %add3A_277 = arith.addi %mul3A_275, %add3A_276 : i32
      %add3A_278 = arith.constant 1 : i32
      %add3A_279 = arith.addi %add3A_277, %add3A_278 : i32
      %lt3A_280 = arith.constant 78 : i32
      %lt3A_281 = arith.cmpi slt, %add3A_279, %lt3A_280 : i32
      %convert_element_type3A_282 = arith.extui %lt3A_281 : i1 to i32
      %cond3A_283 = arith.constant 0 : i32
      %cond3A_284 = arith.cmpi ne, %convert_element_type3A_282, %cond3A_283 : i32
      scf.if %cond3A_284 {
        %dma_wait3A_436 = arith.constant 1 : i32
        %dma_wait3A_437 = arith.constant 0 : i32
        %dma_wait3A_438 = tpu.memref_slice %arg7[%dma_wait3A_436, %dma_wait3A_437] : memref<3x128xi32, #tpu.memory_space<vmem>> -> memref<1x128xi32, #tpu.memory_space<vmem>>
        %dma_wait3A_439 = tpu.memref_squeeze %dma_wait3A_438 : memref<1x128xi32, #tpu.memory_space<vmem>> -> memref<128xi32, #tpu.memory_space<vmem>>
        %dma_wait3A_440 = arith.constant 0 : i32
        %dma_wait3A_441 = tpu.memref_slice %arg2[%dma_wait3A_440] : memref<320000xi32, #tpu.memory_space<hbm>> -> memref<128xi32, #tpu.memory_space<hbm>>
        %dma_wait3A_442 = arith.constant 0 : i32
        %dma_wait3A_443 = tpu.memref_slice %arg7[%dma_wait3A_436, %dma_wait3A_442] : memref<3x128xi32, #tpu.memory_space<vmem>> -> memref<1x128xi32, #tpu.memory_space<vmem>>
        %dma_wait3A_444 = tpu.memref_squeeze %dma_wait3A_443 : memref<1x128xi32, #tpu.memory_space<vmem>> -> memref<128xi32, #tpu.memory_space<vmem>>
        %dma_wait3A_445 = arith.constant 0 : i32
        %dma_wait3A_446 = tpu.memref_slice %arg2[%dma_wait3A_445] : memref<320000xi32, #tpu.memory_space<hbm>> -> memref<128xi32, #tpu.memory_space<hbm>>
        tpu.wait_dma2 semaphore(%arg15 : memref<!tpu.dma_semaphore, #tpu.memory_space<semaphore_mem>>) src(%dma_wait3A_446 : memref<128xi32, #tpu.memory_space<hbm>>) dst(%dma_wait3A_444 : memref<128xi32, #tpu.memory_space<vmem>>)
        %dma_wait3A_447 = arith.constant 1 : i32
        %dma_wait3A_448 = arith.constant 0 : i32
        %dma_wait3A_449 = tpu.memref_slice %arg8[%dma_wait3A_447, %dma_wait3A_448] : memref<3x128xi32, #tpu.memory_space<vmem>> -> memref<1x128xi32, #tpu.memory_space<vmem>>
        %dma_wait3A_450 = tpu.memref_squeeze %dma_wait3A_449 : memref<1x128xi32, #tpu.memory_space<vmem>> -> memref<128xi32, #tpu.memory_space<vmem>>
        %dma_wait3A_451 = arith.constant 0 : i32
        %dma_wait3A_452 = tpu.memref_slice %arg3[%dma_wait3A_451] : memref<320000xi32, #tpu.memory_space<hbm>> -> memref<128xi32, #tpu.memory_space<hbm>>
        %dma_wait3A_453 = arith.constant 0 : i32
        %dma_wait3A_454 = tpu.memref_slice %arg8[%dma_wait3A_447, %dma_wait3A_453] : memref<3x128xi32, #tpu.memory_space<vmem>> -> memref<1x128xi32, #tpu.memory_space<vmem>>
        %dma_wait3A_455 = tpu.memref_squeeze %dma_wait3A_454 : memref<1x128xi32, #tpu.memory_space<vmem>> -> memref<128xi32, #tpu.memory_space<vmem>>
        %dma_wait3A_456 = arith.constant 0 : i32
        %dma_wait3A_457 = tpu.memref_slice %arg3[%dma_wait3A_456] : memref<320000xi32, #tpu.memory_space<hbm>> -> memref<128xi32, #tpu.memory_space<hbm>>
        tpu.wait_dma2 semaphore(%arg15 : memref<!tpu.dma_semaphore, #tpu.memory_space<semaphore_mem>>) src(%dma_wait3A_457 : memref<128xi32, #tpu.memory_space<hbm>>) dst(%dma_wait3A_455 : memref<128xi32, #tpu.memory_space<vmem>>)
      } else {
      }
      %ge3A_285 = arith.constant 1 : i32
      %ge3A_286 = arith.cmpi sge, %add3A_277, %ge3A_285 : i32
      %convert_element_type3A_287 = arith.extui %ge3A_286 : i1 to i32
      %cond3A_288 = arith.constant 0 : i32
      %cond3A_289 = arith.cmpi ne, %convert_element_type3A_287, %cond3A_288 : i32
      scf.if %cond3A_289 {
        %dma_wait3A_436 = arith.constant 0 : i32
        %dma_wait3A_437 = arith.constant 2 : i32
        %dma_wait3A_438 = arith.constant 0 : i32
        %dma_wait3A_439 = arith.constant 0 : i32
        %dma_wait3A_440 = tpu.memref_slice %arg9[%dma_wait3A_436, %dma_wait3A_438, %dma_wait3A_439] : memref<2x128x128xf32, #tpu.memory_space<vmem>> -> memref<1x128x128xf32, #tpu.memory_space<vmem>>
        %dma_wait3A_441 = tpu.memref_squeeze %dma_wait3A_440 : memref<1x128x128xf32, #tpu.memory_space<vmem>> -> memref<128x128xf32, #tpu.memory_space<vmem>>
        %dma_wait3A_442 = arith.constant 0 : i32
        %dma_wait3A_443 = tpu.memref_slice %arg8[%dma_wait3A_437, %dma_wait3A_442] : memref<3x128xi32, #tpu.memory_space<vmem>> -> memref<1x128xi32, #tpu.memory_space<vmem>>
        %dma_wait3A_444 = tpu.memref_squeeze %dma_wait3A_443 : memref<1x128xi32, #tpu.memory_space<vmem>> -> memref<128xi32, #tpu.memory_space<vmem>>
        %dma_wait3A_445 = arith.constant 0 : i32
        %dma_wait3A_446 = arith.constant 0 : i32
        %dma_wait3A_447 = tpu.memref_slice %arg13[%dma_wait3A_445, %dma_wait3A_446] : memref<10240x128xf32, #tpu.memory_space<vmem_shared>> -> memref<10240x128xf32, #tpu.memory_space<vmem_shared>>
        tpu.wait_indirect_dma semaphore(%arg19 : memref<!tpu.dma_semaphore, #tpu.memory_space<semaphore_mem>>) src(%dma_wait3A_441 : memref<128x128xf32, #tpu.memory_space<vmem>>) dst(%dma_wait3A_447 : memref<10240x128xf32, #tpu.memory_space<vmem_shared>>)
      } else {
      }
      %add3A_290 = arith.constant 1 : i32
      %add3A_291 = arith.addi %add3A_277, %add3A_290 : i32
      %lt3A_292 = arith.constant 78 : i32
      %lt3A_293 = arith.cmpi slt, %add3A_291, %lt3A_292 : i32
      %convert_element_type3A_294 = arith.extui %lt3A_293 : i1 to i32
      %cond3A_295 = arith.constant 0 : i32
      %cond3A_296 = arith.cmpi ne, %convert_element_type3A_294, %cond3A_295 : i32
      scf.if %cond3A_296 {
        %dma_start3A_436 = arith.constant 1 : i32
        %dma_start3A_437 = arith.constant 0 : i32
        %dma_start3A_438 = arith.constant 0 : i32
        %dma_start3A_439 = arith.constant 0 : i32
        %dma_start3A_440 = tpu.memref_slice %arg9[%dma_start3A_437, %dma_start3A_438, %dma_start3A_439] : memref<2x128x128xf32, #tpu.memory_space<vmem>> -> memref<1x128x128xf32, #tpu.memory_space<vmem>>
        %dma_start3A_441 = tpu.memref_squeeze %dma_start3A_440 : memref<1x128x128xf32, #tpu.memory_space<vmem>> -> memref<128x128xf32, #tpu.memory_space<vmem>>
        %dma_start3A_442 = arith.constant 0 : i32
        %dma_start3A_443 = tpu.memref_slice %arg7[%dma_start3A_436, %dma_start3A_442] : memref<3x128xi32, #tpu.memory_space<vmem>> -> memref<1x128xi32, #tpu.memory_space<vmem>>
        %dma_start3A_444 = tpu.memref_squeeze %dma_start3A_443 : memref<1x128xi32, #tpu.memory_space<vmem>> -> memref<128xi32, #tpu.memory_space<vmem>>
        %dma_start3A_445 = arith.constant 0 : i32
        %dma_start3A_446 = arith.constant 0 : i32
        %dma_start3A_447 = tpu.memref_slice %arg4[%dma_start3A_445, %dma_start3A_446] : memref<10000x128xf32, #tpu.memory_space<hbm>> -> memref<10000x128xf32, #tpu.memory_space<hbm>>
        tpu.enqueue_indirect_dma source(%dma_start3A_447 : memref<10000x128xf32, #tpu.memory_space<hbm>>) target(%dma_start3A_441 : memref<128x128xf32, #tpu.memory_space<vmem>>) offsets(%dma_start3A_444 : memref<128xi32, #tpu.memory_space<vmem>>) semaphore(%arg17 : memref<!tpu.dma_semaphore, #tpu.memory_space<semaphore_mem>>)
      } else {
      }
      %dma_wait3A_297 = arith.constant 0 : i32
      %dma_wait3A_298 = arith.constant 1 : i32
      %dma_wait3A_299 = arith.constant 0 : i32
      %dma_wait3A_300 = arith.constant 0 : i32
      %dma_wait3A_301 = tpu.memref_slice %arg9[%dma_wait3A_298, %dma_wait3A_299, %dma_wait3A_300] : memref<2x128x128xf32, #tpu.memory_space<vmem>> -> memref<1x128x128xf32, #tpu.memory_space<vmem>>
      %dma_wait3A_302 = tpu.memref_squeeze %dma_wait3A_301 : memref<1x128x128xf32, #tpu.memory_space<vmem>> -> memref<128x128xf32, #tpu.memory_space<vmem>>
      %dma_wait3A_303 = arith.constant 0 : i32
      %dma_wait3A_304 = tpu.memref_slice %arg7[%dma_wait3A_297, %dma_wait3A_303] : memref<3x128xi32, #tpu.memory_space<vmem>> -> memref<1x128xi32, #tpu.memory_space<vmem>>
      %dma_wait3A_305 = tpu.memref_squeeze %dma_wait3A_304 : memref<1x128xi32, #tpu.memory_space<vmem>> -> memref<128xi32, #tpu.memory_space<vmem>>
      %dma_wait3A_306 = arith.constant 0 : i32
      %dma_wait3A_307 = arith.constant 0 : i32
      %dma_wait3A_308 = tpu.memref_slice %arg4[%dma_wait3A_306, %dma_wait3A_307] : memref<10000x128xf32, #tpu.memory_space<hbm>> -> memref<10000x128xf32, #tpu.memory_space<hbm>>
      tpu.wait_indirect_dma semaphore(%arg18 : memref<!tpu.dma_semaphore, #tpu.memory_space<semaphore_mem>>) src(%dma_wait3A_308 : memref<10000x128xf32, #tpu.memory_space<hbm>>) dst(%dma_wait3A_302 : memref<128x128xf32, #tpu.memory_space<vmem>>)
      %dma_start3A_309 = arith.constant 1 : i32
      %dma_start3A_310 = arith.constant 0 : i32
      %dma_start3A_311 = arith.constant 0 : i32
      %dma_start3A_312 = arith.constant 0 : i32
      %dma_start3A_313 = tpu.memref_slice %arg9[%dma_start3A_309, %dma_start3A_311, %dma_start3A_312] : memref<2x128x128xf32, #tpu.memory_space<vmem>> -> memref<1x128x128xf32, #tpu.memory_space<vmem>>
      %dma_start3A_314 = tpu.memref_squeeze %dma_start3A_313 : memref<1x128x128xf32, #tpu.memory_space<vmem>> -> memref<128x128xf32, #tpu.memory_space<vmem>>
      %dma_start3A_315 = arith.constant 0 : i32
      %dma_start3A_316 = tpu.memref_slice %arg8[%dma_start3A_310, %dma_start3A_315] : memref<3x128xi32, #tpu.memory_space<vmem>> -> memref<1x128xi32, #tpu.memory_space<vmem>>
      %dma_start3A_317 = tpu.memref_squeeze %dma_start3A_316 : memref<1x128xi32, #tpu.memory_space<vmem>> -> memref<128xi32, #tpu.memory_space<vmem>>
      %dma_start3A_318 = arith.constant 0 : i32
      %dma_start3A_319 = arith.constant 0 : i32
      %dma_start3A_320 = tpu.memref_slice %arg13[%dma_start3A_318, %dma_start3A_319] : memref<10240x128xf32, #tpu.memory_space<vmem_shared>> -> memref<10240x128xf32, #tpu.memory_space<vmem_shared>>
      tpu.enqueue_indirect_dma source(%dma_start3A_314 : memref<128x128xf32, #tpu.memory_space<vmem>>) target(%dma_start3A_320 : memref<10240x128xf32, #tpu.memory_space<vmem_shared>>) offsets(%dma_start3A_317 : memref<128xi32, #tpu.memory_space<vmem>>) semaphore(%arg20 : memref<!tpu.dma_semaphore, #tpu.memory_space<semaphore_mem>>) {add = true}
      %add3A_321 = arith.constant 2 : i32
      %add3A_322 = arith.addi %add3A_277, %add3A_321 : i32
      %lt3A_323 = arith.constant 78 : i32
      %lt3A_324 = arith.cmpi slt, %add3A_322, %lt3A_323 : i32
      %convert_element_type3A_325 = arith.extui %lt3A_324 : i1 to i32
      %cond3A_326 = arith.constant 0 : i32
      %cond3A_327 = arith.cmpi ne, %convert_element_type3A_325, %cond3A_326 : i32
      scf.if %cond3A_327 {
        %add3A_436 = arith.constant 2 : i32
        %add3A_437 = arith.addi %add3A_277, %add3A_436 : i32
        %mul3A_438 = arith.constant 128 : i32
        %mul3A_439 = arith.muli %add3A_437, %mul3A_438 : i32
        %add3A_440 = arith.addi %mul3A_4, %mul3A_439 : i32
        %dma_start3A_441 = arith.constant 2 : i32
        %dma_start3A_442 = arith.constant 0 : i32
        %dma_start3A_443 = tpu.memref_slice %arg7[%dma_start3A_441, %dma_start3A_442] : memref<3x128xi32, #tpu.memory_space<vmem>> -> memref<1x128xi32, #tpu.memory_space<vmem>>
        %dma_start3A_444 = tpu.memref_squeeze %dma_start3A_443 : memref<1x128xi32, #tpu.memory_space<vmem>> -> memref<128xi32, #tpu.memory_space<vmem>>
        %dma_start3A_445 = tpu.memref_slice %arg2[%add3A_440] : memref<320000xi32, #tpu.memory_space<hbm>> -> memref<128xi32, #tpu.memory_space<hbm>>
        %dma_start3A_446 = arith.constant 0 : i32
        %dma_start3A_447 = tpu.memref_slice %arg7[%dma_start3A_441, %dma_start3A_446] : memref<3x128xi32, #tpu.memory_space<vmem>> -> memref<1x128xi32, #tpu.memory_space<vmem>>
        %dma_start3A_448 = tpu.memref_squeeze %dma_start3A_447 : memref<1x128xi32, #tpu.memory_space<vmem>> -> memref<128xi32, #tpu.memory_space<vmem>>
        %dma_start3A_449 = tpu.memref_slice %arg2[%add3A_440] : memref<320000xi32, #tpu.memory_space<hbm>> -> memref<128xi32, #tpu.memory_space<hbm>>
        tpu.enqueue_dma source(%dma_start3A_449 : memref<128xi32, #tpu.memory_space<hbm>>) target(%dma_start3A_448 : memref<128xi32, #tpu.memory_space<vmem>>) target_semaphore(%arg16 : memref<!tpu.dma_semaphore, #tpu.memory_space<semaphore_mem>>)
        %mul3A_450 = arith.constant 128 : i32
        %mul3A_451 = arith.muli %add3A_437, %mul3A_450 : i32
        %add3A_452 = arith.addi %mul3A_4, %mul3A_451 : i32
        %dma_start3A_453 = arith.constant 2 : i32
        %dma_start3A_454 = arith.constant 0 : i32
        %dma_start3A_455 = tpu.memref_slice %arg8[%dma_start3A_453, %dma_start3A_454] : memref<3x128xi32, #tpu.memory_space<vmem>> -> memref<1x128xi32, #tpu.memory_space<vmem>>
        %dma_start3A_456 = tpu.memref_squeeze %dma_start3A_455 : memref<1x128xi32, #tpu.memory_space<vmem>> -> memref<128xi32, #tpu.memory_space<vmem>>
        %dma_start3A_457 = tpu.memref_slice %arg3[%add3A_452] : memref<320000xi32, #tpu.memory_space<hbm>> -> memref<128xi32, #tpu.memory_space<hbm>>
        %dma_start3A_458 = arith.constant 0 : i32
        %dma_start3A_459 = tpu.memref_slice %arg8[%dma_start3A_453, %dma_start3A_458] : memref<3x128xi32, #tpu.memory_space<vmem>> -> memref<1x128xi32, #tpu.memory_space<vmem>>
        %dma_start3A_460 = tpu.memref_squeeze %dma_start3A_459 : memref<1x128xi32, #tpu.memory_space<vmem>> -> memref<128xi32, #tpu.memory_space<vmem>>
        %dma_start3A_461 = tpu.memref_slice %arg3[%add3A_452] : memref<320000xi32, #tpu.memory_space<hbm>> -> memref<128xi32, #tpu.memory_space<hbm>>
        tpu.enqueue_dma source(%dma_start3A_461 : memref<128xi32, #tpu.memory_space<hbm>>) target(%dma_start3A_460 : memref<128xi32, #tpu.memory_space<vmem>>) target_semaphore(%arg16 : memref<!tpu.dma_semaphore, #tpu.memory_space<semaphore_mem>>)
      } else {
      }
      %mul3A_328 = arith.constant 6 : i32
      %mul3A_329 = arith.muli %scan3A_115, %mul3A_328 : i32
      %add3A_330 = arith.constant 4 : i32
      %add3A_331 = arith.addi %mul3A_329, %add3A_330 : i32
      %add3A_332 = arith.constant 1 : i32
      %add3A_333 = arith.addi %add3A_331, %add3A_332 : i32
      %lt3A_334 = arith.constant 78 : i32
      %lt3A_335 = arith.cmpi slt, %add3A_333, %lt3A_334 : i32
      %convert_element_type3A_336 = arith.extui %lt3A_335 : i1 to i32
      %cond3A_337 = arith.constant 0 : i32
      %cond3A_338 = arith.cmpi ne, %convert_element_type3A_336, %cond3A_337 : i32
      scf.if %cond3A_338 {
        %dma_wait3A_436 = arith.constant 2 : i32
        %dma_wait3A_437 = arith.constant 0 : i32
        %dma_wait3A_438 = tpu.memref_slice %arg7[%dma_wait3A_436, %dma_wait3A_437] : memref<3x128xi32, #tpu.memory_space<vmem>> -> memref<1x128xi32, #tpu.memory_space<vmem>>
        %dma_wait3A_439 = tpu.memref_squeeze %dma_wait3A_438 : memref<1x128xi32, #tpu.memory_space<vmem>> -> memref<128xi32, #tpu.memory_space<vmem>>
        %dma_wait3A_440 = arith.constant 0 : i32
        %dma_wait3A_441 = tpu.memref_slice %arg2[%dma_wait3A_440] : memref<320000xi32, #tpu.memory_space<hbm>> -> memref<128xi32, #tpu.memory_space<hbm>>
        %dma_wait3A_442 = arith.constant 0 : i32
        %dma_wait3A_443 = tpu.memref_slice %arg7[%dma_wait3A_436, %dma_wait3A_442] : memref<3x128xi32, #tpu.memory_space<vmem>> -> memref<1x128xi32, #tpu.memory_space<vmem>>
        %dma_wait3A_444 = tpu.memref_squeeze %dma_wait3A_443 : memref<1x128xi32, #tpu.memory_space<vmem>> -> memref<128xi32, #tpu.memory_space<vmem>>
        %dma_wait3A_445 = arith.constant 0 : i32
        %dma_wait3A_446 = tpu.memref_slice %arg2[%dma_wait3A_445] : memref<320000xi32, #tpu.memory_space<hbm>> -> memref<128xi32, #tpu.memory_space<hbm>>
        tpu.wait_dma2 semaphore(%arg16 : memref<!tpu.dma_semaphore, #tpu.memory_space<semaphore_mem>>) src(%dma_wait3A_446 : memref<128xi32, #tpu.memory_space<hbm>>) dst(%dma_wait3A_444 : memref<128xi32, #tpu.memory_space<vmem>>)
        %dma_wait3A_447 = arith.constant 2 : i32
        %dma_wait3A_448 = arith.constant 0 : i32
        %dma_wait3A_449 = tpu.memref_slice %arg8[%dma_wait3A_447, %dma_wait3A_448] : memref<3x128xi32, #tpu.memory_space<vmem>> -> memref<1x128xi32, #tpu.memory_space<vmem>>
        %dma_wait3A_450 = tpu.memref_squeeze %dma_wait3A_449 : memref<1x128xi32, #tpu.memory_space<vmem>> -> memref<128xi32, #tpu.memory_space<vmem>>
        %dma_wait3A_451 = arith.constant 0 : i32
        %dma_wait3A_452 = tpu.memref_slice %arg3[%dma_wait3A_451] : memref<320000xi32, #tpu.memory_space<hbm>> -> memref<128xi32, #tpu.memory_space<hbm>>
        %dma_wait3A_453 = arith.constant 0 : i32
        %dma_wait3A_454 = tpu.memref_slice %arg8[%dma_wait3A_447, %dma_wait3A_453] : memref<3x128xi32, #tpu.memory_space<vmem>> -> memref<1x128xi32, #tpu.memory_space<vmem>>
        %dma_wait3A_455 = tpu.memref_squeeze %dma_wait3A_454 : memref<1x128xi32, #tpu.memory_space<vmem>> -> memref<128xi32, #tpu.memory_space<vmem>>
        %dma_wait3A_456 = arith.constant 0 : i32
        %dma_wait3A_457 = tpu.memref_slice %arg3[%dma_wait3A_456] : memref<320000xi32, #tpu.memory_space<hbm>> -> memref<128xi32, #tpu.memory_space<hbm>>
        tpu.wait_dma2 semaphore(%arg16 : memref<!tpu.dma_semaphore, #tpu.memory_space<semaphore_mem>>) src(%dma_wait3A_457 : memref<128xi32, #tpu.memory_space<hbm>>) dst(%dma_wait3A_455 : memref<128xi32, #tpu.memory_space<vmem>>)
      } else {
      }
      %ge3A_339 = arith.constant 1 : i32
      %ge3A_340 = arith.cmpi sge, %add3A_331, %ge3A_339 : i32
      %convert_element_type3A_341 = arith.extui %ge3A_340 : i1 to i32
      %cond3A_342 = arith.constant 0 : i32
      %cond3A_343 = arith.cmpi ne, %convert_element_type3A_341, %cond3A_342 : i32
      scf.if %cond3A_343 {
        %dma_wait3A_436 = arith.constant 1 : i32
        %dma_wait3A_437 = arith.constant 0 : i32
        %dma_wait3A_438 = arith.constant 0 : i32
        %dma_wait3A_439 = arith.constant 0 : i32
        %dma_wait3A_440 = tpu.memref_slice %arg9[%dma_wait3A_436, %dma_wait3A_438, %dma_wait3A_439] : memref<2x128x128xf32, #tpu.memory_space<vmem>> -> memref<1x128x128xf32, #tpu.memory_space<vmem>>
        %dma_wait3A_441 = tpu.memref_squeeze %dma_wait3A_440 : memref<1x128x128xf32, #tpu.memory_space<vmem>> -> memref<128x128xf32, #tpu.memory_space<vmem>>
        %dma_wait3A_442 = arith.constant 0 : i32
        %dma_wait3A_443 = tpu.memref_slice %arg8[%dma_wait3A_437, %dma_wait3A_442] : memref<3x128xi32, #tpu.memory_space<vmem>> -> memref<1x128xi32, #tpu.memory_space<vmem>>
        %dma_wait3A_444 = tpu.memref_squeeze %dma_wait3A_443 : memref<1x128xi32, #tpu.memory_space<vmem>> -> memref<128xi32, #tpu.memory_space<vmem>>
        %dma_wait3A_445 = arith.constant 0 : i32
        %dma_wait3A_446 = arith.constant 0 : i32
        %dma_wait3A_447 = tpu.memref_slice %arg13[%dma_wait3A_445, %dma_wait3A_446] : memref<10240x128xf32, #tpu.memory_space<vmem_shared>> -> memref<10240x128xf32, #tpu.memory_space<vmem_shared>>
        tpu.wait_indirect_dma semaphore(%arg20 : memref<!tpu.dma_semaphore, #tpu.memory_space<semaphore_mem>>) src(%dma_wait3A_441 : memref<128x128xf32, #tpu.memory_space<vmem>>) dst(%dma_wait3A_447 : memref<10240x128xf32, #tpu.memory_space<vmem_shared>>)
      } else {
      }
      %add3A_344 = arith.constant 1 : i32
      %add3A_345 = arith.addi %add3A_331, %add3A_344 : i32
      %lt3A_346 = arith.constant 78 : i32
      %lt3A_347 = arith.cmpi slt, %add3A_345, %lt3A_346 : i32
      %convert_element_type3A_348 = arith.extui %lt3A_347 : i1 to i32
      %cond3A_349 = arith.constant 0 : i32
      %cond3A_350 = arith.cmpi ne, %convert_element_type3A_348, %cond3A_349 : i32
      scf.if %cond3A_350 {
        %dma_start3A_436 = arith.constant 2 : i32
        %dma_start3A_437 = arith.constant 1 : i32
        %dma_start3A_438 = arith.constant 0 : i32
        %dma_start3A_439 = arith.constant 0 : i32
        %dma_start3A_440 = tpu.memref_slice %arg9[%dma_start3A_437, %dma_start3A_438, %dma_start3A_439] : memref<2x128x128xf32, #tpu.memory_space<vmem>> -> memref<1x128x128xf32, #tpu.memory_space<vmem>>
        %dma_start3A_441 = tpu.memref_squeeze %dma_start3A_440 : memref<1x128x128xf32, #tpu.memory_space<vmem>> -> memref<128x128xf32, #tpu.memory_space<vmem>>
        %dma_start3A_442 = arith.constant 0 : i32
        %dma_start3A_443 = tpu.memref_slice %arg7[%dma_start3A_436, %dma_start3A_442] : memref<3x128xi32, #tpu.memory_space<vmem>> -> memref<1x128xi32, #tpu.memory_space<vmem>>
        %dma_start3A_444 = tpu.memref_squeeze %dma_start3A_443 : memref<1x128xi32, #tpu.memory_space<vmem>> -> memref<128xi32, #tpu.memory_space<vmem>>
        %dma_start3A_445 = arith.constant 0 : i32
        %dma_start3A_446 = arith.constant 0 : i32
        %dma_start3A_447 = tpu.memref_slice %arg4[%dma_start3A_445, %dma_start3A_446] : memref<10000x128xf32, #tpu.memory_space<hbm>> -> memref<10000x128xf32, #tpu.memory_space<hbm>>
        tpu.enqueue_indirect_dma source(%dma_start3A_447 : memref<10000x128xf32, #tpu.memory_space<hbm>>) target(%dma_start3A_441 : memref<128x128xf32, #tpu.memory_space<vmem>>) offsets(%dma_start3A_444 : memref<128xi32, #tpu.memory_space<vmem>>) semaphore(%arg18 : memref<!tpu.dma_semaphore, #tpu.memory_space<semaphore_mem>>)
      } else {
      }
      %dma_wait3A_351 = arith.constant 1 : i32
      %dma_wait3A_352 = arith.constant 0 : i32
      %dma_wait3A_353 = arith.constant 0 : i32
      %dma_wait3A_354 = arith.constant 0 : i32
      %dma_wait3A_355 = tpu.memref_slice %arg9[%dma_wait3A_352, %dma_wait3A_353, %dma_wait3A_354] : memref<2x128x128xf32, #tpu.memory_space<vmem>> -> memref<1x128x128xf32, #tpu.memory_space<vmem>>
      %dma_wait3A_356 = tpu.memref_squeeze %dma_wait3A_355 : memref<1x128x128xf32, #tpu.memory_space<vmem>> -> memref<128x128xf32, #tpu.memory_space<vmem>>
      %dma_wait3A_357 = arith.constant 0 : i32
      %dma_wait3A_358 = tpu.memref_slice %arg7[%dma_wait3A_351, %dma_wait3A_357] : memref<3x128xi32, #tpu.memory_space<vmem>> -> memref<1x128xi32, #tpu.memory_space<vmem>>
      %dma_wait3A_359 = tpu.memref_squeeze %dma_wait3A_358 : memref<1x128xi32, #tpu.memory_space<vmem>> -> memref<128xi32, #tpu.memory_space<vmem>>
      %dma_wait3A_360 = arith.constant 0 : i32
      %dma_wait3A_361 = arith.constant 0 : i32
      %dma_wait3A_362 = tpu.memref_slice %arg4[%dma_wait3A_360, %dma_wait3A_361] : memref<10000x128xf32, #tpu.memory_space<hbm>> -> memref<10000x128xf32, #tpu.memory_space<hbm>>
      tpu.wait_indirect_dma semaphore(%arg17 : memref<!tpu.dma_semaphore, #tpu.memory_space<semaphore_mem>>) src(%dma_wait3A_362 : memref<10000x128xf32, #tpu.memory_space<hbm>>) dst(%dma_wait3A_356 : memref<128x128xf32, #tpu.memory_space<vmem>>)
      %dma_start3A_363 = arith.constant 0 : i32
      %dma_start3A_364 = arith.constant 1 : i32
      %dma_start3A_365 = arith.constant 0 : i32
      %dma_start3A_366 = arith.constant 0 : i32
      %dma_start3A_367 = tpu.memref_slice %arg9[%dma_start3A_363, %dma_start3A_365, %dma_start3A_366] : memref<2x128x128xf32, #tpu.memory_space<vmem>> -> memref<1x128x128xf32, #tpu.memory_space<vmem>>
      %dma_start3A_368 = tpu.memref_squeeze %dma_start3A_367 : memref<1x128x128xf32, #tpu.memory_space<vmem>> -> memref<128x128xf32, #tpu.memory_space<vmem>>
      %dma_start3A_369 = arith.constant 0 : i32
      %dma_start3A_370 = tpu.memref_slice %arg8[%dma_start3A_364, %dma_start3A_369] : memref<3x128xi32, #tpu.memory_space<vmem>> -> memref<1x128xi32, #tpu.memory_space<vmem>>
      %dma_start3A_371 = tpu.memref_squeeze %dma_start3A_370 : memref<1x128xi32, #tpu.memory_space<vmem>> -> memref<128xi32, #tpu.memory_space<vmem>>
      %dma_start3A_372 = arith.constant 0 : i32
      %dma_start3A_373 = arith.constant 0 : i32
      %dma_start3A_374 = tpu.memref_slice %arg13[%dma_start3A_372, %dma_start3A_373] : memref<10240x128xf32, #tpu.memory_space<vmem_shared>> -> memref<10240x128xf32, #tpu.memory_space<vmem_shared>>
      tpu.enqueue_indirect_dma source(%dma_start3A_368 : memref<128x128xf32, #tpu.memory_space<vmem>>) target(%dma_start3A_374 : memref<10240x128xf32, #tpu.memory_space<vmem_shared>>) offsets(%dma_start3A_371 : memref<128xi32, #tpu.memory_space<vmem>>) semaphore(%arg19 : memref<!tpu.dma_semaphore, #tpu.memory_space<semaphore_mem>>) {add = true}
      %add3A_375 = arith.constant 2 : i32
      %add3A_376 = arith.addi %add3A_331, %add3A_375 : i32
      %lt3A_377 = arith.constant 78 : i32
      %lt3A_378 = arith.cmpi slt, %add3A_376, %lt3A_377 : i32
      %convert_element_type3A_379 = arith.extui %lt3A_378 : i1 to i32
      %cond3A_380 = arith.constant 0 : i32
      %cond3A_381 = arith.cmpi ne, %convert_element_type3A_379, %cond3A_380 : i32
      scf.if %cond3A_381 {
        %add3A_436 = arith.constant 2 : i32
        %add3A_437 = arith.addi %add3A_331, %add3A_436 : i32
        %mul3A_438 = arith.constant 128 : i32
        %mul3A_439 = arith.muli %add3A_437, %mul3A_438 : i32
        %add3A_440 = arith.addi %mul3A_4, %mul3A_439 : i32
        %dma_start3A_441 = arith.constant 0 : i32
        %dma_start3A_442 = arith.constant 0 : i32
        %dma_start3A_443 = tpu.memref_slice %arg7[%dma_start3A_441, %dma_start3A_442] : memref<3x128xi32, #tpu.memory_space<vmem>> -> memref<1x128xi32, #tpu.memory_space<vmem>>
        %dma_start3A_444 = tpu.memref_squeeze %dma_start3A_443 : memref<1x128xi32, #tpu.memory_space<vmem>> -> memref<128xi32, #tpu.memory_space<vmem>>
        %dma_start3A_445 = tpu.memref_slice %arg2[%add3A_440] : memref<320000xi32, #tpu.memory_space<hbm>> -> memref<128xi32, #tpu.memory_space<hbm>>
        %dma_start3A_446 = arith.constant 0 : i32
        %dma_start3A_447 = tpu.memref_slice %arg7[%dma_start3A_441, %dma_start3A_446] : memref<3x128xi32, #tpu.memory_space<vmem>> -> memref<1x128xi32, #tpu.memory_space<vmem>>
        %dma_start3A_448 = tpu.memref_squeeze %dma_start3A_447 : memref<1x128xi32, #tpu.memory_space<vmem>> -> memref<128xi32, #tpu.memory_space<vmem>>
        %dma_start3A_449 = tpu.memref_slice %arg2[%add3A_440] : memref<320000xi32, #tpu.memory_space<hbm>> -> memref<128xi32, #tpu.memory_space<hbm>>
        tpu.enqueue_dma source(%dma_start3A_449 : memref<128xi32, #tpu.memory_space<hbm>>) target(%dma_start3A_448 : memref<128xi32, #tpu.memory_space<vmem>>) target_semaphore(%arg14 : memref<!tpu.dma_semaphore, #tpu.memory_space<semaphore_mem>>)
        %mul3A_450 = arith.constant 128 : i32
        %mul3A_451 = arith.muli %add3A_437, %mul3A_450 : i32
        %add3A_452 = arith.addi %mul3A_4, %mul3A_451 : i32
        %dma_start3A_453 = arith.constant 0 : i32
        %dma_start3A_454 = arith.constant 0 : i32
        %dma_start3A_455 = tpu.memref_slice %arg8[%dma_start3A_453, %dma_start3A_454] : memref<3x128xi32, #tpu.memory_space<vmem>> -> memref<1x128xi32, #tpu.memory_space<vmem>>
        %dma_start3A_456 = tpu.memref_squeeze %dma_start3A_455 : memref<1x128xi32, #tpu.memory_space<vmem>> -> memref<128xi32, #tpu.memory_space<vmem>>
        %dma_start3A_457 = tpu.memref_slice %arg3[%add3A_452] : memref<320000xi32, #tpu.memory_space<hbm>> -> memref<128xi32, #tpu.memory_space<hbm>>
        %dma_start3A_458 = arith.constant 0 : i32
        %dma_start3A_459 = tpu.memref_slice %arg8[%dma_start3A_453, %dma_start3A_458] : memref<3x128xi32, #tpu.memory_space<vmem>> -> memref<1x128xi32, #tpu.memory_space<vmem>>
        %dma_start3A_460 = tpu.memref_squeeze %dma_start3A_459 : memref<1x128xi32, #tpu.memory_space<vmem>> -> memref<128xi32, #tpu.memory_space<vmem>>
        %dma_start3A_461 = tpu.memref_slice %arg3[%add3A_452] : memref<320000xi32, #tpu.memory_space<hbm>> -> memref<128xi32, #tpu.memory_space<hbm>>
        tpu.enqueue_dma source(%dma_start3A_461 : memref<128xi32, #tpu.memory_space<hbm>>) target(%dma_start3A_460 : memref<128xi32, #tpu.memory_space<vmem>>) target_semaphore(%arg14 : memref<!tpu.dma_semaphore, #tpu.memory_space<semaphore_mem>>)
      } else {
      }
      %mul3A_382 = arith.constant 6 : i32
      %mul3A_383 = arith.muli %scan3A_115, %mul3A_382 : i32
      %add3A_384 = arith.constant 5 : i32
      %add3A_385 = arith.addi %mul3A_383, %add3A_384 : i32
      %add3A_386 = arith.constant 1 : i32
      %add3A_387 = arith.addi %add3A_385, %add3A_386 : i32
      %lt3A_388 = arith.constant 78 : i32
      %lt3A_389 = arith.cmpi slt, %add3A_387, %lt3A_388 : i32
      %convert_element_type3A_390 = arith.extui %lt3A_389 : i1 to i32
      %cond3A_391 = arith.constant 0 : i32
      %cond3A_392 = arith.cmpi ne, %convert_element_type3A_390, %cond3A_391 : i32
      scf.if %cond3A_392 {
        %dma_wait3A_436 = arith.constant 0 : i32
        %dma_wait3A_437 = arith.constant 0 : i32
        %dma_wait3A_438 = tpu.memref_slice %arg7[%dma_wait3A_436, %dma_wait3A_437] : memref<3x128xi32, #tpu.memory_space<vmem>> -> memref<1x128xi32, #tpu.memory_space<vmem>>
        %dma_wait3A_439 = tpu.memref_squeeze %dma_wait3A_438 : memref<1x128xi32, #tpu.memory_space<vmem>> -> memref<128xi32, #tpu.memory_space<vmem>>
        %dma_wait3A_440 = arith.constant 0 : i32
        %dma_wait3A_441 = tpu.memref_slice %arg2[%dma_wait3A_440] : memref<320000xi32, #tpu.memory_space<hbm>> -> memref<128xi32, #tpu.memory_space<hbm>>
        %dma_wait3A_442 = arith.constant 0 : i32
        %dma_wait3A_443 = tpu.memref_slice %arg7[%dma_wait3A_436, %dma_wait3A_442] : memref<3x128xi32, #tpu.memory_space<vmem>> -> memref<1x128xi32, #tpu.memory_space<vmem>>
        %dma_wait3A_444 = tpu.memref_squeeze %dma_wait3A_443 : memref<1x128xi32, #tpu.memory_space<vmem>> -> memref<128xi32, #tpu.memory_space<vmem>>
        %dma_wait3A_445 = arith.constant 0 : i32
        %dma_wait3A_446 = tpu.memref_slice %arg2[%dma_wait3A_445] : memref<320000xi32, #tpu.memory_space<hbm>> -> memref<128xi32, #tpu.memory_space<hbm>>
        tpu.wait_dma2 semaphore(%arg14 : memref<!tpu.dma_semaphore, #tpu.memory_space<semaphore_mem>>) src(%dma_wait3A_446 : memref<128xi32, #tpu.memory_space<hbm>>) dst(%dma_wait3A_444 : memref<128xi32, #tpu.memory_space<vmem>>)
        %dma_wait3A_447 = arith.constant 0 : i32
        %dma_wait3A_448 = arith.constant 0 : i32
        %dma_wait3A_449 = tpu.memref_slice %arg8[%dma_wait3A_447, %dma_wait3A_448] : memref<3x128xi32, #tpu.memory_space<vmem>> -> memref<1x128xi32, #tpu.memory_space<vmem>>
        %dma_wait3A_450 = tpu.memref_squeeze %dma_wait3A_449 : memref<1x128xi32, #tpu.memory_space<vmem>> -> memref<128xi32, #tpu.memory_space<vmem>>
        %dma_wait3A_451 = arith.constant 0 : i32
        %dma_wait3A_452 = tpu.memref_slice %arg3[%dma_wait3A_451] : memref<320000xi32, #tpu.memory_space<hbm>> -> memref<128xi32, #tpu.memory_space<hbm>>
        %dma_wait3A_453 = arith.constant 0 : i32
        %dma_wait3A_454 = tpu.memref_slice %arg8[%dma_wait3A_447, %dma_wait3A_453] : memref<3x128xi32, #tpu.memory_space<vmem>> -> memref<1x128xi32, #tpu.memory_space<vmem>>
        %dma_wait3A_455 = tpu.memref_squeeze %dma_wait3A_454 : memref<1x128xi32, #tpu.memory_space<vmem>> -> memref<128xi32, #tpu.memory_space<vmem>>
        %dma_wait3A_456 = arith.constant 0 : i32
        %dma_wait3A_457 = tpu.memref_slice %arg3[%dma_wait3A_456] : memref<320000xi32, #tpu.memory_space<hbm>> -> memref<128xi32, #tpu.memory_space<hbm>>
        tpu.wait_dma2 semaphore(%arg14 : memref<!tpu.dma_semaphore, #tpu.memory_space<semaphore_mem>>) src(%dma_wait3A_457 : memref<128xi32, #tpu.memory_space<hbm>>) dst(%dma_wait3A_455 : memref<128xi32, #tpu.memory_space<vmem>>)
      } else {
      }
      %ge3A_393 = arith.constant 1 : i32
      %ge3A_394 = arith.cmpi sge, %add3A_385, %ge3A_393 : i32
      %convert_element_type3A_395 = arith.extui %ge3A_394 : i1 to i32
      %cond3A_396 = arith.constant 0 : i32
      %cond3A_397 = arith.cmpi ne, %convert_element_type3A_395, %cond3A_396 : i32
      scf.if %cond3A_397 {
        %dma_wait3A_436 = arith.constant 0 : i32
        %dma_wait3A_437 = arith.constant 1 : i32
        %dma_wait3A_438 = arith.constant 0 : i32
        %dma_wait3A_439 = arith.constant 0 : i32
        %dma_wait3A_440 = tpu.memref_slice %arg9[%dma_wait3A_436, %dma_wait3A_438, %dma_wait3A_439] : memref<2x128x128xf32, #tpu.memory_space<vmem>> -> memref<1x128x128xf32, #tpu.memory_space<vmem>>
        %dma_wait3A_441 = tpu.memref_squeeze %dma_wait3A_440 : memref<1x128x128xf32, #tpu.memory_space<vmem>> -> memref<128x128xf32, #tpu.memory_space<vmem>>
        %dma_wait3A_442 = arith.constant 0 : i32
        %dma_wait3A_443 = tpu.memref_slice %arg8[%dma_wait3A_437, %dma_wait3A_442] : memref<3x128xi32, #tpu.memory_space<vmem>> -> memref<1x128xi32, #tpu.memory_space<vmem>>
        %dma_wait3A_444 = tpu.memref_squeeze %dma_wait3A_443 : memref<1x128xi32, #tpu.memory_space<vmem>> -> memref<128xi32, #tpu.memory_space<vmem>>
        %dma_wait3A_445 = arith.constant 0 : i32
        %dma_wait3A_446 = arith.constant 0 : i32
        %dma_wait3A_447 = tpu.memref_slice %arg13[%dma_wait3A_445, %dma_wait3A_446] : memref<10240x128xf32, #tpu.memory_space<vmem_shared>> -> memref<10240x128xf32, #tpu.memory_space<vmem_shared>>
        tpu.wait_indirect_dma semaphore(%arg19 : memref<!tpu.dma_semaphore, #tpu.memory_space<semaphore_mem>>) src(%dma_wait3A_441 : memref<128x128xf32, #tpu.memory_space<vmem>>) dst(%dma_wait3A_447 : memref<10240x128xf32, #tpu.memory_space<vmem_shared>>)
      } else {
      }
      %add3A_398 = arith.constant 1 : i32
      %add3A_399 = arith.addi %add3A_385, %add3A_398 : i32
      %lt3A_400 = arith.constant 78 : i32
      %lt3A_401 = arith.cmpi slt, %add3A_399, %lt3A_400 : i32
      %convert_element_type3A_402 = arith.extui %lt3A_401 : i1 to i32
      %cond3A_403 = arith.constant 0 : i32
      %cond3A_404 = arith.cmpi ne, %convert_element_type3A_402, %cond3A_403 : i32
      scf.if %cond3A_404 {
        %dma_start3A_436 = arith.constant 0 : i32
        %dma_start3A_437 = arith.constant 0 : i32
        %dma_start3A_438 = arith.constant 0 : i32
        %dma_start3A_439 = arith.constant 0 : i32
        %dma_start3A_440 = tpu.memref_slice %arg9[%dma_start3A_437, %dma_start3A_438, %dma_start3A_439] : memref<2x128x128xf32, #tpu.memory_space<vmem>> -> memref<1x128x128xf32, #tpu.memory_space<vmem>>
        %dma_start3A_441 = tpu.memref_squeeze %dma_start3A_440 : memref<1x128x128xf32, #tpu.memory_space<vmem>> -> memref<128x128xf32, #tpu.memory_space<vmem>>
        %dma_start3A_442 = arith.constant 0 : i32
        %dma_start3A_443 = tpu.memref_slice %arg7[%dma_start3A_436, %dma_start3A_442] : memref<3x128xi32, #tpu.memory_space<vmem>> -> memref<1x128xi32, #tpu.memory_space<vmem>>
        %dma_start3A_444 = tpu.memref_squeeze %dma_start3A_443 : memref<1x128xi32, #tpu.memory_space<vmem>> -> memref<128xi32, #tpu.memory_space<vmem>>
        %dma_start3A_445 = arith.constant 0 : i32
        %dma_start3A_446 = arith.constant 0 : i32
        %dma_start3A_447 = tpu.memref_slice %arg4[%dma_start3A_445, %dma_start3A_446] : memref<10000x128xf32, #tpu.memory_space<hbm>> -> memref<10000x128xf32, #tpu.memory_space<hbm>>
        tpu.enqueue_indirect_dma source(%dma_start3A_447 : memref<10000x128xf32, #tpu.memory_space<hbm>>) target(%dma_start3A_441 : memref<128x128xf32, #tpu.memory_space<vmem>>) offsets(%dma_start3A_444 : memref<128xi32, #tpu.memory_space<vmem>>) semaphore(%arg17 : memref<!tpu.dma_semaphore, #tpu.memory_space<semaphore_mem>>)
      } else {
      }
      %dma_wait3A_405 = arith.constant 2 : i32
      %dma_wait3A_406 = arith.constant 1 : i32
      %dma_wait3A_407 = arith.constant 0 : i32
      %dma_wait3A_408 = arith.constant 0 : i32
      %dma_wait3A_409 = tpu.memref_slice %arg9[%dma_wait3A_406, %dma_wait3A_407, %dma_wait3A_408] : memref<2x128x128xf32, #tpu.memory_space<vmem>> -> memref<1x128x128xf32, #tpu.memory_space<vmem>>
      %dma_wait3A_410 = tpu.memref_squeeze %dma_wait3A_409 : memref<1x128x128xf32, #tpu.memory_space<vmem>> -> memref<128x128xf32, #tpu.memory_space<vmem>>
      %dma_wait3A_411 = arith.constant 0 : i32
      %dma_wait3A_412 = tpu.memref_slice %arg7[%dma_wait3A_405, %dma_wait3A_411] : memref<3x128xi32, #tpu.memory_space<vmem>> -> memref<1x128xi32, #tpu.memory_space<vmem>>
      %dma_wait3A_413 = tpu.memref_squeeze %dma_wait3A_412 : memref<1x128xi32, #tpu.memory_space<vmem>> -> memref<128xi32, #tpu.memory_space<vmem>>
      %dma_wait3A_414 = arith.constant 0 : i32
      %dma_wait3A_415 = arith.constant 0 : i32
      %dma_wait3A_416 = tpu.memref_slice %arg4[%dma_wait3A_414, %dma_wait3A_415] : memref<10000x128xf32, #tpu.memory_space<hbm>> -> memref<10000x128xf32, #tpu.memory_space<hbm>>
      tpu.wait_indirect_dma semaphore(%arg18 : memref<!tpu.dma_semaphore, #tpu.memory_space<semaphore_mem>>) src(%dma_wait3A_416 : memref<10000x128xf32, #tpu.memory_space<hbm>>) dst(%dma_wait3A_410 : memref<128x128xf32, #tpu.memory_space<vmem>>)
      %dma_start3A_417 = arith.constant 1 : i32
      %dma_start3A_418 = arith.constant 2 : i32
      %dma_start3A_419 = arith.constant 0 : i32
      %dma_start3A_420 = arith.constant 0 : i32
      %dma_start3A_421 = tpu.memref_slice %arg9[%dma_start3A_417, %dma_start3A_419, %dma_start3A_420] : memref<2x128x128xf32, #tpu.memory_space<vmem>> -> memref<1x128x128xf32, #tpu.memory_space<vmem>>
      %dma_start3A_422 = tpu.memref_squeeze %dma_start3A_421 : memref<1x128x128xf32, #tpu.memory_space<vmem>> -> memref<128x128xf32, #tpu.memory_space<vmem>>
      %dma_start3A_423 = arith.constant 0 : i32
      %dma_start3A_424 = tpu.memref_slice %arg8[%dma_start3A_418, %dma_start3A_423] : memref<3x128xi32, #tpu.memory_space<vmem>> -> memref<1x128xi32, #tpu.memory_space<vmem>>
      %dma_start3A_425 = tpu.memref_squeeze %dma_start3A_424 : memref<1x128xi32, #tpu.memory_space<vmem>> -> memref<128xi32, #tpu.memory_space<vmem>>
      %dma_start3A_426 = arith.constant 0 : i32
      %dma_start3A_427 = arith.constant 0 : i32
      %dma_start3A_428 = tpu.memref_slice %arg13[%dma_start3A_426, %dma_start3A_427] : memref<10240x128xf32, #tpu.memory_space<vmem_shared>> -> memref<10240x128xf32, #tpu.memory_space<vmem_shared>>
      tpu.enqueue_indirect_dma source(%dma_start3A_422 : memref<128x128xf32, #tpu.memory_space<vmem>>) target(%dma_start3A_428 : memref<10240x128xf32, #tpu.memory_space<vmem_shared>>) offsets(%dma_start3A_425 : memref<128xi32, #tpu.memory_space<vmem>>) semaphore(%arg20 : memref<!tpu.dma_semaphore, #tpu.memory_space<semaphore_mem>>) {add = true}
      %add3A_429 = arith.constant 2 : i32
      %add3A_430 = arith.addi %add3A_385, %add3A_429 : i32
      %lt3A_431 = arith.constant 78 : i32
      %lt3A_432 = arith.cmpi slt, %add3A_430, %lt3A_431 : i32
      %convert_element_type3A_433 = arith.extui %lt3A_432 : i1 to i32
      %cond3A_434 = arith.constant 0 : i32
      %cond3A_435 = arith.cmpi ne, %convert_element_type3A_433, %cond3A_434 : i32
      scf.if %cond3A_435 {
        %add3A_436 = arith.constant 2 : i32
        %add3A_437 = arith.addi %add3A_385, %add3A_436 : i32
        %mul3A_438 = arith.constant 128 : i32
        %mul3A_439 = arith.muli %add3A_437, %mul3A_438 : i32
        %add3A_440 = arith.addi %mul3A_4, %mul3A_439 : i32
        %dma_start3A_441 = arith.constant 1 : i32
        %dma_start3A_442 = arith.constant 0 : i32
        %dma_start3A_443 = tpu.memref_slice %arg7[%dma_start3A_441, %dma_start3A_442] : memref<3x128xi32, #tpu.memory_space<vmem>> -> memref<1x128xi32, #tpu.memory_space<vmem>>
        %dma_start3A_444 = tpu.memref_squeeze %dma_start3A_443 : memref<1x128xi32, #tpu.memory_space<vmem>> -> memref<128xi32, #tpu.memory_space<vmem>>
        %dma_start3A_445 = tpu.memref_slice %arg2[%add3A_440] : memref<320000xi32, #tpu.memory_space<hbm>> -> memref<128xi32, #tpu.memory_space<hbm>>
        %dma_start3A_446 = arith.constant 0 : i32
        %dma_start3A_447 = tpu.memref_slice %arg7[%dma_start3A_441, %dma_start3A_446] : memref<3x128xi32, #tpu.memory_space<vmem>> -> memref<1x128xi32, #tpu.memory_space<vmem>>
        %dma_start3A_448 = tpu.memref_squeeze %dma_start3A_447 : memref<1x128xi32, #tpu.memory_space<vmem>> -> memref<128xi32, #tpu.memory_space<vmem>>
        %dma_start3A_449 = tpu.memref_slice %arg2[%add3A_440] : memref<320000xi32, #tpu.memory_space<hbm>> -> memref<128xi32, #tpu.memory_space<hbm>>
        tpu.enqueue_dma source(%dma_start3A_449 : memref<128xi32, #tpu.memory_space<hbm>>) target(%dma_start3A_448 : memref<128xi32, #tpu.memory_space<vmem>>) target_semaphore(%arg15 : memref<!tpu.dma_semaphore, #tpu.memory_space<semaphore_mem>>)
        %mul3A_450 = arith.constant 128 : i32
        %mul3A_451 = arith.muli %add3A_437, %mul3A_450 : i32
        %add3A_452 = arith.addi %mul3A_4, %mul3A_451 : i32
        %dma_start3A_453 = arith.constant 1 : i32
        %dma_start3A_454 = arith.constant 0 : i32
        %dma_start3A_455 = tpu.memref_slice %arg8[%dma_start3A_453, %dma_start3A_454] : memref<3x128xi32, #tpu.memory_space<vmem>> -> memref<1x128xi32, #tpu.memory_space<vmem>>
        %dma_start3A_456 = tpu.memref_squeeze %dma_start3A_455 : memref<1x128xi32, #tpu.memory_space<vmem>> -> memref<128xi32, #tpu.memory_space<vmem>>
        %dma_start3A_457 = tpu.memref_slice %arg3[%add3A_452] : memref<320000xi32, #tpu.memory_space<hbm>> -> memref<128xi32, #tpu.memory_space<hbm>>
        %dma_start3A_458 = arith.constant 0 : i32
        %dma_start3A_459 = tpu.memref_slice %arg8[%dma_start3A_453, %dma_start3A_458] : memref<3x128xi32, #tpu.memory_space<vmem>> -> memref<1x128xi32, #tpu.memory_space<vmem>>
        %dma_start3A_460 = tpu.memref_squeeze %dma_start3A_459 : memref<1x128xi32, #tpu.memory_space<vmem>> -> memref<128xi32, #tpu.memory_space<vmem>>
        %dma_start3A_461 = tpu.memref_slice %arg3[%add3A_452] : memref<320000xi32, #tpu.memory_space<hbm>> -> memref<128xi32, #tpu.memory_space<hbm>>
        tpu.enqueue_dma source(%dma_start3A_461 : memref<128xi32, #tpu.memory_space<hbm>>) target(%dma_start3A_460 : memref<128xi32, #tpu.memory_space<vmem>>) target_semaphore(%arg15 : memref<!tpu.dma_semaphore, #tpu.memory_space<semaphore_mem>>)
      } else {
      }
    }
    %scan3A_93 = arith.constant 13 : i32
    %dma_wait3A_94 = arith.constant 1 : i32
    %dma_wait3A_95 = arith.constant 2 : i32
    %dma_wait3A_96 = arith.constant 0 : i32
    %dma_wait3A_97 = arith.constant 0 : i32
    %dma_wait3A_98 = tpu.memref_slice %arg9[%dma_wait3A_94, %dma_wait3A_96, %dma_wait3A_97] : memref<2x128x128xf32, #tpu.memory_space<vmem>> -> memref<1x128x128xf32, #tpu.memory_space<vmem>>
    %dma_wait3A_99 = tpu.memref_squeeze %dma_wait3A_98 : memref<1x128x128xf32, #tpu.memory_space<vmem>> -> memref<128x128xf32, #tpu.memory_space<vmem>>
    %dma_wait3A_100 = arith.constant 0 : i32
    %dma_wait3A_101 = tpu.memref_slice %arg8[%dma_wait3A_95, %dma_wait3A_100] : memref<3x128xi32, #tpu.memory_space<vmem>> -> memref<1x128xi32, #tpu.memory_space<vmem>>
    %dma_wait3A_102 = tpu.memref_squeeze %dma_wait3A_101 : memref<1x128xi32, #tpu.memory_space<vmem>> -> memref<128xi32, #tpu.memory_space<vmem>>
    %dma_wait3A_103 = arith.constant 0 : i32
    %dma_wait3A_104 = arith.constant 0 : i32
    %dma_wait3A_105 = tpu.memref_slice %arg13[%dma_wait3A_103, %dma_wait3A_104] : memref<10240x128xf32, #tpu.memory_space<vmem_shared>> -> memref<10240x128xf32, #tpu.memory_space<vmem_shared>>
    tpu.wait_indirect_dma semaphore(%arg20 : memref<!tpu.dma_semaphore, #tpu.memory_space<semaphore_mem>>) src(%dma_wait3A_99 : memref<128x128xf32, #tpu.memory_space<vmem>>) dst(%dma_wait3A_105 : memref<10240x128xf32, #tpu.memory_space<vmem_shared>>)
    %add3A_106 = arith.constant 9984 : i32
    %add3A_107 = arith.addi %mul3A_4, %add3A_106 : i32
    "tpu.region"() ({
      %run_scoped3A = tpu.sem_alloc : memref<!tpu.dma_semaphore, #tpu.memory_space<semaphore_mem>>
      %dma_start3A_115 = tpu.memref_slice %arg2[%add3A_107] : memref<320000xi32, #tpu.memory_space<hbm>> -> memref<16xi32, #tpu.memory_space<hbm>>
      %dma_start3A_116 = tpu.memref_slice %arg2[%add3A_107] : memref<320000xi32, #tpu.memory_space<hbm>> -> memref<16xi32, #tpu.memory_space<hbm>>
      tpu.enqueue_dma source(%dma_start3A_116 : memref<16xi32, #tpu.memory_space<hbm>>) target(%arg10 : memref<16xi32, #tpu.memory_space<vmem>>) target_semaphore(%run_scoped3A : memref<!tpu.dma_semaphore, #tpu.memory_space<semaphore_mem>>)
      %dma_wait3A_117 = tpu.memref_slice %arg2[%add3A_107] : memref<320000xi32, #tpu.memory_space<hbm>> -> memref<16xi32, #tpu.memory_space<hbm>>
      %dma_wait3A_118 = tpu.memref_slice %arg2[%add3A_107] : memref<320000xi32, #tpu.memory_space<hbm>> -> memref<16xi32, #tpu.memory_space<hbm>>
      tpu.wait_dma2 semaphore(%run_scoped3A : memref<!tpu.dma_semaphore, #tpu.memory_space<semaphore_mem>>) src(%dma_wait3A_118 : memref<16xi32, #tpu.memory_space<hbm>>) dst(%arg10 : memref<16xi32, #tpu.memory_space<vmem>>)
      tpu.yield
    }) : () -> ()
    "tpu.region"() ({
      %run_scoped3A = tpu.sem_alloc : memref<!tpu.dma_semaphore, #tpu.memory_space<semaphore_mem>>
      %dma_start3A_115 = tpu.memref_slice %arg3[%add3A_107] : memref<320000xi32, #tpu.memory_space<hbm>> -> memref<16xi32, #tpu.memory_space<hbm>>
      %dma_start3A_116 = tpu.memref_slice %arg3[%add3A_107] : memref<320000xi32, #tpu.memory_space<hbm>> -> memref<16xi32, #tpu.memory_space<hbm>>
      tpu.enqueue_dma source(%dma_start3A_116 : memref<16xi32, #tpu.memory_space<hbm>>) target(%arg11 : memref<16xi32, #tpu.memory_space<vmem>>) target_semaphore(%run_scoped3A : memref<!tpu.dma_semaphore, #tpu.memory_space<semaphore_mem>>)
      %dma_wait3A_117 = tpu.memref_slice %arg3[%add3A_107] : memref<320000xi32, #tpu.memory_space<hbm>> -> memref<16xi32, #tpu.memory_space<hbm>>
      %dma_wait3A_118 = tpu.memref_slice %arg3[%add3A_107] : memref<320000xi32, #tpu.memory_space<hbm>> -> memref<16xi32, #tpu.memory_space<hbm>>
      tpu.wait_dma2 semaphore(%run_scoped3A : memref<!tpu.dma_semaphore, #tpu.memory_space<semaphore_mem>>) src(%dma_wait3A_118 : memref<16xi32, #tpu.memory_space<hbm>>) dst(%arg11 : memref<16xi32, #tpu.memory_space<vmem>>)
      tpu.yield
    }) : () -> ()
    %dma_start3A_108 = arith.constant 0 : i32
    %dma_start3A_109 = arith.constant 0 : i32
    %dma_start3A_110 = tpu.memref_slice %arg4[%dma_start3A_108, %dma_start3A_109] : memref<10000x128xf32, #tpu.memory_space<hbm>> -> memref<10000x128xf32, #tpu.memory_space<hbm>>
    tpu.enqueue_indirect_dma source(%dma_start3A_110 : memref<10000x128xf32, #tpu.memory_space<hbm>>) target(%arg12 : memref<16x128xf32, #tpu.memory_space<vmem>>) offsets(%arg10 : memref<16xi32, #tpu.memory_space<vmem>>) semaphore(%arg17 : memref<!tpu.dma_semaphore, #tpu.memory_space<semaphore_mem>>)
    %dma_wait3A_111 = arith.constant 0 : i32
    %dma_wait3A_112 = arith.constant 0 : i32
    %dma_wait3A_113 = tpu.memref_slice %arg4[%dma_wait3A_111, %dma_wait3A_112] : memref<10000x128xf32, #tpu.memory_space<hbm>> -> memref<10000x128xf32, #tpu.memory_space<hbm>>
    tpu.wait_indirect_dma semaphore(%arg17 : memref<!tpu.dma_semaphore, #tpu.memory_space<semaphore_mem>>) src(%dma_wait3A_113 : memref<10000x128xf32, #tpu.memory_space<hbm>>) dst(%arg12 : memref<16x128xf32, #tpu.memory_space<vmem>>)
    "tpu.region"() ({
      %run_scoped3A = tpu.sem_alloc : memref<!tpu.dma_semaphore, #tpu.memory_space<semaphore_mem>>
      %dma_start3A_115 = arith.constant 0 : i32
      %dma_start3A_116 = arith.constant 0 : i32
      %dma_start3A_117 = tpu.memref_slice %arg13[%dma_start3A_115, %dma_start3A_116] : memref<10240x128xf32, #tpu.memory_space<vmem_shared>> -> memref<10240x128xf32, #tpu.memory_space<vmem_shared>>
      tpu.enqueue_indirect_dma source(%arg12 : memref<16x128xf32, #tpu.memory_space<vmem>>) target(%dma_start3A_117 : memref<10240x128xf32, #tpu.memory_space<vmem_shared>>) offsets(%arg11 : memref<16xi32, #tpu.memory_space<vmem>>) semaphore(%run_scoped3A : memref<!tpu.dma_semaphore, #tpu.memory_space<semaphore_mem>>) {add = true}
      %dma_wait3A_118 = arith.constant 0 : i32
      %dma_wait3A_119 = arith.constant 0 : i32
      %dma_wait3A_120 = tpu.memref_slice %arg13[%dma_wait3A_118, %dma_wait3A_119] : memref<10240x128xf32, #tpu.memory_space<vmem_shared>> -> memref<10240x128xf32, #tpu.memory_space<vmem_shared>>
      tpu.wait_indirect_dma semaphore(%run_scoped3A : memref<!tpu.dma_semaphore, #tpu.memory_space<semaphore_mem>>) src(%arg12 : memref<16x128xf32, #tpu.memory_space<vmem>>) dst(%dma_wait3A_120 : memref<10240x128xf32, #tpu.memory_space<vmem_shared>>)
      tpu.yield
    }) : () -> ()
    %barrier3A_114 = arith.constant 0 : index
    tpu.barrier barrier_id(%barrier3A_114)
    "tpu.region"() ({
      %run_scoped3A = tpu.sem_alloc : memref<!tpu.dma_semaphore, #tpu.memory_space<semaphore_mem>>
      %dma_start3A_115 = arith.constant 0 : i32
      %dma_start3A_116 = tpu.memref_slice %arg6[%arg0, %mul3A_2, %dma_start3A_115] : memref<2x10240x128xf32, #tpu.memory_space<hbm>> -> memref<1x640x128xf32, #tpu.memory_space<hbm>>
      %dma_start3A_117 = tpu.memref_squeeze %dma_start3A_116 : memref<1x640x128xf32, #tpu.memory_space<hbm>> -> memref<640x128xf32, #tpu.memory_space<hbm>>
      %dma_start3A_118 = arith.constant 0 : i32
      %dma_start3A_119 = tpu.memref_slice %arg13[%mul3A_2, %dma_start3A_118] : memref<10240x128xf32, #tpu.memory_space<vmem_shared>> -> memref<640x128xf32, #tpu.memory_space<vmem_shared>>
      tpu.enqueue_dma source(%dma_start3A_119 : memref<640x128xf32, #tpu.memory_space<vmem_shared>>) target(%dma_start3A_117 : memref<640x128xf32, #tpu.memory_space<hbm>>) target_semaphore(%run_scoped3A : memref<!tpu.dma_semaphore, #tpu.memory_space<semaphore_mem>>)
      %dma_wait3A_120 = arith.constant 0 : i32
      %dma_wait3A_121 = tpu.memref_slice %arg6[%arg0, %mul3A_2, %dma_wait3A_120] : memref<2x10240x128xf32, #tpu.memory_space<hbm>> -> memref<1x640x128xf32, #tpu.memory_space<hbm>>
      %dma_wait3A_122 = tpu.memref_squeeze %dma_wait3A_121 : memref<1x640x128xf32, #tpu.memory_space<hbm>> -> memref<640x128xf32, #tpu.memory_space<hbm>>
      %dma_wait3A_123 = arith.constant 0 : i32
      %dma_wait3A_124 = tpu.memref_slice %arg13[%mul3A_2, %dma_wait3A_123] : memref<10240x128xf32, #tpu.memory_space<vmem_shared>> -> memref<640x128xf32, #tpu.memory_space<vmem_shared>>
      tpu.wait_dma2 semaphore(%run_scoped3A : memref<!tpu.dma_semaphore, #tpu.memory_space<semaphore_mem>>) src(%dma_wait3A_124 : memref<640x128xf32, #tpu.memory_space<vmem_shared>>) dst(%dma_wait3A_122 : memref<640x128xf32, #tpu.memory_space<hbm>>)
      tpu.yield
    }) : () -> ()
    return
  }
}

module attributes {stable_mosaic.version = 14 : i64} {
  func.func @_mm1bn_body(%arg0: i32, %arg1: i32, %arg2: memref<2x5000x128xf32, #tpu.memory_space<vmem>>, %arg3: memref<128x128xf32, #tpu.memory_space<vmem>>, %arg4: memref<1x128xf32, #tpu.memory_space<vmem>>, %arg5: memref<1x128xf32, #tpu.memory_space<vmem>>, %arg6: memref<1x128xf32, #tpu.memory_space<vmem>>, %arg7: memref<5000x128xf32, #tpu.memory_space<vmem>>, %arg8: memref<10000x128xf32, #tpu.memory_space<vmem>>, %arg9: memref<2x128xf32, #tpu.memory_space<vmem>>) attributes {dimension_semantics = [#tpu.dimension_semantics<arbitrary>, #tpu.dimension_semantics<arbitrary>], iteration_bounds = array<i64: 2, 2>, scalar_prefetch = 0 : i64, scratch_operands = 2 : i64, tpu.core_type = #tpu.core_type<tc>, window_params = [{transform_indices = @transform_0, window_bounds = array<i64: 2, 5000, 128>}, {pipeline_mode = #tpu.pipeline_mode<synchronous>, transform_indices = @transform_1, window_bounds = array<i64: 128, 128>}, {pipeline_mode = #tpu.pipeline_mode<synchronous>, transform_indices = @transform_2, window_bounds = array<i64: 1, 128>}, {pipeline_mode = #tpu.pipeline_mode<synchronous>, transform_indices = @transform_3, window_bounds = array<i64: 1, 128>}, {pipeline_mode = #tpu.pipeline_mode<synchronous>, transform_indices = @transform_4, window_bounds = array<i64: 1, 128>}, {transform_indices = @transform_5, window_bounds = array<i64: 5000, 128>}]} {
    %eq3A = arith.constant 0 : i32
    %eq3A_0 = arith.cmpi eq, %arg0, %eq3A : i32
    %convert_element_type3A = arith.extui %eq3A_0 : i1 to i32
    %cond3A = arith.constant 0 : i32
    %cond3A_1 = arith.cmpi ne, %convert_element_type3A, %cond3A : i32
    scf.if %cond3A_1 {
      %get3A = arith.constant 0 : index
      %get3A_7 = arith.constant 0 : index
      %get3A_8 = arith.constant 0 : index
      %get3A_9 = vector.load %arg2[%get3A, %get3A_7, %get3A_8] : memref<2x5000x128xf32, #tpu.memory_space<vmem>>, vector<1x5000x128xf32>
      %get3A_10 = vector.shape_cast %get3A_9 : vector<1x5000x128xf32> to vector<5000x128xf32>
      %get3A_11 = arith.constant 1 : index
      %get3A_12 = arith.constant 0 : index
      %get3A_13 = arith.constant 0 : index
      %get3A_14 = vector.load %arg2[%get3A_11, %get3A_12, %get3A_13] : memref<2x5000x128xf32, #tpu.memory_space<vmem>>, vector<1x5000x128xf32>
      %get3A_15 = vector.shape_cast %get3A_14 : vector<1x5000x128xf32> to vector<5000x128xf32>
      %add3A = arith.addf %get3A_10, %get3A_15 : vector<5000x128xf32>
      %get3A_16 = arith.constant 0 : index
      %get3A_17 = arith.constant 0 : index
      %get3A_18 = vector.load %arg3[%get3A_16, %get3A_17] : memref<128x128xf32, #tpu.memory_space<vmem>>, vector<128x128xf32>
      %dot_general3A = arith.constant dense<0.000000e+00> : vector<5000x128xf32>
      %dot_general3A_19 = tpu.matmul %add3A, %get3A_18, %dot_general3A {dimension_numbers = #tpu.dot_dimension_numbers<[1], [0], [0], [1], [0, 0, 1, 1], [], []>, transpose_lhs_hint = false} : vector<5000x128xf32>, vector<128x128xf32>, vector<5000x128xf32> -> vector<5000x128xf32>
      %get3A_20 = arith.constant 0 : index
      %get3A_21 = arith.constant 0 : index
      %get3A_22 = vector.load %arg4[%get3A_20, %get3A_21] : memref<1x128xf32, #tpu.memory_space<vmem>>, vector<1x128xf32>
      %add3A_23 = vector.broadcast %get3A_22 : vector<1x128xf32> to vector<5000x128xf32>
      %add3A_24 = arith.addf %dot_general3A_19, %add3A_23 : vector<5000x128xf32>
      %mul3A = arith.constant 5000 : i32
      %mul3A_25 = arith.muli %arg1, %mul3A : i32
      %swap3A = arith.index_cast %mul3A_25 : i32 to index
      %swap3A_26 = arith.constant 0 : index
      %swap3A_27 = vector.load %arg8[%swap3A, %swap3A_26] : memref<10000x128xf32, #tpu.memory_space<vmem>>, vector<5000x128xf32>
      tpu.vector_store %arg8[%swap3A, %swap3A_26], %add3A_24 {strides = array<i32>} : memref<10000x128xf32, #tpu.memory_space<vmem>>, vector<5000x128xf32>,
      %eq3A_28 = arith.constant 0 : i32
      %eq3A_29 = arith.cmpi eq, %arg1, %eq3A_28 : i32
      %convert_element_type3A_30 = arith.extui %eq3A_29 : i1 to i32
      %cond3A_31 = arith.constant 0 : i32
      %cond3A_32 = arith.cmpi ne, %convert_element_type3A_30, %cond3A_31 : i32
      scf.if %cond3A_32 {
        %broadcast_in_dim3A_52 = arith.constant 0.000000e+00 : f32
        %broadcast_in_dim3A_53 = vector.broadcast %broadcast_in_dim3A_52 : f32 to vector<2x128xf32>
        %swap3A_54 = arith.constant 0 : index
        %swap3A_55 = arith.constant 0 : index
        %swap3A_56 = vector.load %arg9[%swap3A_54, %swap3A_55] : memref<2x128xf32, #tpu.memory_space<vmem>>, vector<2x128xf32>
        tpu.vector_store %arg9[%swap3A_54, %swap3A_55], %broadcast_in_dim3A_53 {strides = array<i32>} : memref<2x128xf32, #tpu.memory_space<vmem>>, vector<2x128xf32>,
      } else {
      }
      %get3A_33 = arith.constant 0 : index
      %get3A_34 = arith.constant 0 : index
      %get3A_35 = vector.load %arg9[%get3A_33, %get3A_34] : memref<2x128xf32, #tpu.memory_space<vmem>>, vector<1x128xf32>
      %reduce_sum3A = arith.constant dense<0.000000e+00> : vector<128xf32>
      %reduce_sum3A_36 = vector.multi_reduction <add>, %add3A_24, %reduce_sum3A [0] : vector<5000x128xf32> to vector<128xf32>
      %broadcast_in_dim3A = vector.shape_cast %reduce_sum3A_36 : vector<128xf32> to vector<1x128xf32>
      %add3A_37 = arith.addf %get3A_35, %broadcast_in_dim3A : vector<1x128xf32>
      %swap3A_38 = arith.constant 0 : index
      %swap3A_39 = arith.constant 0 : index
      %swap3A_40 = vector.load %arg9[%swap3A_38, %swap3A_39] : memref<2x128xf32, #tpu.memory_space<vmem>>, vector<1x128xf32>
      tpu.vector_store %arg9[%swap3A_38, %swap3A_39], %add3A_37 {strides = array<i32>} : memref<2x128xf32, #tpu.memory_space<vmem>>, vector<1x128xf32>,
      %get3A_41 = arith.constant 1 : index
      %get3A_42 = arith.constant 0 : index
      %get3A_43 = vector.load %arg9[%get3A_41, %get3A_42] : memref<2x128xf32, #tpu.memory_space<vmem>>, vector<1x128xf32>
      %mul3A_44 = arith.mulf %add3A_24, %add3A_24 : vector<5000x128xf32>
      %reduce_sum3A_45 = arith.constant dense<0.000000e+00> : vector<128xf32>
      %reduce_sum3A_46 = vector.multi_reduction <add>, %mul3A_44, %reduce_sum3A_45 [0] : vector<5000x128xf32> to vector<128xf32>
      %broadcast_in_dim3A_47 = vector.shape_cast %reduce_sum3A_46 : vector<128xf32> to vector<1x128xf32>
      %add3A_48 = arith.addf %get3A_43, %broadcast_in_dim3A_47 : vector<1x128xf32>
      %swap3A_49 = arith.constant 1 : index
      %swap3A_50 = arith.constant 0 : index
      %swap3A_51 = vector.load %arg9[%swap3A_49, %swap3A_50] : memref<2x128xf32, #tpu.memory_space<vmem>>, vector<1x128xf32>
      tpu.vector_store %arg9[%swap3A_49, %swap3A_50], %add3A_48 {strides = array<i32>} : memref<2x128xf32, #tpu.memory_space<vmem>>, vector<1x128xf32>,
    } else {
    }
    %eq3A_2 = arith.constant 1 : i32
    %eq3A_3 = arith.cmpi eq, %arg0, %eq3A_2 : i32
    %convert_element_type3A_4 = arith.extui %eq3A_3 : i1 to i32
    %cond3A_5 = arith.constant 0 : i32
    %cond3A_6 = arith.cmpi ne, %convert_element_type3A_4, %cond3A_5 : i32
    scf.if %cond3A_6 {
      %get3A = arith.constant 0 : index
      %get3A_7 = arith.constant 0 : index
      %get3A_8 = vector.load %arg9[%get3A, %get3A_7] : memref<2x128xf32, #tpu.memory_space<vmem>>, vector<1x128xf32>
      %div3A = arith.constant 1.000000e+04 : f32
      %div3A_9 = vector.broadcast %div3A : f32 to vector<1x128xf32>
      %div3A_10 = arith.divf %get3A_8, %div3A_9 : vector<1x128xf32>
      %get3A_11 = arith.constant 1 : index
      %get3A_12 = arith.constant 0 : index
      %get3A_13 = vector.load %arg9[%get3A_11, %get3A_12] : memref<2x128xf32, #tpu.memory_space<vmem>>, vector<1x128xf32>
      %div3A_14 = arith.constant 1.000000e+04 : f32
      %div3A_15 = vector.broadcast %div3A_14 : f32 to vector<1x128xf32>
      %div3A_16 = arith.divf %get3A_13, %div3A_15 : vector<1x128xf32>
      %mul3A = arith.mulf %div3A_10, %div3A_10 : vector<1x128xf32>
      %sub3A = arith.subf %div3A_16, %mul3A : vector<1x128xf32>
      %add3A = arith.constant 9.99999974E-6 : f32
      %add3A_17 = vector.broadcast %add3A : f32 to vector<1x128xf32>
      %add3A_18 = arith.addf %sub3A, %add3A_17 : vector<1x128xf32>
      %rsqrt3A = math.rsqrt %add3A_18 : vector<1x128xf32>
      %mul3A_19 = arith.constant 5000 : i32
      %mul3A_20 = arith.muli %arg1, %mul3A_19 : i32
      %get3A_21 = arith.index_cast %mul3A_20 : i32 to index
      %get3A_22 = arith.constant 0 : index
      %get3A_23 = vector.load %arg8[%get3A_21, %get3A_22] : memref<10000x128xf32, #tpu.memory_space<vmem>>, vector<5000x128xf32>
      %sub3A_24 = vector.broadcast %div3A_10 : vector<1x128xf32> to vector<5000x128xf32>
      %sub3A_25 = arith.subf %get3A_23, %sub3A_24 : vector<5000x128xf32>
      %get3A_26 = arith.constant 0 : index
      %get3A_27 = arith.constant 0 : index
      %get3A_28 = vector.load %arg5[%get3A_26, %get3A_27] : memref<1x128xf32, #tpu.memory_space<vmem>>, vector<1x128xf32>
      %mul3A_29 = arith.mulf %rsqrt3A, %get3A_28 : vector<1x128xf32>
      %mul3A_30 = vector.broadcast %mul3A_29 : vector<1x128xf32> to vector<5000x128xf32>
      %mul3A_31 = arith.mulf %sub3A_25, %mul3A_30 : vector<5000x128xf32>
      %get3A_32 = arith.constant 0 : index
      %get3A_33 = arith.constant 0 : index
      %get3A_34 = vector.load %arg6[%get3A_32, %get3A_33] : memref<1x128xf32, #tpu.memory_space<vmem>>, vector<1x128xf32>
      %add3A_35 = vector.broadcast %get3A_34 : vector<1x128xf32> to vector<5000x128xf32>
      %add3A_36 = arith.addf %mul3A_31, %add3A_35 : vector<5000x128xf32>
      %max3A = arith.constant 0.000000e+00 : f32
      %max3A_37 = vector.broadcast %max3A : f32 to vector<5000x128xf32>
      %max3A_38 = arith.maximumf %add3A_36, %max3A_37 : vector<5000x128xf32>
      %swap3A = arith.constant 0 : index
      %swap3A_39 = arith.constant 0 : index
      %swap3A_40 = vector.load %arg7[%swap3A, %swap3A_39] : memref<5000x128xf32, #tpu.memory_space<vmem>>, vector<5000x128xf32>
      tpu.vector_store %arg7[%swap3A, %swap3A_39], %max3A_38 {strides = array<i32>} : memref<5000x128xf32, #tpu.memory_space<vmem>>, vector<5000x128xf32>,
    } else {
    }
    return
  }
  func.func @transform_0(%arg0: i32, %arg1: i32) -> (i32, i32, i32) {
    %sub3A = arith.constant 1 : i32
    %sub3A_0 = arith.subi %sub3A, %arg0 : i32
    %mul3A = arith.muli %arg1, %sub3A_0 : i32
    %c0_i32 = arith.constant 0 : i32
    %c0_i32_1 = arith.constant 0 : i32
    %c0_i32_2 = arith.constant 0 : i32
    return %c0_i32, %mul3A, %c0_i32_1 : i32, i32, i32
  }
  func.func @transform_1(%arg0: i32, %arg1: i32) -> (i32, i32) {
    %c0_i32 = arith.constant 0 : i32
    %c0_i32_0 = arith.constant 0 : i32
    %c0_i32_1 = arith.constant 0 : i32
    return %c0_i32, %c0_i32_0 : i32, i32
  }
  func.func @transform_2(%arg0: i32, %arg1: i32) -> (i32, i32) {
    %c0_i32 = arith.constant 0 : i32
    %c0_i32_0 = arith.constant 0 : i32
    %c0_i32_1 = arith.constant 0 : i32
    return %c0_i32, %c0_i32_0 : i32, i32
  }
  func.func @transform_3(%arg0: i32, %arg1: i32) -> (i32, i32) {
    %c0_i32 = arith.constant 0 : i32
    %c0_i32_0 = arith.constant 0 : i32
    %c0_i32_1 = arith.constant 0 : i32
    return %c0_i32, %c0_i32_0 : i32, i32
  }
  func.func @transform_4(%arg0: i32, %arg1: i32) -> (i32, i32) {
    %c0_i32 = arith.constant 0 : i32
    %c0_i32_0 = arith.constant 0 : i32
    %c0_i32_1 = arith.constant 0 : i32
    return %c0_i32, %c0_i32_0 : i32, i32
  }
  func.func @transform_5(%arg0: i32, %arg1: i32) -> (i32, i32) {
    %c0_i32 = arith.constant 0 : i32
    %c0_i32_0 = arith.constant 0 : i32
    return %arg1, %c0_i32 : i32, i32
  }
}

module attributes {stable_mosaic.version = 14 : i64} {
  func.func @_final_body(%arg0: i32, %arg1: memref<2x5000x128xf32, #tpu.memory_space<vmem>>, %arg2: memref<5000x128xf32, #tpu.memory_space<vmem>>, %arg3: memref<128x128xf32, #tpu.memory_space<vmem>>, %arg4: memref<1x128xf32, #tpu.memory_space<vmem>>, %arg5: memref<128x128xf32, #tpu.memory_space<vmem>>, %arg6: memref<1x128xf32, #tpu.memory_space<vmem>>, %arg7: memref<5000x128xf32, #tpu.memory_space<vmem>>) attributes {dimension_semantics = [#tpu.dimension_semantics<arbitrary>], iteration_bounds = array<i64: 2>, scalar_prefetch = 0 : i64, scratch_operands = 0 : i64, tpu.core_type = #tpu.core_type<tc>, window_params = [{transform_indices = @transform_0, window_bounds = array<i64: 2, 5000, 128>}, {transform_indices = @transform_1, window_bounds = array<i64: 5000, 128>}, {pipeline_mode = #tpu.pipeline_mode<synchronous>, transform_indices = @transform_2, window_bounds = array<i64: 128, 128>}, {pipeline_mode = #tpu.pipeline_mode<synchronous>, transform_indices = @transform_3, window_bounds = array<i64: 1, 128>}, {pipeline_mode = #tpu.pipeline_mode<synchronous>, transform_indices = @transform_4, window_bounds = array<i64: 128, 128>}, {pipeline_mode = #tpu.pipeline_mode<synchronous>, transform_indices = @transform_5, window_bounds = array<i64: 1, 128>}, {transform_indices = @transform_6, window_bounds = array<i64: 5000, 128>}]} {
    %get3A = arith.constant 0 : index
    %get3A_0 = arith.constant 0 : index
    %get3A_1 = arith.constant 0 : index
    %get3A_2 = vector.load %arg1[%get3A, %get3A_0, %get3A_1] : memref<2x5000x128xf32, #tpu.memory_space<vmem>>, vector<1x5000x128xf32>
    %get3A_3 = vector.shape_cast %get3A_2 : vector<1x5000x128xf32> to vector<5000x128xf32>
    %get3A_4 = arith.constant 1 : index
    %get3A_5 = arith.constant 0 : index
    %get3A_6 = arith.constant 0 : index
    %get3A_7 = vector.load %arg1[%get3A_4, %get3A_5, %get3A_6] : memref<2x5000x128xf32, #tpu.memory_space<vmem>>, vector<1x5000x128xf32>
    %get3A_8 = vector.shape_cast %get3A_7 : vector<1x5000x128xf32> to vector<5000x128xf32>
    %add3A = arith.addf %get3A_3, %get3A_8 : vector<5000x128xf32>
    %get3A_9 = arith.constant 0 : index
    %get3A_10 = arith.constant 0 : index
    %get3A_11 = vector.load %arg3[%get3A_9, %get3A_10] : memref<128x128xf32, #tpu.memory_space<vmem>>, vector<128x128xf32>
    %dot_general3A = arith.constant dense<0.000000e+00> : vector<5000x128xf32>
    %dot_general3A_12 = tpu.matmul %add3A, %get3A_11, %dot_general3A {dimension_numbers = #tpu.dot_dimension_numbers<[1], [0], [0], [1], [0, 0, 1, 1], [], []>, transpose_lhs_hint = false} : vector<5000x128xf32>, vector<128x128xf32>, vector<5000x128xf32> -> vector<5000x128xf32>
    %get3A_13 = arith.constant 0 : index
    %get3A_14 = arith.constant 0 : index
    %get3A_15 = vector.load %arg4[%get3A_13, %get3A_14] : memref<1x128xf32, #tpu.memory_space<vmem>>, vector<1x128xf32>
    %add3A_16 = vector.broadcast %get3A_15 : vector<1x128xf32> to vector<5000x128xf32>
    %add3A_17 = arith.addf %dot_general3A_12, %add3A_16 : vector<5000x128xf32>
    %get3A_18 = arith.constant 0 : index
    %get3A_19 = arith.constant 0 : index
    %get3A_20 = vector.load %arg2[%get3A_18, %get3A_19] : memref<5000x128xf32, #tpu.memory_space<vmem>>, vector<5000x128xf32>
    %max3A = arith.maximumf %get3A_20, %add3A_17 : vector<5000x128xf32>
    %get3A_21 = arith.constant 0 : index
    %get3A_22 = arith.constant 0 : index
    %get3A_23 = vector.load %arg5[%get3A_21, %get3A_22] : memref<128x128xf32, #tpu.memory_space<vmem>>, vector<128x128xf32>
    %dot_general3A_24 = arith.constant dense<0.000000e+00> : vector<5000x128xf32>
    %dot_general3A_25 = tpu.matmul %max3A, %get3A_23, %dot_general3A_24 {dimension_numbers = #tpu.dot_dimension_numbers<[1], [0], [0], [1], [0, 0, 1, 1], [], []>, transpose_lhs_hint = false} : vector<5000x128xf32>, vector<128x128xf32>, vector<5000x128xf32> -> vector<5000x128xf32>
    %get3A_26 = arith.constant 0 : index
    %get3A_27 = arith.constant 0 : index
    %get3A_28 = vector.load %arg6[%get3A_26, %get3A_27] : memref<1x128xf32, #tpu.memory_space<vmem>>, vector<1x128xf32>
    %add3A_29 = vector.broadcast %get3A_28 : vector<1x128xf32> to vector<5000x128xf32>
    %add3A_30 = arith.addf %dot_general3A_25, %add3A_29 : vector<5000x128xf32>
    %swap3A = arith.constant 0 : index
    %swap3A_31 = arith.constant 0 : index
    %swap3A_32 = vector.load %arg7[%swap3A, %swap3A_31] : memref<5000x128xf32, #tpu.memory_space<vmem>>, vector<5000x128xf32>
    tpu.vector_store %arg7[%swap3A, %swap3A_31], %add3A_30 {strides = array<i32>} : memref<5000x128xf32, #tpu.memory_space<vmem>>, vector<5000x128xf32>,
    return
  }
  func.func @transform_0(%arg0: i32) -> (i32, i32, i32) {
    %c0_i32 = arith.constant 0 : i32
    %c0_i32_0 = arith.constant 0 : i32
    %c0_i32_1 = arith.constant 0 : i32
    return %c0_i32, %arg0, %c0_i32_0 : i32, i32, i32
  }
  func.func @transform_1(%arg0: i32) -> (i32, i32) {
    %c0_i32 = arith.constant 0 : i32
    %c0_i32_0 = arith.constant 0 : i32
    return %arg0, %c0_i32 : i32, i32
  }
  func.func @transform_2(%arg0: i32) -> (i32, i32) {
    %c0_i32 = arith.constant 0 : i32
    %c0_i32_0 = arith.constant 0 : i32
    %c0_i32_1 = arith.constant 0 : i32
    return %c0_i32, %c0_i32_0 : i32, i32
  }
  func.func @transform_3(%arg0: i32) -> (i32, i32) {
    %c0_i32 = arith.constant 0 : i32
    %c0_i32_0 = arith.constant 0 : i32
    %c0_i32_1 = arith.constant 0 : i32
    return %c0_i32, %c0_i32_0 : i32, i32
  }
  func.func @transform_4(%arg0: i32) -> (i32, i32) {
    %c0_i32 = arith.constant 0 : i32
    %c0_i32_0 = arith.constant 0 : i32
    %c0_i32_1 = arith.constant 0 : i32
    return %c0_i32, %c0_i32_0 : i32, i32
  }
  func.func @transform_5(%arg0: i32) -> (i32, i32) {
    %c0_i32 = arith.constant 0 : i32
    %c0_i32_0 = arith.constant 0 : i32
    %c0_i32_1 = arith.constant 0 : i32
    return %c0_i32, %c0_i32_0 : i32, i32
  }
  func.func @transform_6(%arg0: i32) -> (i32, i32) {
    %c0_i32 = arith.constant 0 : i32
    %c0_i32_0 = arith.constant 0 : i32
    return %arg0, %c0_i32 : i32, i32
  }
}

</mosaic_0001>

<sc_bundles>
// kernel: kernel.6.cloned.1.call-start
scs
__scs_entry_jumppad:
0x0: {  	(pc) =	sbr.rel $0x88, $3  }
0x1: {  	(tag) =	ssettag $0x0;
	lr =	simm.s32 $0x1  }
0x2: {  	[smem:$0x3F97] =	sst lr;
	_ =	strace $0xD0000000  }
0x3: {  	_ = 	snop  }
0x4: {  	_ = 	snop  }
0x5: {  	_ = 	snop  }
0x6: {  	_ = 	snop  }
0x7: {  	_ = 	snop  }
__scs_overlays_trampoline_lowered:
0x8: {  	[smem:$0x3FA6] =	sst s0  }
0x9: {  	[smem:$0x3FA7] =	sst s1  }
0xa: {  	[smem:$0x3FA8] =	sst s2  }
0xb: {  	[smem:$0x3FA9] =	sst s3  }
0xc: {  	[smem:$0x3FAA] =	sst s4  }
0xd: {  	[smem:$0x3FAB] =	sst s5  }
0xe: {  	[smem:$0x3FAC] =	sst s6  }
0xf: {  	[smem:$0x3FAD] =	sst s7  }
0x10: {  	[smem:$0x3FAE] =	sst s8  }
0x11: {  	[smem:$0x3FAF] =	sst s9;
	s0 =	simm.s32 @!p0 $0x0  }
0x12: {  	s1 =	sld [smem:$0x3F95];
	s0 =	simm.s32 @p0 $0x1  }
0x13: {  	[smem:$0x3FB0] =	sst s0;
	s0 =	simm.s32 @!p1 $0x0  }
0x14: {  	s2 =	sld [smem:$0x3F94];
	s0 =	simm.s32 @p1 $0x1  }
0x15: {  	[smem:$0x3FB1] =	sst s0;
	s0 =	simm.s32 @!p2 $0x0  }
0x16: {  	s3 =	sld [smem:$0x3FDB];
	s0 =	simm.s32 @p2 $0x1  }
0x17: {  	s4 =	simm.s32 $0x1BF5;
	[smem:$0x3FB3] =	sst s0  }
0x18: {  	s0 =	sld [smem:$0x3F96];
	_ =	swait.ge [sflag:s4], $0x0  }
0x19: {  	s7 =	sld [smem:$0x3F97]  }
0x1a: {  	s8 =	sadd.s32 $0xFFFFE003, lr  }
0x1b: {  	s9 =	sadd.s32 $0xFFFFFEF7, lr;
	s5 =	simm.s32 $0xFFFFFFFF;
	p2 =	slt.u32 s8, $0xFFFFF086  }
0x1c: {  	p1 =	slt.u32 s9, $0xF7A;
	s5 =	simm.s32 @!p2 $0x0  }
0x1d: {  	s5 =	simm.s32 @p1 $0x1;
	p0 =	seq.s32 s7, s2  }
0x1e: {  	s7 =	smul.u32 @!p0 $0xF7A, s2;
	p2 =	seq.s32 @!p0 s5, $0x0  }
0x1f: {  	s9 =	smul.u32 $0xF7A, s1;
	s8 =	simm.s32 @!p0 $0x1BF5;
	p2 =	por !p2, p0  }
0x20: {  	[sflag:s8] =	ssyncset.s32 @!p0 $0xFFFFF086;
	s6 =	sadd.s32 @!p0 s3, s7;
	s7 =	simm.s32 @!p0 $0x108  }
0x21: {  	s3 =	sadd.s32 s3, s9;
	s6 =	sadd.s32 @!p0 $0x88, s6;
	s7 =	simm.s32 @p2 $0x1082  }
0x22: {  	[simem:s7], [sflag:s8] =	dma.local @!p0 [hbm:s6], $0xF7A  }
0x23: {  	s9 =	sor.u32 $0xD0000000, s2;
	s6 =	simm.s32 $0x108;
	_ =	swait.ge @!p0 [sflag:s8], $0x0  }
0x24: {  	s3 =	sadd.s32 $0x88, s3;
	s6 =	simm.s32 @!p1 $0x1082;
	[sflag:s4] =	ssyncset.s32 $0xFFFFF086  }
0x25: {  	[simem:s6], [sflag:s4] =	dma.local [hbm:s3], $0xF7A  }
0x26: {  	[smem:$0x3F97] =	sst s1;
	(tag) =	ssettag s2;
	_ =	strace s9  }
0x27: {  	s1 =	sld [smem:$0x3FA7]  }
0x28: {  	s2 =	sld [smem:$0x3FA8]  }
0x29: {  	s4 =	sld [smem:$0x3FAA]  }
0x2a: {  	p0 =	seq.s32 s5, $0x0;
	s5 =	sld [smem:$0x3FAB]  }
0x2b: {  	s6 =	sld [smem:$0x3FAC]  }
0x2c: {  	s7 =	sld [smem:$0x3FAD]  }
0x2d: {  	s3 =	simm.s32 $0x108;
	s8 =	sld [smem:$0x3FAE]  }
0x2e: {  	s3 =	simm.s32 @!p0 $0x1082;
	s9 =	sld [smem:$0x3FAF]  }
0x2f: {  	lr =	sadd.s32 s0, s3;
	s0 =	sld [smem:$0x3FA6]  }
0x30: {  	s3 =	sld [smem:$0x3FA9]  }
0x31: {  	[smem:$0x3FB2] =	sst s10  }
0x32: {  	s10 =	sld [smem:$0x3FB0];
	_ =	sdelay $0x3  }
0x33: {  	p0 =	seq.s32 s10, $0x1;
	s10 =	sld [smem:$0x3FB2];
	_ =	sdelay $0x3  }
0x34: {  	[smem:$0x3FB2] =	sst s10  }
0x35: {  	s10 =	sld [smem:$0x3FB1];
	_ =	sdelay $0x3  }
0x36: {  	p1 =	seq.s32 s10, $0x1;
	s10 =	sld [smem:$0x3FB2];
	_ =	sdelay $0x3  }
0x37: {  	[smem:$0x3FB2] =	sst s10  }
0x38: {  	s10 =	sld [smem:$0x3FB3]  }
0x39: {  	_ = 	snop;
	(pc) =	sbr.ind lr, $3  }
0x3a: {  	_ = 	snop  }
0x3b: {  	_ = 	snop  }
0x3c: {  	p2 =	seq.s32 s10, $0x1;
	s10 =	sld [smem:$0x3FB2]  }
0x3d: {  	_ =	shalt  }
0x3e: {  	_ =	shalt  }
0x3f: {  	_ =	shalt  }
0x40: {  	_ =	shalt  }
0x41: {  	_ =	shalt  }
0x42: {  	_ =	shalt  }
0x43: {  	_ =	shalt  }
0x44: {  	_ =	shalt  }
0x45: {  	_ =	shalt  }
0x46: {  	_ =	shalt  }
0x47: {  	_ =	shalt  }
0x48: {  	_ =	shalt  }
0x49: {  	_ =	shalt  }
0x4a: {  	_ =	shalt  }
0x4b: {  	_ =	shalt  }
0x4c: {  	_ =	shalt  }
0x4d: {  	_ =	shalt  }
0x4e: {  	_ =	shalt  }
0x4f: {  	_ =	shalt  }
0x50: {  	_ =	shalt  }
0x51: {  	_ =	shalt  }
0x52: {  	_ =	shalt  }
0x53: {  	_ =	shalt  }
0x54: {  	_ =	shalt  }
0x55: {  	_ =	shalt  }
0x56: {  	_ =	shalt  }
0x57: {  	_ =	shalt  }
0x58: {  	_ =	shalt  }
0x59: {  	_ =	shalt  }
0x5a: {  	_ =	shalt  }
0x5b: {  	_ =	shalt  }
0x5c: {  	_ =	shalt  }
0x5d: {  	_ =	shalt  }
0x5e: {  	_ =	shalt  }
0x5f: {  	_ =	shalt  }
0x60: {  	_ =	shalt  }
0x61: {  	_ =	shalt  }
0x62: {  	_ =	shalt  }
0x63: {  	_ =	shalt  }
0x64: {  	_ =	shalt  }
0x65: {  	_ =	shalt  }
0x66: {  	_ =	shalt  }
0x67: {  	_ =	shalt  }
0x68: {  	_ =	shalt  }
0x69: {  	_ =	shalt  }
0x6a: {  	_ =	shalt  }
0x6b: {  	_ =	shalt  }
0x6c: {  	_ =	shalt  }
0x6d: {  	_ =	shalt  }
0x6e: {  	_ =	shalt  }
0x6f: {  	_ =	shalt  }
0x70: {  	_ =	shalt  }
0x71: {  	_ =	shalt  }
0x72: {  	_ =	shalt  }
0x73: {  	_ =	shalt  }
0x74: {  	_ =	shalt  }
0x75: {  	_ =	shalt  }
0x76: {  	_ =	shalt  }
0x77: {  	_ =	shalt  }
0x78: {  	_ =	shalt  }
0x79: {  	_ =	shalt  }
0x7a: {  	_ =	shalt  }
0x7b: {  	_ =	shalt  }
0x7c: {  	_ =	shalt  }
0x7d: {  	_ =	shalt  }
0x7e: {  	_ =	shalt  }
0x7f: {  	_ =	shalt  }
0x80: {  	_ =	shalt  }
0x81: {  	_ =	shalt  }
0x82: {  	_ =	shalt  }
0x83: {  	_ =	shalt  }
0x84: {  	_ =	shalt  }
0x85: {  	_ =	shalt  }
0x86: {  	_ =	shalt  }
0x87: {  	_ =	shalt  }
.Lfunc_end0:
.L_simem_size_0:
called_computation_lowered:
.L_overlay_start_0:
0x88: {  	s2 =	sld [smem:$0x3FD9]  }
0x89: {  	s3 =	sld [smem:$0x3FFE];
	_ =	sdelay $0x1  }
0x8a: {  	s1 =	srdreg.scid  }
0x8b: {  	s0 =	sand.u32 $0x1, s1  }
0x8c: {  	s17 =	sshll.u32 s0, $0xA;
	s2 =	sadd.s32 s3, s2  }
0x8d: {  	s2 =	sadd.s32 s2, s17  }
0x8e: {  	[smem:$0x3FBE] =	sst s2  }
0x8f: {  	_ = 	snop  }
0x90: {  	s2 =	sld [smem:$0x3FC9];
	(tm) =	ssettm $0x1  }
0x91: {  	s18 =	sld [smem:$0x3FFB];
	_ =	sdelay $0x3  }
0x92: {  	_ =	strace s18  }
0x93: {  	s3 =	sld [smem:$0x3FFC];
	_ =	sdelay $0x3  }
0x94: {  	_ =	strace s3  }
0x95: {  	s3 =	sld [smem:$0x3FFD];
	_ =	sdelay $0x3  }
0x96: {  	_ =	strace s3  }
0x97: {  	_ =	strace $0x8FFFFFFF  }
0x98: {  	s19 =	sld [smem:$0x3FDB];
	_ =	sdelay $0x1  }
0x99: {  	s4 =	simm.s32 $_scs_section_size  }
0x9a: {  	s5 =	simm.s32 $_size__tile_overlayer_lowered;
	s6 =	simm.s32 $_tile_overlayer_lowered  }
0x9b: {  	s22 =	simm.s32 $0x1BFF;
	s21 =	sshll.u32 s6, $0x1;
	s3 =	sadd.s32 s4, s19  }
0x9c: {  	s7 =	simm.s32 $0x0;
	s20 =	sshll.u32 s5, $0x1;
	s5 =	sadd.s32 s21, s3  }
0x9d: {  	[timem:s7], [sflag:s22] =	dma.local [hbm:s5], s20  }
0x9e: {  	_ =	swait.ge [sflag:s22], s20  }
0x9f: {  	s4 =	ssub.s32 $0x0, s20;
	[sflag:s22] =	ssyncset.done $0x0  }
0xa0: {  	[sflag:s22] =	ssyncadd.s32 s4;
	_ =	sdelay $0x1  }
0xa1: {  	s23 =	simm.s32 $0x1B8B  }
0xa2: {  	_ =	swait.ge [sflag:s23], $0x1  }
0xa3: {  	[sflag:s23] =	ssyncset.done $0x0  }
0xa4: {  	s25 =	simm.s32 $0x1B8E;
	s24 =	sld [smem:$0x3FFE];
	[sflag:s23] =	ssyncadd.s32 $0xFFFFFFFF  }
0xa5: {  	s26 =	simm.s32 $execute0_lowered;
	[smem:$0x3FD2] =	sst s25  }
0xa6: {  	s5 =	sshll.u32 s26, $0x1;
	_ =	strace $0x80000046;
	[dreg:$0x1] =	wrdreg $0xFFFFFFFF  }
0xa7: {  	s28 =	simm.s32 $_size_execute0_lowered;
	s3 =	sadd.s32 s3, s5;
	[dreg:$0x0] =	wrdreg $0x0  }
0xa8: {  	s5 =	sshll.u32 s28, $0x1;
	[dreg:$0x2] =	wrdreg s3  }
0xa9: {  	[dreg:$0x3] =	wrdreg s5  }
0xaa: {  	[dreg:$0x4] =	wrdreg $0xC0  }
0xab: {  	_ =	task [dreg:s7], $0x5FFFF  }
0xac: {  	[dreg:$0x1] =	wrdreg $0xFFFFFFFF  }
0xad: {  	[dreg:$0x0] =	wrdreg $0x60  }
0xae: {  	[dreg:$0x2] =	wrdreg s24  }
0xaf: {  	[dreg:$0x3] =	wrdreg s2  }
0xb0: {  	[dreg:$0x4] =	wrdreg $0x8D000  }
0xb1: {  	[dreg:$0x5] =	wrdreg $0x9  }
0xb2: {  	_ =	task.clear_ibuf [dreg:s7], $0x6FFFF;
	_ =	strace $0x90000046  }
0xb3: {  	s29 =	simm.s32 $0x9;
	_ =	strace $0x80000048  }
0xb4: {  	_ =	swait.ge [sflag:s29], $0x1  }
0xb5: {  	[sflag:s29] =	ssyncadd.s32 $0xFFFFFFFF  }
0xb6: {  	_ =	strace $0x90000048  }
0xb7: {  	_ =	sfence  }
0xb8: {  	s30 =	sld [smem:$0x0];
	_ =	sdelay $0x2  }
0xb9: {  	s31 =	sshll.u32 s1, $0xD;
	s1 =	sshrl.u32 s1, $0x2  }
0xba: {  	s3 =	sand.u32 $0x4000, s31;
	s1 =	sadd.s32 s1, s30  }
0xbb: {  	s0 =	sor.u32 s3, s0;
	s1 =	sshll.u32 s1, $0x11  }
0xbc: {  	s0 =	sor.u32 s1, s0  }
0xbd: {  	s0 =	sadd.s32 $0x8F2B, s0  }
0xbe: {  	[sflag:s0] =	ssyncadd.remote.s32 $0x1  }
0xbf: {  	_ =	sfence.sel $0xFFFF  }
0xc0: {  	[dreg:$0x0] =	wrdreg $0xFFFFFFFF;
	(pc) =	sbr.abs _section_cstart, $3  }
0xc1: {  	[dreg:$0x1] =	wrdreg $0xFFFFFFFF  }
0xc2: {  	_ =	task.clear_ibuf [dreg:s7], $0x2FFFF;
	_ =	strace $0x9FFFFFFF  }
0xc3: {  	(tm) =	ssettm $0x7FFFFFFF  }
tec
execute0_lowered:
.L_overlay_start_1:
0x0: {  	(tag) =	ssettag $0x1  }
0x1: {  	s0 =	rddreg [dreg:$0x0]  }
0x2: {  	s2 =	rddreg [dreg:$0x1]  }
0x3: {  	s3 =	rddreg [dreg:$0x2]  }
0x4: {  	s4 =	simm.s32 $0x0;
	s5 =	stileid.u32;
	s1 =	srdreg.scid  }
0x5: {  	s31 =	simm.s32 $0x200;
	s30 =	simm.s32 $0x7;
	s7 =	smul.u32 $0x14000, s5  }
0x6: {  	[smem:$0x7FF] =	sst s4;
	s1 =	sand.u32 $0x1, s1;
	s11 =	smul.u32 $0x50000, s5  }
0x7: {  	s6 =	sadd.s32 $0xB600, s0;
	s13 =	sadd.s32 $0x1800, s0;
	s20 =	smul.u32 $0x4E20, s5  }
0x8: {  	s17 =	sshll.u32 s5, $0x1;
	s8 =	smul.u32 $0x140000, s1;
	s10 =	ssub.s32 $0x2, s1  }
0x9: {  	_ =	strace $0x80000047;
	s9 =	sshrl.u32 s7, $0x3;
	s12 =	sshrl.u32 s10, $0x1  }
0xa: {  	s19 =	sshrl.u32 s11, $0x2;
	s9 =	sadd.s32 s9, s0;
	s7 =	sadd.s32 s7, s8  }
0xb: {  	s8 =	sor.u32 s1, s17;
	s18 =	ssub.s32 s10, s12;
	s10 =	sadd.s32 s19, s3  }
0xc: {  	s1 =	smul.u32 $0x2710, s1;
	s19 =	sshll.u32 s5, $0x6;
	[dreg:$0x4] =	wrdreg s10  }
0xd: {  	s7 =	sshrl.u32 s7, $0x3;
	s9 =	sadd.s32 $0x15400, s9;
	[dreg:$0x12] =	wrdreg s19  }
0xe: {  	s8 =	smul.u32 $0x2710, s8;
	s0 =	sadd.s32 s7, s0;
	[dreg:$0x5] =	wrdreg s9  }
0xf: {  	s1 =	sadd.s32 s1, s20;
	s7 =	smax.u32 s18, $0x1;
	s20 =	smov.u32 s13  }
0x10: {  	s18 =	smov.u32 s6;
	s8 =	sshrl.u32 s8, $0x3;
	s26 =	sadd.s32 $0x380, s1  }
0x11: {  	s0 =	sadd.s32 $0x3D400, s0;
	[dreg:$0xd] =	wrdreg s7;
	s10 =	sadd.s32 $0x280, s1  }
0x12: {  	s11 =	sadd.s32 $0x300, s1;
	s12 =	sadd.s32 $0x200, s1;
	s15 =	sadd.s32 $0x180, s1  }
0x13: {  	s1 =	sadd.s32 $0x100, s1;
	s21 =	sadd.s32 $0x10, s8;
	s22 =	sadd.s32 s6, s8  }
0x14: {  	s23 =	sadd.s32 s13, s8;
	s8 =	sadd.s32 $0x4E0, s8;
	[dreg:$0xc] =	wrdreg s0  }
0x15: {  	[dreg:$0x10] =	wrdreg s11;
	s7 =	sshrl.u32 s12, $0x3;
	s16 =	sshrl.u32 s15, $0x3  }
0x16: {  	s17 =	sshrl.u32 s1, $0x3;
	s1 =	simm.s32 $0x80;
	s11 =	simm.s32 $0x4400  }
0x17: {  	s12 =	simm.s32 $0x4;
	s15 =	simm.s32 $0x3;
	[dreg:$0x6] =	wrdreg s22  }
0x18: {  	[dreg:$0x7] =	wrdreg s23;
	s24 =	sadd.s32 s6, s21;
	s9 =	sadd.s32 s13, s21  }
0x19: {  	s25 =	sadd.s32 s6, s8;
	s8 =	sadd.s32 s13, s8;
	[dreg:$0x8] =	wrdreg s24  }
0x1a: {  	s22 =	sadd.s32 s7, s13;
	s23 =	sadd.s32 s7, s6;
	[dreg:$0x9] =	wrdreg s9  }
0x1b: {  	s28 =	sadd.s32 s17, s13;
	s29 =	sadd.s32 s17, s6;
	[dreg:$0xa] =	wrdreg s25  }
0x1c: {  	s7 =	simm.s32 $0x400;
	[dreg:$0xb] =	wrdreg s8;
	s8 =	sshrl.u32 s26, $0x3  }
0x1d: {  	s24 =	sadd.s32 s16, s13;
	s25 =	sadd.s32 s16, s6;
	s26 =	sor.u32 $0x1C08, s19  }
0x1e: {  	s16 =	simm.s32 $0x6;
	s19 =	simm.s32 $0x5;
	s9 =	sadd.s32 s8, s13  }
.Ltmp0:
0x1f: {  	s0 =	sadd.s32 s8, s6;
	[dreg:$0x13] =	wrdreg s26;
	(pc) =	sbr.rel .LBB2_1-.Ltmp0, $4  }
0x20: {  	s8 =	simm.s32 $0x280;
	[dreg:$0xf] =	wrdreg s0;
	s0 =	sshrl.u32 s10, $0x3  }
0x21: {  	[dreg:$0xe] =	wrdreg s9;
	s10 =	simm.s32 $0x2;
	s14 =	sadd.s32 s0, s13  }
0x22: {  	s21 =	sadd.s32 s0, s6;
	s0 =	simm.s32 $0x1;
	s13 =	simm.s32 $0x100  }
0x23: {  	s6 =	simm.s32 $0x0;
	[dreg:$0x11] =	wrdreg s14;
	s14 =	simm.s32 $0x300  }
.LBB2_4:
0x24: {  	_ =	swait.ge [sflag:s30], $0x4000  }
0x25: {  	s6 =	simm.s32 $0x8400;
	[sflag:s30] =	ssyncset.done $0x0  }
0x26: {  	s9 =	simm.s32 $0x9;
	s5 =	rddreg [dreg:$0xa];
	[sflag:s30] =	ssyncadd.s32 $0xFFFFC000  }
0x27: {  	[tilespmem:s6], [sflag:$0x9] =	stream.linear.gather [hbm4b:s5+s4], $0x10, $0x38;
	[tilespmem:$0x1CD00] =	vst v63  }
0x28: {  	_ =	swait.ge [sflag:s9], $0x10  }
0x29: {  	[sflag:s9] =	ssyncset.done $0x0  }
0x2a: {  	s17 =	simm.s32 $0x8480;
	s26 =	rddreg [dreg:$0xb];
	[sflag:s9] =	ssyncadd.s32 $0xFFFFFFF0  }
0x2b: {  	[tilespmem:s17], [sflag:$0x9] =	stream.linear.gather [hbm4b:s26+s4], $0x10, $0x38;
	[tilespmem:$0x1CD00] =	vst v63  }
0x2c: {  	_ =	swait.ge [sflag:s9], $0x10  }
0x2d: {  	[sflag:s9] =	ssyncset.done $0x0  }
0x2e: {  	s5 =	simm.s32 $0x10;
	s26 =	simm.s32 $0x8500;
	[sflag:s9] =	ssyncadd.s32 $0xFFFFFFF0  }
0x2f: {  	[tilespmem:s26], [sflag:$0x4] =	stream.indirect.gather [hbm4b:s2+s5], $0x80, s6, s5, $0xb8;
	[tilespmem:$0x1CD00] =	vst v63  }
0x30: {  	_ =	swait.ge [sflag:s12], $0x800  }
0x31: {  	[sflag:s12] =	ssyncset.done $0x0  }
0x32: {  	[sflag:s12] =	ssyncadd.s32 $0xFFFFF800  }
0x33: {  	[spmem:s3] =	stream.indirect.scatter.add.f32 [tilespmem:s26], [sflag:$0x9], $0x80, s17, s5, $0xb8;
	[tilespmem:$0x1CD00] =	vst v63  }
0x34: {  	_ =	swait.ge [sflag:s9], $0x800  }
0x35: {  	[sflag:s9] =	ssyncset.done $0x0  }
0x36: {  	[sflag:s9] =	ssyncadd.s32 $0xFFFFF800  }
0x37: {  	[bflag:$0x0] =	sbarrier.arrive $0xFFFF  }
0x38: {  	s6 =	rddreg [dreg:$0x12]  }
0x39: {  	s17 =	rddreg [dreg:$0xc]  }
0x3a: {  	s26 =	rddreg [dreg:$0x15];
	s5 =	sor.u32 $0x1C09, s6  }
0x3b: {  	[hbm:s17], [sflag:s5] =	dma.local [spmem:s26], $0x2800  }
0x3c: {  	_ =	swait.ge [sflag:s9], $0x2800  }
0x3d: {  	s17 =	rddreg [dreg:$0x14]  }
0x3e: {  	s26 =	rddreg [dreg:$0xd];
	s6 =	sadd.s32 $0x1, s17  }
0x3f: {  	p0 =	sne.s32 s6, s26  }
.Ltmp1:
0x40: {  	_ = 	snop;
	(pc) =	sbr.rel @!p0 .LBB2_5-.Ltmp1, $3  }
0x41: {  	_ =	sdelay $0x1  }
0x42: {  	[sflag:s9] =	ssyncset.done $0x0  }
0x43: {  	[sflag:s9] =	ssyncadd.s32 $0xFFFFD800  }
.LBB2_1:
0x44: {  	[dreg:$0x14] =	wrdreg s6  }
0x45: {  	s5 =	rddreg [dreg:$0x4]  }
0x46: {  	s17 =	rddreg [dreg:$0x5]  }
0x47: {  	s26 =	rddreg [dreg:$0x13];
	s9 =	sshrl.u32 s5, $0x3  }
0x48: {  	[dreg:$0x15] =	wrdreg s9  }
0x49: {  	[spmem:s9], [sflag:s26] =	dma.local [hbm:s17], $0x2800  }
0x4a: {  	s5 =	rddreg [dreg:$0x6]  }
0x4b: {  	[tilespmem:s4], [sflag:$0x1] =	stream.linear.gather [hbm4b:s5+s4], $0x80, $0x38;
	[tilespmem:$0x1CD00] =	vst v63  }
0x4c: {  	s6 =	rddreg [dreg:$0x7]  }
0x4d: {  	[tilespmem:s31], [sflag:$0x1] =	stream.linear.gather [hbm4b:s6+s4], $0x80, $0x38;
	[tilespmem:$0x1CD00] =	vst v63  }
0x4e: {  	_ =	swait.ge [sflag:s0], $0x80  }
0x4f: {  	[sflag:s0] =	ssyncset.done $0x0  }
0x50: {  	[sflag:s0] =	ssyncadd.s32 $0xFFFFFF80  }
0x51: {  	_ =	swait.ge [sflag:s0], $0x80  }
0x52: {  	[sflag:s0] =	ssyncset.done $0x0  }
0x53: {  	[sflag:s0] =	ssyncadd.s32 $0xFFFFFF80  }
0x54: {  	[tilespmem:s7], [sflag:$0x4] =	stream.indirect.gather [hbm4b:s2+s1], $0x80, s4, s1, $0xb8;
	[tilespmem:$0x1CD00] =	vst v63  }
0x55: {  	s9 =	rddreg [dreg:$0x8]  }
0x56: {  	[tilespmem:s1], [sflag:$0x2] =	stream.linear.gather [hbm4b:s9+s4], $0x80, $0x38;
	[tilespmem:$0x1CD00] =	vst v63  }
0x57: {  	s26 =	simm.s32 $0x8;
	s17 =	rddreg [dreg:$0x9]  }
0x58: {  	[tilespmem:s8], [sflag:$0x2] =	stream.linear.gather [hbm4b:s17+s4], $0x80, $0x38;
	[tilespmem:$0x1CD00] =	vst v63  }
0x59: {  	_ =	swait.ge [sflag:s26], $0x2800  }
0x5a: {  	[sflag:s26] =	ssyncset.done $0x0  }
0x5b: {  	[sflag:s26] =	ssyncadd.s32 $0xFFFFD800  }
0x5c: {  	[bflag:$0x0] =	sbarrier.arrive $0xFFFF  }
0x5d: {  	s9 =	simm.s32 $0x0;
	s26 =	rddreg [dreg:$0x10]  }
.LBB2_2:
0x5e: {  	_ =	swait.ge [sflag:s10], $0x80  }
0x5f: {  	[sflag:s10] =	ssyncset.done $0x0  }
0x60: {  	[sflag:s10] =	ssyncadd.s32 $0xFFFFFF80  }
0x61: {  	_ =	swait.ge [sflag:s10], $0x80  }
0x62: {  	p0 =	seq.s32 s9, $0x0;
	[sflag:s10] =	ssyncset.done $0x0  }
0x63: {  	s5 =	simm.s32 @!p0 $0x7;
	[sflag:s10] =	ssyncadd.s32 $0xFFFFFF80  }
0x64: {  	_ =	swait.ge @!p0 [sflag:s5], $0x4000  }
0x65: {  	[sflag:s5] =	ssyncset.done @!p0 $0x0  }
0x66: {  	[sflag:s5] =	ssyncadd.s32 @!p0 $0xFFFFC000  }
0x67: {  	[tilespmem:s11], [sflag:$0x5] =	stream.indirect.gather [hbm4b:s2+s1], $0x80, s1, s1, $0xb8;
	[tilespmem:$0x1CD00] =	vst v63  }
0x68: {  	_ =	swait.ge [sflag:s12], $0x4000  }
0x69: {  	[sflag:s12] =	ssyncset.done $0x0  }
0x6a: {  	[sflag:s12] =	ssyncadd.s32 $0xFFFFC000  }
0x6b: {  	[spmem:s3] =	stream.indirect.scatter.add.f32 [tilespmem:s7], [sflag:$0x6], $0x80, s31, s1, $0xb8;
	[tilespmem:$0x1CD00] =	vst v63  }
0x6c: {  	s6 =	sadd.s32 s9, s29  }
0x6d: {  	[tilespmem:s13], [sflag:$0x3] =	stream.linear.gather [hbm4b:s6+s4], $0x80, $0x38;
	[tilespmem:$0x1CD00] =	vst v63  }
0x6e: {  	s17 =	sadd.s32 s9, s28  }
0x6f: {  	[tilespmem:s14], [sflag:$0x3] =	stream.linear.gather [hbm4b:s17+s4], $0x80, $0x38;
	[tilespmem:$0x1CD00] =	vst v63  }
0x70: {  	_ =	swait.ge [sflag:s15], $0x80  }
0x71: {  	[sflag:s15] =	ssyncset.done $0x0  }
0x72: {  	[sflag:s15] =	ssyncadd.s32 $0xFFFFFF80  }
0x73: {  	_ =	swait.ge [sflag:s15], $0x80  }
0x74: {  	[sflag:s15] =	ssyncset.done $0x0  }
0x75: {  	[sflag:s15] =	ssyncadd.s32 $0xFFFFFF80  }
0x76: {  	_ =	swait.ge [sflag:s16], $0x4000  }
0x77: {  	[sflag:s16] =	ssyncset.done $0x0  }
0x78: {  	[sflag:s16] =	ssyncadd.s32 $0xFFFFC000  }
0x79: {  	[tilespmem:s7], [sflag:$0x4] =	stream.indirect.gather [hbm4b:s2+s1], $0x80, s13, s1, $0xb8;
	[tilespmem:$0x1CD00] =	vst v63  }
0x7a: {  	_ =	swait.ge [sflag:s19], $0x4000  }
0x7b: {  	[sflag:s19] =	ssyncset.done $0x0  }
0x7c: {  	[sflag:s19] =	ssyncadd.s32 $0xFFFFC000  }
0x7d: {  	[spmem:s3] =	stream.indirect.scatter.add.f32 [tilespmem:s11], [sflag:$0x7], $0x80, s8, s1, $0xb8;
	[tilespmem:$0x1CD00] =	vst v63  }
0x7e: {  	s6 =	sadd.s32 s9, s25  }
0x7f: {  	[tilespmem:s4], [sflag:$0x1] =	stream.linear.gather [hbm4b:s6+s4], $0x80, $0x38;
	[tilespmem:$0x1CD00] =	vst v63  }
0x80: {  	s17 =	sadd.s32 s9, s24  }
0x81: {  	[tilespmem:s31], [sflag:$0x1] =	stream.linear.gather [hbm4b:s17+s4], $0x80, $0x38;
	[tilespmem:$0x1CD00] =	vst v63  }
0x82: {  	_ =	swait.ge [sflag:s0], $0x80  }
0x83: {  	[sflag:s0] =	ssyncset.done $0x0  }
0x84: {  	[sflag:s0] =	ssyncadd.s32 $0xFFFFFF80  }
0x85: {  	_ =	swait.ge [sflag:s0], $0x80  }
0x86: {  	[sflag:s0] =	ssyncset.done $0x0  }
0x87: {  	[sflag:s0] =	ssyncadd.s32 $0xFFFFFF80  }
0x88: {  	_ =	swait.ge [sflag:s30], $0x4000  }
0x89: {  	[sflag:s30] =	ssyncset.done $0x0  }
0x8a: {  	[sflag:s30] =	ssyncadd.s32 $0xFFFFC000  }
0x8b: {  	[tilespmem:s11], [sflag:$0x5] =	stream.indirect.gather [hbm4b:s2+s1], $0x80, s4, s1, $0xb8;
	[tilespmem:$0x1CD00] =	vst v63  }
0x8c: {  	_ =	swait.ge [sflag:s12], $0x4000  }
0x8d: {  	[sflag:s12] =	ssyncset.done $0x0  }
0x8e: {  	[sflag:s12] =	ssyncadd.s32 $0xFFFFC000  }
0x8f: {  	[spmem:s3] =	stream.indirect.scatter.add.f32 [tilespmem:s7], [sflag:$0x6], $0x80, s14, s1, $0xb8;
	[tilespmem:$0x1CD00] =	vst v63  }
0x90: {  	s6 =	sadd.s32 s9, s23  }
0x91: {  	[tilespmem:s1], [sflag:$0x2] =	stream.linear.gather [hbm4b:s6+s4], $0x80, $0x38;
	[tilespmem:$0x1CD00] =	vst v63  }
0x92: {  	s17 =	sadd.s32 s9, s22  }
0x93: {  	[tilespmem:s8], [sflag:$0x2] =	stream.linear.gather [hbm4b:s17+s4], $0x80, $0x38;
	[tilespmem:$0x1CD00] =	vst v63  }
0x94: {  	_ =	swait.ge [sflag:s10], $0x80  }
0x95: {  	[sflag:s10] =	ssyncset.done $0x0  }
0x96: {  	[sflag:s10] =	ssyncadd.s32 $0xFFFFFF80  }
0x97: {  	_ =	swait.ge [sflag:s10], $0x80  }
0x98: {  	[sflag:s10] =	ssyncset.done $0x0  }
0x99: {  	[sflag:s10] =	ssyncadd.s32 $0xFFFFFF80  }
0x9a: {  	_ =	swait.ge [sflag:s16], $0x4000  }
0x9b: {  	[sflag:s16] =	ssyncset.done $0x0  }
0x9c: {  	[sflag:s16] =	ssyncadd.s32 $0xFFFFC000  }
0x9d: {  	[tilespmem:s7], [sflag:$0x4] =	stream.indirect.gather [hbm4b:s2+s1], $0x80, s1, s1, $0xb8;
	[tilespmem:$0x1CD00] =	vst v63  }
0x9e: {  	_ =	swait.ge [sflag:s19], $0x4000  }
0x9f: {  	[sflag:s19] =	ssyncset.done $0x0  }
0xa0: {  	[sflag:s19] =	ssyncadd.s32 $0xFFFFC000  }
0xa1: {  	[spmem:s3] =	stream.indirect.scatter.add.f32 [tilespmem:s11], [sflag:$0x7], $0x80, s31, s1, $0xb8;
	[tilespmem:$0x1CD00] =	vst v63  }
0xa2: {  	s6 =	sadd.s32 s9, s21;
	s17 =	rddreg [dreg:$0x11]  }
0xa3: {  	[tilespmem:s13], [sflag:$0x3] =	stream.linear.gather [hbm4b:s6+s4], $0x80, $0x38;
	[tilespmem:$0x1CD00] =	vst v63  }
0xa4: {  	s5 =	sadd.s32 s9, s17  }
0xa5: {  	[tilespmem:s14], [sflag:$0x3] =	stream.linear.gather [hbm4b:s5+s4], $0x80, $0x38;
	[tilespmem:$0x1CD00] =	vst v63  }
0xa6: {  	_ =	swait.ge [sflag:s15], $0x80  }
0xa7: {  	[sflag:s15] =	ssyncset.done $0x0  }
0xa8: {  	[sflag:s15] =	ssyncadd.s32 $0xFFFFFF80  }
0xa9: {  	_ =	swait.ge [sflag:s15], $0x80  }
0xaa: {  	[sflag:s15] =	ssyncset.done $0x0  }
0xab: {  	[sflag:s15] =	ssyncadd.s32 $0xFFFFFF80  }
0xac: {  	_ =	swait.ge [sflag:s30], $0x4000  }
0xad: {  	[sflag:s30] =	ssyncset.done $0x0  }
0xae: {  	[sflag:s30] =	ssyncadd.s32 $0xFFFFC000  }
0xaf: {  	[tilespmem:s11], [sflag:$0x5] =	stream.indirect.gather [hbm4b:s2+s1], $0x80, s13, s1, $0xb8;
	[tilespmem:$0x1CD00] =	vst v63  }
0xb0: {  	_ =	swait.ge [sflag:s12], $0x4000  }
0xb1: {  	p0 =	seq.s32 s9, $0x480;
	[sflag:s12] =	ssyncset.done $0x0  }
0xb2: {  	s5 =	simm.s32 @p0 $0x6;
	[sflag:s12] =	ssyncadd.s32 $0xFFFFC000  }
0xb3: {  	[spmem:s3] =	stream.indirect.scatter.add.f32 [tilespmem:s7], [sflag:$0x6], $0x80, s8, s1, $0xb8;
	[tilespmem:$0x1CD00] =	vst v63  }
0xb4: {  	_ =	swait.ge @p0 [sflag:s5], $0x4000  }
0xb5: {  	s6 =	sshrl.u32 @!p0 s26, $0x3;
	[sflag:s5] =	ssyncset.done @p0 $0x0  }
0xb6: {  	s17 =	simm.s32 @!p0 $0x0;
	[sflag:s5] =	ssyncadd.s32 @p0 $0xFFFFC000;
	s5 =	sadd.s32 @!p0 s18, s6  }
0xb7: {  	[tilespmem:s17], [sflag:$0x1] =	stream.linear.gather @!p0 [hbm4b:s5+s17], $0x80, $0x38;
	[tilespmem:$0x1CD00] =	vst v63  }
0xb8: {  	s5 =	sadd.s32 @!p0 s20, s6;
	s6 =	simm.s32 @!p0 $0x200  }
0xb9: {  	[tilespmem:s6], [sflag:$0x1] =	stream.linear.gather @!p0 [hbm4b:s5+s17], $0x80, $0x38;
	[tilespmem:$0x1CD00] =	vst v63  }
0xba: {  	s5 =	simm.s32 @!p0 $0x1  }
0xbb: {  	_ =	swait.ge @!p0 [sflag:s5], $0x80  }
0xbc: {  	[sflag:s5] =	ssyncset.done @!p0 $0x0  }
0xbd: {  	[sflag:s5] =	ssyncadd.s32 @!p0 $0xFFFFFF80  }
0xbe: {  	_ =	swait.ge @!p0 [sflag:s5], $0x80  }
0xbf: {  	[sflag:s5] =	ssyncset.done @!p0 $0x0  }
0xc0: {  	[sflag:s5] =	ssyncadd.s32 @!p0 $0xFFFFFF80;
	s5 =	simm.s32 @!p0 $0x6  }
0xc1: {  	_ =	swait.ge @!p0 [sflag:s5], $0x4000  }
0xc2: {  	[sflag:s5] =	ssyncset.done @!p0 $0x0  }
0xc3: {  	s6 =	simm.s32 @!p0 $0x400;
	[sflag:s5] =	ssyncadd.s32 @!p0 $0xFFFFC000;
	s5 =	simm.s32 @!p0 $0x80  }
0xc4: {  	[tilespmem:s6], [sflag:$0x4] =	stream.indirect.gather @!p0 [hbm4b:s2+s5], $0x80, s17, s5, $0xb8;
	[tilespmem:$0x1CD00] =	vst v63  }
.Ltmp2:
0xc5: {  	_ = 	snop;
	(pc) =	sbr.rel @p0 .LBB2_4-.Ltmp2, $4  }
0xc6: {  	_ =	swait.ge [sflag:s19], $0x4000  }
0xc7: {  	[sflag:s19] =	ssyncset.done $0x0  }
0xc8: {  	[sflag:s19] =	ssyncadd.s32 $0xFFFFC000  }
0xc9: {  	[spmem:s3] =	stream.indirect.scatter.add.f32 [tilespmem:s11], [sflag:$0x7], $0x80, s14, s1, $0xb8;
	[tilespmem:$0x1CD00] =	vst v63  }
.Ltmp3:
0xca: {  	s5 =	rddreg [dreg:$0xf];
	(pc) =	sbr.rel .LBB2_2-.Ltmp3, $4  }
0xcb: {  	s17 =	rddreg [dreg:$0xe];
	s5 =	sadd.s32 s9, s5  }
0xcc: {  	[tilespmem:s1], [sflag:$0x2] =	stream.linear.gather [hbm4b:s5+s4], $0x80, $0x38;
	[tilespmem:$0x1CD00] =	vst v63  }
0xcd: {  	s26 =	sadd.s32 $0x300, s26;
	s5 =	sadd.s32 s9, s17;
	s9 =	sadd.s32 $0x60, s9  }
0xce: {  	[tilespmem:s8], [sflag:$0x2] =	stream.linear.gather [hbm4b:s5+s4], $0x80, $0x38;
	[tilespmem:$0x1CD00] =	vst v63  }
.LBB2_5:
0xcf: {  	_ =	sfence.sel $0x180000  }
0xd0: {  	[bflag:$0x0] =	sbarrier.arrive $0xFFFF  }
0xd1: {  	_ =	strace $0x90000047  }
0xd2: {  	s0 =	stileid.u32;
	[bflag:$0x2] =	sbarrier.arrive $0xFFFF  }
0xd3: {  	p0 =	sne.s32 s0, $0x0;
	s0 =	rddreg [dreg:$0x3]  }
0xd4: {  	s0 =	sadd.s32 @!p0 $0x100000, s0  }
0xd5: {  	[sflag:s0] =	ssyncadd.tile.s32 @!p0 $0x1;
	_ =	shalt  }
.Lfunc_end2:
_tile_overlayer_lowered:
.L_overlay_start_2:
0xd6: {  	(tag) =	ssettag $0x2  }
0xd7: {  	s0 =	rddreg [dreg:$0x0];
	s2 =	stileid.u32  }
0xd8: {  	s1 =	rddreg [dreg:$0x1];
	p0 =	sne.s32 s2, $0x0  }
0xd9: {  	s3 =	rddreg [dreg:$0x2];
	[bflag:$0x3] =	sbarrier.arrive $0xFFFF;
	s2 =	simm.s32 @!p0 $0x1C09  }
0xda: {  	[timem:s3], [sflag:s2] =	dma.local @!p0 [hbm:s0], s1  }
0xdb: {  	s0 =	simm.s32 @!p0 $0x9  }
0xdc: {  	_ =	swait.ge @!p0 [sflag:s0], s1  }
0xdd: {  	s1 =	ssub.s32 @!p0 $0x0, s1;
	[sflag:s0] =	ssyncset.done @!p0 $0x0  }
0xde: {  	[sflag:s0] =	ssyncadd.s32 @!p0 s1  }
0xdf: {  	[bflag:$0x3] =	sbarrier.arrive $0xFFFF  }
0xe0: {  	_ =	shalt  }

// kernel: kernel.9.cloned.1.call-start
scs
__scs_entry_jumppad:
0x0: {  	(pc) =	sbr.rel $0x88, $3  }
0x1: {  	(tag) =	ssettag $0x0;
	lr =	simm.s32 $0x1  }
0x2: {  	[smem:$0x3F97] =	sst lr;
	_ =	strace $0xD0000000  }
0x3: {  	_ = 	snop  }
0x4: {  	_ = 	snop  }
0x5: {  	_ = 	snop  }
0x6: {  	_ = 	snop  }
0x7: {  	_ = 	snop  }
__scs_overlays_trampoline_lowered:
0x8: {  	[smem:$0x3FA6] =	sst s0  }
0x9: {  	[smem:$0x3FA7] =	sst s1  }
0xa: {  	[smem:$0x3FA8] =	sst s2  }
0xb: {  	[smem:$0x3FA9] =	sst s3  }
0xc: {  	[smem:$0x3FAA] =	sst s4  }
0xd: {  	[smem:$0x3FAB] =	sst s5  }
0xe: {  	[smem:$0x3FAC] =	sst s6  }
0xf: {  	[smem:$0x3FAD] =	sst s7  }
0x10: {  	[smem:$0x3FAE] =	sst s8  }
0x11: {  	[smem:$0x3FAF] =	sst s9;
	s0 =	simm.s32 @!p0 $0x0  }
0x12: {  	s1 =	sld [smem:$0x3F95];
	s0 =	simm.s32 @p0 $0x1  }
0x13: {  	[smem:$0x3FB0] =	sst s0;
	s0 =	simm.s32 @!p1 $0x0  }
0x14: {  	s2 =	sld [smem:$0x3F94];
	s0 =	simm.s32 @p1 $0x1  }
0x15: {  	[smem:$0x3FB1] =	sst s0;
	s0 =	simm.s32 @!p2 $0x0  }
0x16: {  	s3 =	sld [smem:$0x3FDB];
	s0 =	simm.s32 @p2 $0x1  }
0x17: {  	s4 =	simm.s32 $0x1BF5;
	[smem:$0x3FB3] =	sst s0  }
0x18: {  	s0 =	sld [smem:$0x3F96];
	_ =	swait.ge [sflag:s4], $0x0  }
0x19: {  	s7 =	sld [smem:$0x3F97]  }
0x1a: {  	s8 =	sadd.s32 $0xFFFFE003, lr  }
0x1b: {  	s9 =	sadd.s32 $0xFFFFFEF7, lr;
	s5 =	simm.s32 $0xFFFFFFFF;
	p2 =	slt.u32 s8, $0xFFFFF086  }
0x1c: {  	p1 =	slt.u32 s9, $0xF7A;
	s5 =	simm.s32 @!p2 $0x0  }
0x1d: {  	s5 =	simm.s32 @p1 $0x1;
	p0 =	seq.s32 s7, s2  }
0x1e: {  	s7 =	smul.u32 @!p0 $0xF7A, s2;
	p2 =	seq.s32 @!p0 s5, $0x0  }
0x1f: {  	s9 =	smul.u32 $0xF7A, s1;
	s8 =	simm.s32 @!p0 $0x1BF5;
	p2 =	por !p2, p0  }
0x20: {  	[sflag:s8] =	ssyncset.s32 @!p0 $0xFFFFF086;
	s6 =	sadd.s32 @!p0 s3, s7;
	s7 =	simm.s32 @!p0 $0x108  }
0x21: {  	s3 =	sadd.s32 s3, s9;
	s6 =	sadd.s32 @!p0 $0x88, s6;
	s7 =	simm.s32 @p2 $0x1082  }
0x22: {  	[simem:s7], [sflag:s8] =	dma.local @!p0 [hbm:s6], $0xF7A  }
0x23: {  	s9 =	sor.u32 $0xD0000000, s2;
	s6 =	simm.s32 $0x108;
	_ =	swait.ge @!p0 [sflag:s8], $0x0  }
0x24: {  	s3 =	sadd.s32 $0x88, s3;
	s6 =	simm.s32 @!p1 $0x1082;
	[sflag:s4] =	ssyncset.s32 $0xFFFFF086  }
0x25: {  	[simem:s6], [sflag:s4] =	dma.local [hbm:s3], $0xF7A  }
0x26: {  	[smem:$0x3F97] =	sst s1;
	(tag) =	ssettag s2;
	_ =	strace s9  }
0x27: {  	s1 =	sld [smem:$0x3FA7]  }
0x28: {  	s2 =	sld [smem:$0x3FA8]  }
0x29: {  	s4 =	sld [smem:$0x3FAA]  }
0x2a: {  	p0 =	seq.s32 s5, $0x0;
	s5 =	sld [smem:$0x3FAB]  }
0x2b: {  	s6 =	sld [smem:$0x3FAC]  }
0x2c: {  	s7 =	sld [smem:$0x3FAD]  }
0x2d: {  	s3 =	simm.s32 $0x108;
	s8 =	sld [smem:$0x3FAE]  }
0x2e: {  	s3 =	simm.s32 @!p0 $0x1082;
	s9 =	sld [smem:$0x3FAF]  }
0x2f: {  	lr =	sadd.s32 s0, s3;
	s0 =	sld [smem:$0x3FA6]  }
0x30: {  	s3 =	sld [smem:$0x3FA9]  }
0x31: {  	[smem:$0x3FB2] =	sst s10  }
0x32: {  	s10 =	sld [smem:$0x3FB0];
	_ =	sdelay $0x3  }
0x33: {  	p0 =	seq.s32 s10, $0x1;
	s10 =	sld [smem:$0x3FB2];
	_ =	sdelay $0x3  }
0x34: {  	[smem:$0x3FB2] =	sst s10  }
0x35: {  	s10 =	sld [smem:$0x3FB1];
	_ =	sdelay $0x3  }
0x36: {  	p1 =	seq.s32 s10, $0x1;
	s10 =	sld [smem:$0x3FB2];
	_ =	sdelay $0x3  }
0x37: {  	[smem:$0x3FB2] =	sst s10  }
0x38: {  	s10 =	sld [smem:$0x3FB3]  }
0x39: {  	_ = 	snop;
	(pc) =	sbr.ind lr, $3  }
0x3a: {  	_ = 	snop  }
0x3b: {  	_ = 	snop  }
0x3c: {  	p2 =	seq.s32 s10, $0x1;
	s10 =	sld [smem:$0x3FB2]  }
0x3d: {  	_ =	shalt  }
0x3e: {  	_ =	shalt  }
0x3f: {  	_ =	shalt  }
0x40: {  	_ =	shalt  }
0x41: {  	_ =	shalt  }
0x42: {  	_ =	shalt  }
0x43: {  	_ =	shalt  }
0x44: {  	_ =	shalt  }
0x45: {  	_ =	shalt  }
0x46: {  	_ =	shalt  }
0x47: {  	_ =	shalt  }
0x48: {  	_ =	shalt  }
0x49: {  	_ =	shalt  }
0x4a: {  	_ =	shalt  }
0x4b: {  	_ =	shalt  }
0x4c: {  	_ =	shalt  }
0x4d: {  	_ =	shalt  }
0x4e: {  	_ =	shalt  }
0x4f: {  	_ =	shalt  }
0x50: {  	_ =	shalt  }
0x51: {  	_ =	shalt  }
0x52: {  	_ =	shalt  }
0x53: {  	_ =	shalt  }
0x54: {  	_ =	shalt  }
0x55: {  	_ =	shalt  }
0x56: {  	_ =	shalt  }
0x57: {  	_ =	shalt  }
0x58: {  	_ =	shalt  }
0x59: {  	_ =	shalt  }
0x5a: {  	_ =	shalt  }
0x5b: {  	_ =	shalt  }
0x5c: {  	_ =	shalt  }
0x5d: {  	_ =	shalt  }
0x5e: {  	_ =	shalt  }
0x5f: {  	_ =	shalt  }
0x60: {  	_ =	shalt  }
0x61: {  	_ =	shalt  }
0x62: {  	_ =	shalt  }
0x63: {  	_ =	shalt  }
0x64: {  	_ =	shalt  }
0x65: {  	_ =	shalt  }
0x66: {  	_ =	shalt  }
0x67: {  	_ =	shalt  }
0x68: {  	_ =	shalt  }
0x69: {  	_ =	shalt  }
0x6a: {  	_ =	shalt  }
0x6b: {  	_ =	shalt  }
0x6c: {  	_ =	shalt  }
0x6d: {  	_ =	shalt  }
0x6e: {  	_ =	shalt  }
0x6f: {  	_ =	shalt  }
0x70: {  	_ =	shalt  }
0x71: {  	_ =	shalt  }
0x72: {  	_ =	shalt  }
0x73: {  	_ =	shalt  }
0x74: {  	_ =	shalt  }
0x75: {  	_ =	shalt  }
0x76: {  	_ =	shalt  }
0x77: {  	_ =	shalt  }
0x78: {  	_ =	shalt  }
0x79: {  	_ =	shalt  }
0x7a: {  	_ =	shalt  }
0x7b: {  	_ =	shalt  }
0x7c: {  	_ =	shalt  }
0x7d: {  	_ =	shalt  }
0x7e: {  	_ =	shalt  }
0x7f: {  	_ =	shalt  }
0x80: {  	_ =	shalt  }
0x81: {  	_ =	shalt  }
0x82: {  	_ =	shalt  }
0x83: {  	_ =	shalt  }
0x84: {  	_ =	shalt  }
0x85: {  	_ =	shalt  }
0x86: {  	_ =	shalt  }
0x87: {  	_ =	shalt  }
.Lfunc_end0:
.L_simem_size_0:
called_computation.1_lowered:
.L_overlay_start_0:
0x88: {  	s2 =	sld [smem:$0x3FD9]  }
0x89: {  	s3 =	sld [smem:$0x3FFE];
	_ =	sdelay $0x1  }
0x8a: {  	s1 =	srdreg.scid  }
0x8b: {  	s0 =	sand.u32 $0x1, s1  }
0x8c: {  	s17 =	sshll.u32 s0, $0xA;
	s2 =	sadd.s32 s3, s2  }
0x8d: {  	s2 =	sadd.s32 s2, s17  }
0x8e: {  	[smem:$0x3FBE] =	sst s2  }
0x8f: {  	_ = 	snop  }
0x90: {  	s2 =	sld [smem:$0x3FD0];
	(tm) =	ssettm $0x1  }
0x91: {  	s18 =	sld [smem:$0x3FFB];
	_ =	sdelay $0x3  }
0x92: {  	_ =	strace s18  }
0x93: {  	s3 =	sld [smem:$0x3FFC];
	_ =	sdelay $0x3  }
0x94: {  	_ =	strace s3  }
0x95: {  	s3 =	sld [smem:$0x3FFD];
	_ =	sdelay $0x3  }
0x96: {  	_ =	strace s3  }
0x97: {  	_ =	strace $0x8FFFFFFF  }
0x98: {  	s19 =	sld [smem:$0x3FDB];
	_ =	sdelay $0x1  }
0x99: {  	s4 =	simm.s32 $_scs_section_size  }
0x9a: {  	s5 =	simm.s32 $_size__tile_overlayer_lowered;
	s6 =	simm.s32 $_tile_overlayer_lowered  }
0x9b: {  	s22 =	simm.s32 $0x1BFF;
	s21 =	sshll.u32 s6, $0x1;
	s3 =	sadd.s32 s4, s19  }
0x9c: {  	s7 =	simm.s32 $0x0;
	s20 =	sshll.u32 s5, $0x1;
	s5 =	sadd.s32 s21, s3  }
0x9d: {  	[timem:s7], [sflag:s22] =	dma.local [hbm:s5], s20  }
0x9e: {  	_ =	swait.ge [sflag:s22], s20  }
0x9f: {  	s4 =	ssub.s32 $0x0, s20;
	[sflag:s22] =	ssyncset.done $0x0  }
0xa0: {  	[sflag:s22] =	ssyncadd.s32 s4;
	_ =	sdelay $0x1  }
0xa1: {  	s23 =	simm.s32 $0x1B8B  }
0xa2: {  	_ =	swait.ge [sflag:s23], $0x1  }
0xa3: {  	[sflag:s23] =	ssyncset.done $0x0  }
0xa4: {  	s25 =	simm.s32 $0x1B8E;
	s24 =	sld [smem:$0x3FFE];
	[sflag:s23] =	ssyncadd.s32 $0xFFFFFFFF  }
0xa5: {  	s26 =	simm.s32 $execute0_lowered;
	[smem:$0x3FD2] =	sst s25  }
0xa6: {  	s5 =	sshll.u32 s26, $0x1;
	_ =	strace $0x80000049;
	[dreg:$0x1] =	wrdreg $0xFFFFFFFF  }
0xa7: {  	s28 =	simm.s32 $_size_execute0_lowered;
	s3 =	sadd.s32 s3, s5;
	[dreg:$0x0] =	wrdreg $0x0  }
0xa8: {  	s5 =	sshll.u32 s28, $0x1;
	[dreg:$0x2] =	wrdreg s3  }
0xa9: {  	[dreg:$0x3] =	wrdreg s5  }
0xaa: {  	[dreg:$0x4] =	wrdreg $0xC0  }
0xab: {  	_ =	task [dreg:s7], $0x5FFFF  }
0xac: {  	[dreg:$0x1] =	wrdreg $0xFFFFFFFF  }
0xad: {  	[dreg:$0x0] =	wrdreg $0x60  }
0xae: {  	[dreg:$0x2] =	wrdreg s24  }
0xaf: {  	[dreg:$0x3] =	wrdreg s2  }
0xb0: {  	[dreg:$0x4] =	wrdreg $0x8D000  }
0xb1: {  	[dreg:$0x5] =	wrdreg $0x9  }
0xb2: {  	_ =	task.clear_ibuf [dreg:s7], $0x6FFFF;
	_ =	strace $0x90000049  }
0xb3: {  	s29 =	simm.s32 $0x9;
	_ =	strace $0x8000004B  }
0xb4: {  	_ =	swait.ge [sflag:s29], $0x1  }
0xb5: {  	[sflag:s29] =	ssyncadd.s32 $0xFFFFFFFF  }
0xb6: {  	_ =	strace $0x9000004B  }
0xb7: {  	_ =	sfence  }
0xb8: {  	s30 =	sld [smem:$0x0];
	_ =	sdelay $0x2  }
0xb9: {  	s31 =	sshll.u32 s1, $0xD;
	s1 =	sshrl.u32 s1, $0x2  }
0xba: {  	s3 =	sand.u32 $0x4000, s31;
	s1 =	sadd.s32 s1, s30  }
0xbb: {  	s0 =	sor.u32 s3, s0;
	s1 =	sshll.u32 s1, $0x11  }
0xbc: {  	s0 =	sor.u32 s1, s0  }
0xbd: {  	s0 =	sadd.s32 $0x8F2B, s0  }
0xbe: {  	[sflag:s0] =	ssyncadd.remote.s32 $0x1  }
0xbf: {  	_ =	sfence.sel $0xFFFF  }
0xc0: {  	[dreg:$0x0] =	wrdreg $0xFFFFFFFF;
	(pc) =	sbr.abs _section_cstart, $3  }
0xc1: {  	[dreg:$0x1] =	wrdreg $0xFFFFFFFF  }
0xc2: {  	_ =	task.clear_ibuf [dreg:s7], $0x2FFFF;
	_ =	strace $0x9FFFFFFF  }
0xc3: {  	(tm) =	ssettm $0x7FFFFFFF  }
tec
execute0_lowered:
.L_overlay_start_1:
0x0: {  	(tag) =	ssettag $0x1  }
0x1: {  	s0 =	rddreg [dreg:$0x0]  }
0x2: {  	s2 =	rddreg [dreg:$0x1]  }
0x3: {  	s3 =	rddreg [dreg:$0x2]  }
0x4: {  	s4 =	simm.s32 $0x0;
	s5 =	stileid.u32;
	s1 =	srdreg.scid  }
0x5: {  	s31 =	simm.s32 $0x200;
	s30 =	simm.s32 $0x7;
	s7 =	smul.u32 $0x14000, s5  }
0x6: {  	[smem:$0x7FF] =	sst s4;
	s1 =	sand.u32 $0x1, s1;
	s11 =	smul.u32 $0x50000, s5  }
0x7: {  	s6 =	sadd.s32 $0xB600, s0;
	s13 =	sadd.s32 $0x1800, s0;
	s20 =	smul.u32 $0x4E20, s5  }
0x8: {  	s17 =	sshll.u32 s5, $0x1;
	s8 =	smul.u32 $0x140000, s1;
	s10 =	ssub.s32 $0x2, s1  }
0x9: {  	_ =	strace $0x8000004A;
	s9 =	sshrl.u32 s7, $0x3;
	s12 =	sshrl.u32 s10, $0x1  }
0xa: {  	s19 =	sshrl.u32 s11, $0x2;
	s9 =	sadd.s32 s9, s0;
	s7 =	sadd.s32 s7, s8  }
0xb: {  	s8 =	sor.u32 s1, s17;
	s18 =	ssub.s32 s10, s12;
	s10 =	sadd.s32 s19, s3  }
0xc: {  	s1 =	smul.u32 $0x2710, s1;
	s19 =	sshll.u32 s5, $0x6;
	[dreg:$0x4] =	wrdreg s10  }
0xd: {  	s7 =	sshrl.u32 s7, $0x3;
	s9 =	sadd.s32 $0x15400, s9;
	[dreg:$0x12] =	wrdreg s19  }
0xe: {  	s8 =	smul.u32 $0x2710, s8;
	s0 =	sadd.s32 s7, s0;
	[dreg:$0x5] =	wrdreg s9  }
0xf: {  	s1 =	sadd.s32 s1, s20;
	s7 =	smax.u32 s18, $0x1;
	s20 =	smov.u32 s13  }
0x10: {  	s18 =	smov.u32 s6;
	s8 =	sshrl.u32 s8, $0x3;
	s26 =	sadd.s32 $0x380, s1  }
0x11: {  	s0 =	sadd.s32 $0x3D400, s0;
	[dreg:$0xd] =	wrdreg s7;
	s10 =	sadd.s32 $0x280, s1  }
0x12: {  	s11 =	sadd.s32 $0x300, s1;
	s12 =	sadd.s32 $0x200, s1;
	s15 =	sadd.s32 $0x180, s1  }
0x13: {  	s1 =	sadd.s32 $0x100, s1;
	s21 =	sadd.s32 $0x10, s8;
	s22 =	sadd.s32 s6, s8  }
0x14: {  	s23 =	sadd.s32 s13, s8;
	s8 =	sadd.s32 $0x4E0, s8;
	[dreg:$0xc] =	wrdreg s0  }
0x15: {  	[dreg:$0x10] =	wrdreg s11;
	s7 =	sshrl.u32 s12, $0x3;
	s16 =	sshrl.u32 s15, $0x3  }
0x16: {  	s17 =	sshrl.u32 s1, $0x3;
	s1 =	simm.s32 $0x80;
	s11 =	simm.s32 $0x4400  }
0x17: {  	s12 =	simm.s32 $0x4;
	s15 =	simm.s32 $0x3;
	[dreg:$0x6] =	wrdreg s22  }
0x18: {  	[dreg:$0x7] =	wrdreg s23;
	s24 =	sadd.s32 s6, s21;
	s9 =	sadd.s32 s13, s21  }
0x19: {  	s25 =	sadd.s32 s6, s8;
	s8 =	sadd.s32 s13, s8;
	[dreg:$0x8] =	wrdreg s24  }
0x1a: {  	s22 =	sadd.s32 s7, s13;
	s23 =	sadd.s32 s7, s6;
	[dreg:$0x9] =	wrdreg s9  }
0x1b: {  	s28 =	sadd.s32 s17, s13;
	s29 =	sadd.s32 s17, s6;
	[dreg:$0xa] =	wrdreg s25  }
0x1c: {  	s7 =	simm.s32 $0x400;
	[dreg:$0xb] =	wrdreg s8;
	s8 =	sshrl.u32 s26, $0x3  }
0x1d: {  	s24 =	sadd.s32 s16, s13;
	s25 =	sadd.s32 s16, s6;
	s26 =	sor.u32 $0x1C08, s19  }
0x1e: {  	s16 =	simm.s32 $0x6;
	s19 =	simm.s32 $0x5;
	s9 =	sadd.s32 s8, s13  }
.Ltmp0:
0x1f: {  	s0 =	sadd.s32 s8, s6;
	[dreg:$0x13] =	wrdreg s26;
	(pc) =	sbr.rel .LBB2_1-.Ltmp0, $4  }
0x20: {  	s8 =	simm.s32 $0x280;
	[dreg:$0xf] =	wrdreg s0;
	s0 =	sshrl.u32 s10, $0x3  }
0x21: {  	[dreg:$0xe] =	wrdreg s9;
	s10 =	simm.s32 $0x2;
	s14 =	sadd.s32 s0, s13  }
0x22: {  	s21 =	sadd.s32 s0, s6;
	s0 =	simm.s32 $0x1;
	s13 =	simm.s32 $0x100  }
0x23: {  	s6 =	simm.s32 $0x0;
	[dreg:$0x11] =	wrdreg s14;
	s14 =	simm.s32 $0x300  }
.LBB2_4:
0x24: {  	_ =	swait.ge [sflag:s30], $0x4000  }
0x25: {  	s6 =	simm.s32 $0x8400;
	[sflag:s30] =	ssyncset.done $0x0  }
0x26: {  	s9 =	simm.s32 $0x9;
	s5 =	rddreg [dreg:$0xa];
	[sflag:s30] =	ssyncadd.s32 $0xFFFFC000  }
0x27: {  	[tilespmem:s6], [sflag:$0x9] =	stream.linear.gather [hbm4b:s5+s4], $0x10, $0x38;
	[tilespmem:$0x1CD00] =	vst v63  }
0x28: {  	_ =	swait.ge [sflag:s9], $0x10  }
0x29: {  	[sflag:s9] =	ssyncset.done $0x0  }
0x2a: {  	s17 =	simm.s32 $0x8480;
	s26 =	rddreg [dreg:$0xb];
	[sflag:s9] =	ssyncadd.s32 $0xFFFFFFF0  }
0x2b: {  	[tilespmem:s17], [sflag:$0x9] =	stream.linear.gather [hbm4b:s26+s4], $0x10, $0x38;
	[tilespmem:$0x1CD00] =	vst v63  }
0x2c: {  	_ =	swait.ge [sflag:s9], $0x10  }
0x2d: {  	[sflag:s9] =	ssyncset.done $0x0  }
0x2e: {  	s5 =	simm.s32 $0x10;
	s26 =	simm.s32 $0x8500;
	[sflag:s9] =	ssyncadd.s32 $0xFFFFFFF0  }
0x2f: {  	[tilespmem:s26], [sflag:$0x4] =	stream.indirect.gather [hbm4b:s2+s5], $0x80, s6, s5, $0xb8;
	[tilespmem:$0x1CD00] =	vst v63  }
0x30: {  	_ =	swait.ge [sflag:s12], $0x800  }
0x31: {  	[sflag:s12] =	ssyncset.done $0x0  }
0x32: {  	[sflag:s12] =	ssyncadd.s32 $0xFFFFF800  }
0x33: {  	[spmem:s3] =	stream.indirect.scatter.add.f32 [tilespmem:s26], [sflag:$0x9], $0x80, s17, s5, $0xb8;
	[tilespmem:$0x1CD00] =	vst v63  }
0x34: {  	_ =	swait.ge [sflag:s9], $0x800  }
0x35: {  	[sflag:s9] =	ssyncset.done $0x0  }
0x36: {  	[sflag:s9] =	ssyncadd.s32 $0xFFFFF800  }
0x37: {  	[bflag:$0x0] =	sbarrier.arrive $0xFFFF  }
0x38: {  	s6 =	rddreg [dreg:$0x12]  }
0x39: {  	s17 =	rddreg [dreg:$0xc]  }
0x3a: {  	s26 =	rddreg [dreg:$0x15];
	s5 =	sor.u32 $0x1C09, s6  }
0x3b: {  	[hbm:s17], [sflag:s5] =	dma.local [spmem:s26], $0x2800  }
0x3c: {  	_ =	swait.ge [sflag:s9], $0x2800  }
0x3d: {  	s17 =	rddreg [dreg:$0x14]  }
0x3e: {  	s26 =	rddreg [dreg:$0xd];
	s6 =	sadd.s32 $0x1, s17  }
0x3f: {  	p0 =	sne.s32 s6, s26  }
.Ltmp1:
0x40: {  	_ = 	snop;
	(pc) =	sbr.rel @!p0 .LBB2_5-.Ltmp1, $3  }
0x41: {  	_ =	sdelay $0x1  }
0x42: {  	[sflag:s9] =	ssyncset.done $0x0  }
0x43: {  	[sflag:s9] =	ssyncadd.s32 $0xFFFFD800  }
.LBB2_1:
0x44: {  	[dreg:$0x14] =	wrdreg s6  }
0x45: {  	s5 =	rddreg [dreg:$0x4]  }
0x46: {  	s17 =	rddreg [dreg:$0x5]  }
0x47: {  	s26 =	rddreg [dreg:$0x13];
	s9 =	sshrl.u32 s5, $0x3  }
0x48: {  	[dreg:$0x15] =	wrdreg s9  }
0x49: {  	[spmem:s9], [sflag:s26] =	dma.local [hbm:s17], $0x2800  }
0x4a: {  	s5 =	rddreg [dreg:$0x6]  }
0x4b: {  	[tilespmem:s4], [sflag:$0x1] =	stream.linear.gather [hbm4b:s5+s4], $0x80, $0x38;
	[tilespmem:$0x1CD00] =	vst v63  }
0x4c: {  	s6 =	rddreg [dreg:$0x7]  }
0x4d: {  	[tilespmem:s31], [sflag:$0x1] =	stream.linear.gather [hbm4b:s6+s4], $0x80, $0x38;
	[tilespmem:$0x1CD00] =	vst v63  }
0x4e: {  	_ =	swait.ge [sflag:s0], $0x80  }
0x4f: {  	[sflag:s0] =	ssyncset.done $0x0  }
0x50: {  	[sflag:s0] =	ssyncadd.s32 $0xFFFFFF80  }
0x51: {  	_ =	swait.ge [sflag:s0], $0x80  }
0x52: {  	[sflag:s0] =	ssyncset.done $0x0  }
0x53: {  	[sflag:s0] =	ssyncadd.s32 $0xFFFFFF80  }
0x54: {  	[tilespmem:s7], [sflag:$0x4] =	stream.indirect.gather [hbm4b:s2+s1], $0x80, s4, s1, $0xb8;
	[tilespmem:$0x1CD00] =	vst v63  }
0x55: {  	s9 =	rddreg [dreg:$0x8]  }
0x56: {  	[tilespmem:s1], [sflag:$0x2] =	stream.linear.gather [hbm4b:s9+s4], $0x80, $0x38;
	[tilespmem:$0x1CD00] =	vst v63  }
0x57: {  	s26 =	simm.s32 $0x8;
	s17 =	rddreg [dreg:$0x9]  }
0x58: {  	[tilespmem:s8], [sflag:$0x2] =	stream.linear.gather [hbm4b:s17+s4], $0x80, $0x38;
	[tilespmem:$0x1CD00] =	vst v63  }
0x59: {  	_ =	swait.ge [sflag:s26], $0x2800  }
0x5a: {  	[sflag:s26] =	ssyncset.done $0x0  }
0x5b: {  	[sflag:s26] =	ssyncadd.s32 $0xFFFFD800  }
0x5c: {  	[bflag:$0x0] =	sbarrier.arrive $0xFFFF  }
0x5d: {  	s9 =	simm.s32 $0x0;
	s26 =	rddreg [dreg:$0x10]  }
.LBB2_2:
0x5e: {  	_ =	swait.ge [sflag:s10], $0x80  }
0x5f: {  	[sflag:s10] =	ssyncset.done $0x0  }
0x60: {  	[sflag:s10] =	ssyncadd.s32 $0xFFFFFF80  }
0x61: {  	_ =	swait.ge [sflag:s10], $0x80  }
0x62: {  	p0 =	seq.s32 s9, $0x0;
	[sflag:s10] =	ssyncset.done $0x0  }
0x63: {  	s5 =	simm.s32 @!p0 $0x7;
	[sflag:s10] =	ssyncadd.s32 $0xFFFFFF80  }
0x64: {  	_ =	swait.ge @!p0 [sflag:s5], $0x4000  }
0x65: {  	[sflag:s5] =	ssyncset.done @!p0 $0x0  }
0x66: {  	[sflag:s5] =	ssyncadd.s32 @!p0 $0xFFFFC000  }
0x67: {  	[tilespmem:s11], [sflag:$0x5] =	stream.indirect.gather [hbm4b:s2+s1], $0x80, s1, s1, $0xb8;
	[tilespmem:$0x1CD00] =	vst v63  }
0x68: {  	_ =	swait.ge [sflag:s12], $0x4000  }
0x69: {  	[sflag:s12] =	ssyncset.done $0x0  }
0x6a: {  	[sflag:s12] =	ssyncadd.s32 $0xFFFFC000  }
0x6b: {  	[spmem:s3] =	stream.indirect.scatter.add.f32 [tilespmem:s7], [sflag:$0x6], $0x80, s31, s1, $0xb8;
	[tilespmem:$0x1CD00] =	vst v63  }
0x6c: {  	s6 =	sadd.s32 s9, s29  }
0x6d: {  	[tilespmem:s13], [sflag:$0x3] =	stream.linear.gather [hbm4b:s6+s4], $0x80, $0x38;
	[tilespmem:$0x1CD00] =	vst v63  }
0x6e: {  	s17 =	sadd.s32 s9, s28  }
0x6f: {  	[tilespmem:s14], [sflag:$0x3] =	stream.linear.gather [hbm4b:s17+s4], $0x80, $0x38;
	[tilespmem:$0x1CD00] =	vst v63  }
0x70: {  	_ =	swait.ge [sflag:s15], $0x80  }
0x71: {  	[sflag:s15] =	ssyncset.done $0x0  }
0x72: {  	[sflag:s15] =	ssyncadd.s32 $0xFFFFFF80  }
0x73: {  	_ =	swait.ge [sflag:s15], $0x80  }
0x74: {  	[sflag:s15] =	ssyncset.done $0x0  }
0x75: {  	[sflag:s15] =	ssyncadd.s32 $0xFFFFFF80  }
0x76: {  	_ =	swait.ge [sflag:s16], $0x4000  }
0x77: {  	[sflag:s16] =	ssyncset.done $0x0  }
0x78: {  	[sflag:s16] =	ssyncadd.s32 $0xFFFFC000  }
0x79: {  	[tilespmem:s7], [sflag:$0x4] =	stream.indirect.gather [hbm4b:s2+s1], $0x80, s13, s1, $0xb8;
	[tilespmem:$0x1CD00] =	vst v63  }
0x7a: {  	_ =	swait.ge [sflag:s19], $0x4000  }
0x7b: {  	[sflag:s19] =	ssyncset.done $0x0  }
0x7c: {  	[sflag:s19] =	ssyncadd.s32 $0xFFFFC000  }
0x7d: {  	[spmem:s3] =	stream.indirect.scatter.add.f32 [tilespmem:s11], [sflag:$0x7], $0x80, s8, s1, $0xb8;
	[tilespmem:$0x1CD00] =	vst v63  }
0x7e: {  	s6 =	sadd.s32 s9, s25  }
0x7f: {  	[tilespmem:s4], [sflag:$0x1] =	stream.linear.gather [hbm4b:s6+s4], $0x80, $0x38;
	[tilespmem:$0x1CD00] =	vst v63  }
0x80: {  	s17 =	sadd.s32 s9, s24  }
0x81: {  	[tilespmem:s31], [sflag:$0x1] =	stream.linear.gather [hbm4b:s17+s4], $0x80, $0x38;
	[tilespmem:$0x1CD00] =	vst v63  }
0x82: {  	_ =	swait.ge [sflag:s0], $0x80  }
0x83: {  	[sflag:s0] =	ssyncset.done $0x0  }
0x84: {  	[sflag:s0] =	ssyncadd.s32 $0xFFFFFF80  }
0x85: {  	_ =	swait.ge [sflag:s0], $0x80  }
0x86: {  	[sflag:s0] =	ssyncset.done $0x0  }
0x87: {  	[sflag:s0] =	ssyncadd.s32 $0xFFFFFF80  }
0x88: {  	_ =	swait.ge [sflag:s30], $0x4000  }
0x89: {  	[sflag:s30] =	ssyncset.done $0x0  }
0x8a: {  	[sflag:s30] =	ssyncadd.s32 $0xFFFFC000  }
0x8b: {  	[tilespmem:s11], [sflag:$0x5] =	stream.indirect.gather [hbm4b:s2+s1], $0x80, s4, s1, $0xb8;
	[tilespmem:$0x1CD00] =	vst v63  }
0x8c: {  	_ =	swait.ge [sflag:s12], $0x4000  }
0x8d: {  	[sflag:s12] =	ssyncset.done $0x0  }
0x8e: {  	[sflag:s12] =	ssyncadd.s32 $0xFFFFC000  }
0x8f: {  	[spmem:s3] =	stream.indirect.scatter.add.f32 [tilespmem:s7], [sflag:$0x6], $0x80, s14, s1, $0xb8;
	[tilespmem:$0x1CD00] =	vst v63  }
0x90: {  	s6 =	sadd.s32 s9, s23  }
0x91: {  	[tilespmem:s1], [sflag:$0x2] =	stream.linear.gather [hbm4b:s6+s4], $0x80, $0x38;
	[tilespmem:$0x1CD00] =	vst v63  }
0x92: {  	s17 =	sadd.s32 s9, s22  }
0x93: {  	[tilespmem:s8], [sflag:$0x2] =	stream.linear.gather [hbm4b:s17+s4], $0x80, $0x38;
	[tilespmem:$0x1CD00] =	vst v63  }
0x94: {  	_ =	swait.ge [sflag:s10], $0x80  }
0x95: {  	[sflag:s10] =	ssyncset.done $0x0  }
0x96: {  	[sflag:s10] =	ssyncadd.s32 $0xFFFFFF80  }
0x97: {  	_ =	swait.ge [sflag:s10], $0x80  }
0x98: {  	[sflag:s10] =	ssyncset.done $0x0  }
0x99: {  	[sflag:s10] =	ssyncadd.s32 $0xFFFFFF80  }
0x9a: {  	_ =	swait.ge [sflag:s16], $0x4000  }
0x9b: {  	[sflag:s16] =	ssyncset.done $0x0  }
0x9c: {  	[sflag:s16] =	ssyncadd.s32 $0xFFFFC000  }
0x9d: {  	[tilespmem:s7], [sflag:$0x4] =	stream.indirect.gather [hbm4b:s2+s1], $0x80, s1, s1, $0xb8;
	[tilespmem:$0x1CD00] =	vst v63  }
0x9e: {  	_ =	swait.ge [sflag:s19], $0x4000  }
0x9f: {  	[sflag:s19] =	ssyncset.done $0x0  }
0xa0: {  	[sflag:s19] =	ssyncadd.s32 $0xFFFFC000  }
0xa1: {  	[spmem:s3] =	stream.indirect.scatter.add.f32 [tilespmem:s11], [sflag:$0x7], $0x80, s31, s1, $0xb8;
	[tilespmem:$0x1CD00] =	vst v63  }
0xa2: {  	s6 =	sadd.s32 s9, s21;
	s17 =	rddreg [dreg:$0x11]  }
0xa3: {  	[tilespmem:s13], [sflag:$0x3] =	stream.linear.gather [hbm4b:s6+s4], $0x80, $0x38;
	[tilespmem:$0x1CD00] =	vst v63  }
0xa4: {  	s5 =	sadd.s32 s9, s17  }
0xa5: {  	[tilespmem:s14], [sflag:$0x3] =	stream.linear.gather [hbm4b:s5+s4], $0x80, $0x38;
	[tilespmem:$0x1CD00] =	vst v63  }
0xa6: {  	_ =	swait.ge [sflag:s15], $0x80  }
0xa7: {  	[sflag:s15] =	ssyncset.done $0x0  }
0xa8: {  	[sflag:s15] =	ssyncadd.s32 $0xFFFFFF80  }
0xa9: {  	_ =	swait.ge [sflag:s15], $0x80  }
0xaa: {  	[sflag:s15] =	ssyncset.done $0x0  }
0xab: {  	[sflag:s15] =	ssyncadd.s32 $0xFFFFFF80  }
0xac: {  	_ =	swait.ge [sflag:s30], $0x4000  }
0xad: {  	[sflag:s30] =	ssyncset.done $0x0  }
0xae: {  	[sflag:s30] =	ssyncadd.s32 $0xFFFFC000  }
0xaf: {  	[tilespmem:s11], [sflag:$0x5] =	stream.indirect.gather [hbm4b:s2+s1], $0x80, s13, s1, $0xb8;
	[tilespmem:$0x1CD00] =	vst v63  }
0xb0: {  	_ =	swait.ge [sflag:s12], $0x4000  }
0xb1: {  	p0 =	seq.s32 s9, $0x480;
	[sflag:s12] =	ssyncset.done $0x0  }
0xb2: {  	s5 =	simm.s32 @p0 $0x6;
	[sflag:s12] =	ssyncadd.s32 $0xFFFFC000  }
0xb3: {  	[spmem:s3] =	stream.indirect.scatter.add.f32 [tilespmem:s7], [sflag:$0x6], $0x80, s8, s1, $0xb8;
	[tilespmem:$0x1CD00] =	vst v63  }
0xb4: {  	_ =	swait.ge @p0 [sflag:s5], $0x4000  }
0xb5: {  	s6 =	sshrl.u32 @!p0 s26, $0x3;
	[sflag:s5] =	ssyncset.done @p0 $0x0  }
0xb6: {  	s17 =	simm.s32 @!p0 $0x0;
	[sflag:s5] =	ssyncadd.s32 @p0 $0xFFFFC000;
	s5 =	sadd.s32 @!p0 s18, s6  }
0xb7: {  	[tilespmem:s17], [sflag:$0x1] =	stream.linear.gather @!p0 [hbm4b:s5+s17], $0x80, $0x38;
	[tilespmem:$0x1CD00] =	vst v63  }
0xb8: {  	s5 =	sadd.s32 @!p0 s20, s6;
	s6 =	simm.s32 @!p0 $0x200  }
0xb9: {  	[tilespmem:s6], [sflag:$0x1] =	stream.linear.gather @!p0 [hbm4b:s5+s17], $0x80, $0x38;
	[tilespmem:$0x1CD00] =	vst v63  }
0xba: {  	s5 =	simm.s32 @!p0 $0x1  }
0xbb: {  	_ =	swait.ge @!p0 [sflag:s5], $0x80  }
0xbc: {  	[sflag:s5] =	ssyncset.done @!p0 $0x0  }
0xbd: {  	[sflag:s5] =	ssyncadd.s32 @!p0 $0xFFFFFF80  }
0xbe: {  	_ =	swait.ge @!p0 [sflag:s5], $0x80  }
0xbf: {  	[sflag:s5] =	ssyncset.done @!p0 $0x0  }
0xc0: {  	[sflag:s5] =	ssyncadd.s32 @!p0 $0xFFFFFF80;
	s5 =	simm.s32 @!p0 $0x6  }
0xc1: {  	_ =	swait.ge @!p0 [sflag:s5], $0x4000  }
0xc2: {  	[sflag:s5] =	ssyncset.done @!p0 $0x0  }
0xc3: {  	s6 =	simm.s32 @!p0 $0x400;
	[sflag:s5] =	ssyncadd.s32 @!p0 $0xFFFFC000;
	s5 =	simm.s32 @!p0 $0x80  }
0xc4: {  	[tilespmem:s6], [sflag:$0x4] =	stream.indirect.gather @!p0 [hbm4b:s2+s5], $0x80, s17, s5, $0xb8;
	[tilespmem:$0x1CD00] =	vst v63  }
.Ltmp2:
0xc5: {  	_ = 	snop;
	(pc) =	sbr.rel @p0 .LBB2_4-.Ltmp2, $4  }
0xc6: {  	_ =	swait.ge [sflag:s19], $0x4000  }
0xc7: {  	[sflag:s19] =	ssyncset.done $0x0  }
0xc8: {  	[sflag:s19] =	ssyncadd.s32 $0xFFFFC000  }
0xc9: {  	[spmem:s3] =	stream.indirect.scatter.add.f32 [tilespmem:s11], [sflag:$0x7], $0x80, s14, s1, $0xb8;
	[tilespmem:$0x1CD00] =	vst v63  }
.Ltmp3:
0xca: {  	s5 =	rddreg [dreg:$0xf];
	(pc) =	sbr.rel .LBB2_2-.Ltmp3, $4  }
0xcb: {  	s17 =	rddreg [dreg:$0xe];
	s5 =	sadd.s32 s9, s5  }
0xcc: {  	[tilespmem:s1], [sflag:$0x2] =	stream.linear.gather [hbm4b:s5+s4], $0x80, $0x38;
	[tilespmem:$0x1CD00] =	vst v63  }
0xcd: {  	s26 =	sadd.s32 $0x300, s26;
	s5 =	sadd.s32 s9, s17;
	s9 =	sadd.s32 $0x60, s9  }
0xce: {  	[tilespmem:s8], [sflag:$0x2] =	stream.linear.gather [hbm4b:s5+s4], $0x80, $0x38;
	[tilespmem:$0x1CD00] =	vst v63  }
.LBB2_5:
0xcf: {  	_ =	sfence.sel $0x180000  }
0xd0: {  	[bflag:$0x0] =	sbarrier.arrive $0xFFFF  }
0xd1: {  	_ =	strace $0x9000004A  }
0xd2: {  	s0 =	stileid.u32;
	[bflag:$0x2] =	sbarrier.arrive $0xFFFF  }
0xd3: {  	p0 =	sne.s32 s0, $0x0;
	s0 =	rddreg [dreg:$0x3]  }
0xd4: {  	s0 =	sadd.s32 @!p0 $0x100000, s0  }
0xd5: {  	[sflag:s0] =	ssyncadd.tile.s32 @!p0 $0x1;
	_ =	shalt  }
.Lfunc_end2:
_tile_overlayer_lowered:
.L_overlay_start_2:
0xd6: {  	(tag) =	ssettag $0x2  }
0xd7: {  	s0 =	rddreg [dreg:$0x0];
	s2 =	stileid.u32  }
0xd8: {  	s1 =	rddreg [dreg:$0x1];
	p0 =	sne.s32 s2, $0x0  }
0xd9: {  	s3 =	rddreg [dreg:$0x2];
	[bflag:$0x3] =	sbarrier.arrive $0xFFFF;
	s2 =	simm.s32 @!p0 $0x1C09  }
0xda: {  	[timem:s3], [sflag:s2] =	dma.local @!p0 [hbm:s0], s1  }
0xdb: {  	s0 =	simm.s32 @!p0 $0x9  }
0xdc: {  	_ =	swait.ge @!p0 [sflag:s0], s1  }
0xdd: {  	s1 =	ssub.s32 @!p0 $0x0, s1;
	[sflag:s0] =	ssyncset.done @!p0 $0x0  }
0xde: {  	[sflag:s0] =	ssyncadd.s32 @!p0 s1  }
0xdf: {  	[bflag:$0x3] =	sbarrier.arrive $0xFFFF  }
0xe0: {  	_ =	shalt  }

</sc_bundles>
